<compile_context>
chip_gen: v7x
topology: tpu7x:2x2x1
jax: 0.10.2.dev20260603
libtpu: 0.0.44.dev20260713+nightly
codegen_flags: <defaults>
</compile_context>

<pallas_src>
import functools

import jax
import jax.numpy as jnp
from jax import lax
from jax.experimental import pallas as pl
from jax.experimental.pallas import tpu as pltpu
from jax.experimental.pallas import tpu_sc as plsc

N = 10000
E = 320000
H = 128

NC = 2
NS = 16
NT = NC * NS
CH = 128
NCHUNK = 80
NPHASE = 2
PCH = NCHUNK // NPHASE
ET = CH * NCHUNK
EP = NT * ET
NPAD = N + 8
ZR = 624
ZTAIL = N - NS * ZR

_mesh = plsc.VectorSubcoreMesh(
    core_axis_name="c", subcore_axis_name="s", num_cores=NC, num_subcores=NS
)


def _make_segsum(two_tables):
    nchunk = NCHUNK * NC if two_tables else NCHUNK
    nphase = NPHASE * NC if two_tables else NPHASE

    @functools.partial(
        pl.kernel,
        out_type=jax.ShapeDtypeStruct((NC, N, H), jnp.float32),
        mesh=_mesh,
        scratch_types=[
            pltpu.VMEM((PCH, CH), jnp.int32),
            pltpu.VMEM((PCH, CH), jnp.int32),
            pltpu.VMEM((CH, H), jnp.float32),
            pltpu.VMEM((CH, H), jnp.float32),
            pltpu.VMEM_SHARED((NPAD, H), jnp.float32),
            pltpu.SemaphoreType.DMA,
            pltpu.SemaphoreType.DMA,
            pltpu.SemaphoreType.DMA,
            pltpu.SemaphoreType.DMA,
        ],
    )
    def segsum(tabs, src2d, dst2d, zeros, out,
               src_all, dst_all, rows0, rows1, acc, sg0, sg1, ss0, ss1):
        cid = lax.axis_index("c")
        sid = lax.axis_index("s")
        rows_v = (rows0, rows1)
        sem_g = (sg0, sg1)
        sem_s = (ss0, ss1)
        if two_tables:
            tab = tabs.at[cid]
            cb = sid * nchunk
        else:
            tab = tabs
            cb = (cid * NS + sid) * nchunk

        r0 = pl.multiple_of(sid * ZR, 8)
        pltpu.async_copy(zeros.at[pl.ds(0, ZR)], acc.at[pl.ds(r0, ZR)],
                         sem_s[0])

        @pl.when(sid == 0)
        def _():
            pltpu.async_copy(zeros.at[pl.ds(0, NPAD - NS * ZR)],
                             acc.at[pl.ds(NS * ZR, NPAD - NS * ZR)], sem_s[1])

        for phase in range(nphase):
            ib = pl.multiple_of(cb + phase * PCH, 8)
            pltpu.sync_copy(src2d.at[pl.ds(ib, PCH)], src_all)
            pltpu.sync_copy(dst2d.at[pl.ds(ib, PCH)], dst_all)

            pltpu.async_copy(tab.at[src_all.at[0]], rows_v[0], sem_g[0])

            if phase == 0:
                pltpu.make_async_copy(
                    zeros.at[pl.ds(0, ZR)], acc.at[pl.ds(r0, ZR)],
                    sem_s[0]).wait()

                @pl.when(sid == 0)
                def _():
                    pltpu.make_async_copy(
                        zeros.at[pl.ds(0, NPAD - NS * ZR)],
                        acc.at[pl.ds(NS * ZR, NPAD - NS * ZR)],
                        sem_s[1]).wait()

                plsc.subcore_barrier()

            def pair(j2, carry):
                for b in (0, 1):
                    j = j2 * 2 + b
                    nb = 1 - b

                    @pl.when(j >= 1)
                    def _():
                        pltpu.make_async_copy(
                            rows_v[nb], acc.at[dst_all.at[j - 1]],
                            sem_s[nb]).wait()

                    @pl.when(j + 1 < PCH)
                    def _():
                        pltpu.async_copy(
                            tab.at[src_all.at[j + 1]], rows_v[nb], sem_g[nb])

                    pltpu.make_async_copy(
                        tab.at[src_all.at[j]], rows_v[b], sem_g[b]).wait()
                    pltpu.async_copy(rows_v[b], acc.at[dst_all.at[j]],
                                     sem_s[b], add=True)
                return carry

            lax.fori_loop(0, PCH // 2, pair, 0)
            pltpu.make_async_copy(
                rows_v[1], acc.at[dst_all.at[PCH - 1]], sem_s[1]).wait()
        plsc.subcore_barrier()
        pltpu.sync_copy(acc.at[pl.ds(r0, ZR)], out.at[cid, pl.ds(r0, ZR)])

        @pl.when(sid == 0)
        def _():
            pltpu.sync_copy(acc.at[pl.ds(NS * ZR, ZTAIL)],
                            out.at[cid, pl.ds(NS * ZR, ZTAIL)])

    return segsum


_segsum = _make_segsum(False)
_segsum2 = _make_segsum(True)


BN = 5000


def _mlp(z, W1, b1, W2, b2):
    t = jnp.maximum(
        jnp.dot(z, W1, preferred_element_type=jnp.float32) + b1, 0.0
    )
    return jnp.dot(t, W2, preferred_element_type=jnp.float32) + b2


def _tc1_body(x_ref, a_ref, W10, b10, W20, b20, W11, b11, W21, b21,
              W12, b12, W22, b22, out1_ref, h23_ref):
    z = x_ref[...] + a_ref[0] + a_ref[1]
    out1_ref[...] = _mlp(z, W10[...], b10[...], W20[...], b20[...])
    h23_ref[0] = _mlp(z, W11[...], b11[...], W21[...], b21[...])
    h23_ref[1] = _mlp(z, W12[...], b12[...], W22[...], b22[...])


def _tc2_body(h23_ref, a23_ref, W11, b11, W21, b21,
              W12, b12, W22, b22, out2_ref, h3b_ref):
    z2 = h23_ref[0] + a23_ref[0]
    out2_ref[...] = _mlp(z2, W11[...], b11[...], W21[...], b21[...])
    z3 = h23_ref[1] + a23_ref[1]
    h3b_ref[...] = _mlp(z3, W12[...], b12[...], W22[...], b22[...])


def _tc3_body(h3b_ref, a4_ref, out1_ref, out2_ref, W12, b12, W22, b22,
              Wp_ref, bp_ref, y_ref):
    z = h3b_ref[...] + a4_ref[0] + a4_ref[1]
    out3 = _mlp(z, W12[...], b12[...], W22[...], b22[...])
    Wp = Wp_ref[...]
    y = jnp.dot(out1_ref[...], Wp[0:H], preferred_element_type=jnp.float32)
    y += jnp.dot(out2_ref[...], Wp[H:2 * H], preferred_element_type=jnp.float32)
    y += jnp.dot(out3, Wp[2 * H:3 * H], preferred_element_type=jnp.float32)
    y_ref[...] = y + bp_ref[...]


_row_spec = pl.BlockSpec((BN, H), lambda i: (i, 0))
_agg_spec = pl.BlockSpec((NC, BN, H), lambda i: (0, i, 0))
_w_spec = pl.BlockSpec((H, H), lambda i: (0, 0))
_b_spec = pl.BlockSpec((1, H), lambda i: (0, 0))
_out_nh = jax.ShapeDtypeStruct((N, H), jnp.float32)
_grid = (N // BN,)
_tc_params = pltpu.CompilerParams(dimension_semantics=("arbitrary",))

_tc1 = pl.pallas_call(
    _tc1_body,
    grid=_grid,
    in_specs=[_row_spec, _agg_spec] + [_w_spec, _b_spec] * 6,
    out_specs=[_row_spec, _agg_spec],
    out_shape=[_out_nh, jax.ShapeDtypeStruct((NC, N, H), jnp.float32)],
    compiler_params=_tc_params,
)

_tc2 = pl.pallas_call(
    _tc2_body,
    grid=_grid,
    in_specs=[_agg_spec, _agg_spec] + [_w_spec, _b_spec] * 4,
    out_specs=[_row_spec] * 2,
    out_shape=[_out_nh] * 2,
    compiler_params=_tc_params,
)

_tc3 = pl.pallas_call(
    _tc3_body,
    grid=_grid,
    in_specs=[_row_spec, _agg_spec, _row_spec, _row_spec]
    + [_w_spec, _b_spec] * 2
    + [pl.BlockSpec((3 * H, H), lambda i: (0, 0)), _b_spec],
    out_specs=_row_spec,
    out_shape=_out_nh,
    compiler_params=_tc_params,
)


def kernel(x, edge_index, W1_0, b1_0, W2_0, b2_0, W1_1, b1_1, W2_1, b2_1,
           W1_2, b1_2, W2_2, b2_2, Wp, bp):
    pad = EP - E
    src = jnp.concatenate(
        [edge_index[0], jnp.arange(pad, dtype=edge_index.dtype) % N]
    ).reshape(EP // CH, CH)
    dst = jnp.concatenate(
        [edge_index[1],
         N + (jnp.arange(pad, dtype=edge_index.dtype) % 8)]
    ).reshape(EP // CH, CH)
    zeros = jnp.zeros((ZR, H), jnp.float32)
    b1_0r, b2_0r = b1_0.reshape(1, H), b2_0.reshape(1, H)
    b1_1r, b2_1r = b1_1.reshape(1, H), b2_1.reshape(1, H)
    b1_2r, b2_2r = b1_2.reshape(1, H), b2_2.reshape(1, H)
    bpr = bp.reshape(1, H)

    agg0 = _segsum(x, src, dst, zeros)
    out1, h23 = _tc1(x, agg0, W1_0, b1_0r, W2_0, b2_0r,
                     W1_1, b1_1r, W2_1, b2_1r, W1_2, b1_2r, W2_2, b2_2r)
    agg23 = _segsum2(h23, src, dst, zeros)
    out2, h3b = _tc2(h23, agg23,
                     W1_1, b1_1r, W2_1, b2_1r, W1_2, b1_2r, W2_2, b2_2r)
    agg3b = _segsum(h3b, src, dst, zeros)
    y = _tc3(h3b, agg3b, out1, out2, W1_2, b1_2r, W2_2, b2_2r, Wp, bpr)
    return y

# --- scband reference (transcript-rebuilt; emitter-appended) ---
"""Pipeline reference for scband-mix-hop-conv-20469814133013 (READ-ONLY COPY).

The authoritative reference and input builder live on the scoring server;
editing this copy changes nothing except your own understanding.
"""

import jax, jax.numpy as jnp
import numpy as np

N = 10000
E = 320000
H = 128


def _lin_init(key, fan_in, fan_out):
    k1, k2 = jax.random.split(key)
    bound = 1.0 / np.sqrt(fan_in)
    W = jax.random.uniform(k1, (fan_in, fan_out), jnp.float32, -bound, bound)
    b = jax.random.uniform(k2, (fan_out,), jnp.float32, -bound, bound)
    return W, b


def setup_inputs(seed: int = 0):
    key = jax.random.key(seed)
    keys = jax.random.split(key, 10)
    x = jax.random.normal(keys[0], (N, H), jnp.float32)
    edge_index = jax.random.randint(keys[1], (2, E), 0, N)
    inp = {"x": x, "edge_index": edge_index}
    for i in range(3):
        W1, b1 = _lin_init(keys[2 + 2 * i], H, H)
        W2, b2 = _lin_init(keys[3 + 2 * i], H, H)
        inp["W1_%d" % i] = W1
        inp["b1_%d" % i] = b1
        inp["W2_%d" % i] = W2
        inp["b2_%d" % i] = b2
    Wp, bp = _lin_init(keys[8], 3 * H, H)
    inp["Wp"] = Wp
    inp["bp"] = bp
    return inp


def _gin(h, src, dst, W1, b1, W2, b2):
    # GINConv with eps=0: nn((1+eps)*x + sum_{j in N(i)} x_j)
    agg = jax.ops.segment_sum(h[src], dst, num_segments=h.shape[0])
    z = h + agg
    z = jnp.maximum(z @ W1 + b1, 0.0)
    return z @ W2 + b2


def reference(x, edge_index, W1_0, b1_0, W2_0, b2_0, W1_1, b1_1, W2_1, b2_1, W1_2, b1_2, W2_2, b2_2, Wp, bp):
    src = edge_index[0]
    dst = edge_index[1]
    params = [(W1_0, b1_0, W2_0, b2_0), (W1_1, b1_1, W2_1, b2_1), (W1_2, b1_2, W2_2, b2_2)]
    outs = []
    for hop, (W1, b1, W2, b2) in zip((1, 2, 3), params):
        h = x
        for _ in range(hop):
            h = _gin(h, src, dst, W1, b1, W2, b2)
        outs.append(h)
    cat = jnp.concatenate(outs, axis=-1)
    return cat @ Wp + bp

if __name__ == "__main__":
    import jax
    _d = setup_inputs()
    print(jax.jit(kernel)(*tuple(_d.values())))

</pallas_src>

<mosaic_0001>
#map = affine_map<(d0, d1) -> (0, 0)>
#map1 = affine_map<(d0, d1) -> (0, 0, 0)>
module attributes {stable_mosaic.version = 14 : i64} {
  func.func @segsum(%arg0: i32, %arg1: i32, %arg2: memref<10000x128xf32, #tpu.memory_space<hbm>>, %arg3: memref<2560x128xi32, #tpu.memory_space<hbm>>, %arg4: memref<2560x128xi32, #tpu.memory_space<hbm>>, %arg5: memref<624x128xf32, #tpu.memory_space<hbm>>, %arg6: memref<2x10000x128xf32, #tpu.memory_space<hbm>>, %arg7: memref<40x128xi32, #tpu.memory_space<vmem>>, %arg8: memref<40x128xi32, #tpu.memory_space<vmem>>, %arg9: memref<128x128xf32, #tpu.memory_space<vmem>>, %arg10: memref<128x128xf32, #tpu.memory_space<vmem>>, %arg11: memref<10008x128xf32, #tpu.memory_space<vmem_shared>>, %arg12: memref<!tpu.dma_semaphore, #tpu.memory_space<semaphore_mem>>, %arg13: memref<!tpu.dma_semaphore, #tpu.memory_space<semaphore_mem>>, %arg14: memref<!tpu.dma_semaphore, #tpu.memory_space<semaphore_mem>>, %arg15: memref<!tpu.dma_semaphore, #tpu.memory_space<semaphore_mem>>) attributes {dimension_semantics = [#tpu.dimension_semantics<core_parallel>, #tpu.dimension_semantics<subcore_parallel>], iteration_bounds = array<i64: 2, 16>, scalar_prefetch = 0 : i64, scratch_operands = 9 : i64, tpu.core_type = #tpu.core_type<sc_vector_subcore>, window_params = [{transform_indices = #map}, {transform_indices = #map}, {transform_indices = #map}, {transform_indices = #map}, {transform_indices = #map1}]} {
    %mul3A = arith.constant 16 : i32
    %mul3A_0 = arith.muli %arg0, %mul3A : i32
    %add3A = arith.addi %mul3A_0, %arg1 : i32
    %mul3A_1 = arith.constant 80 : i32
    %mul3A_2 = arith.muli %add3A, %mul3A_1 : i32
    %mul3A_3 = arith.constant 624 : i32
    %mul3A_4 = arith.muli %arg1, %mul3A_3 : i32
    %multiple_of3A = tpu.assume_multiple %mul3A_4, 8 : i32
    %dma_start3A = arith.constant 0 : i32
    %dma_start3A_5 = tpu.memref_slice %arg11[%multiple_of3A, %dma_start3A] : memref<10008x128xf32, #tpu.memory_space<vmem_shared>> -> memref<624x128xf32, #tpu.memory_space<vmem_shared>>
    %dma_start3A_6 = arith.constant 0 : i32
    %dma_start3A_7 = arith.constant 0 : i32
    %dma_start3A_8 = tpu.memref_slice %arg5[%dma_start3A_6, %dma_start3A_7] : memref<624x128xf32, #tpu.memory_space<hbm>> -> memref<624x128xf32, #tpu.memory_space<hbm>>
    tpu.enqueue_dma source(%dma_start3A_8 : memref<624x128xf32, #tpu.memory_space<hbm>>) target(%dma_start3A_5 : memref<624x128xf32, #tpu.memory_space<vmem_shared>>) target_semaphore(%arg14 : memref<!tpu.dma_semaphore, #tpu.memory_space<semaphore_mem>>)
    %eq3A = arith.constant 0 : i32
    %eq3A_9 = arith.cmpi eq, %arg1, %eq3A : i32
    %convert_element_type3A = arith.extui %eq3A_9 : i1 to i32
    %cond3A = arith.constant 0 : i32
    %cond3A_10 = arith.cmpi ne, %convert_element_type3A, %cond3A : i32
    scf.if %cond3A_10 {
      %dma_start3A_71 = arith.constant 9984 : i32
      %dma_start3A_72 = arith.constant 0 : i32
      %dma_start3A_73 = tpu.memref_slice %arg11[%dma_start3A_71, %dma_start3A_72] : memref<10008x128xf32, #tpu.memory_space<vmem_shared>> -> memref<24x128xf32, #tpu.memory_space<vmem_shared>>
      %dma_start3A_74 = arith.constant 0 : i32
      %dma_start3A_75 = arith.constant 0 : i32
      %dma_start3A_76 = tpu.memref_slice %arg5[%dma_start3A_74, %dma_start3A_75] : memref<624x128xf32, #tpu.memory_space<hbm>> -> memref<24x128xf32, #tpu.memory_space<hbm>>
      tpu.enqueue_dma source(%dma_start3A_76 : memref<24x128xf32, #tpu.memory_space<hbm>>) target(%dma_start3A_73 : memref<24x128xf32, #tpu.memory_space<vmem_shared>>) target_semaphore(%arg15 : memref<!tpu.dma_semaphore, #tpu.memory_space<semaphore_mem>>)
    } else {
    }
    %add3A_11 = arith.constant 0 : i32
    %add3A_12 = arith.addi %mul3A_2, %add3A_11 : i32
    %multiple_of3A_13 = tpu.assume_multiple %add3A_12, 8 : i32
    "tpu.region"() ({
      %run_scoped3A = tpu.sem_alloc : memref<!tpu.dma_semaphore, #tpu.memory_space<semaphore_mem>>
      %dma_start3A_71 = arith.constant 0 : i32
      %dma_start3A_72 = tpu.memref_slice %arg3[%multiple_of3A_13, %dma_start3A_71] : memref<2560x128xi32, #tpu.memory_space<hbm>> -> memref<40x128xi32, #tpu.memory_space<hbm>>
      %dma_start3A_73 = arith.constant 0 : i32
      %dma_start3A_74 = tpu.memref_slice %arg3[%multiple_of3A_13, %dma_start3A_73] : memref<2560x128xi32, #tpu.memory_space<hbm>> -> memref<40x128xi32, #tpu.memory_space<hbm>>
      tpu.enqueue_dma source(%dma_start3A_74 : memref<40x128xi32, #tpu.memory_space<hbm>>) target(%arg7 : memref<40x128xi32, #tpu.memory_space<vmem>>) target_semaphore(%run_scoped3A : memref<!tpu.dma_semaphore, #tpu.memory_space<semaphore_mem>>)
      %dma_wait3A_75 = arith.constant 0 : i32
      %dma_wait3A_76 = tpu.memref_slice %arg3[%multiple_of3A_13, %dma_wait3A_75] : memref<2560x128xi32, #tpu.memory_space<hbm>> -> memref<40x128xi32, #tpu.memory_space<hbm>>
      %dma_wait3A_77 = arith.constant 0 : i32
      %dma_wait3A_78 = tpu.memref_slice %arg3[%multiple_of3A_13, %dma_wait3A_77] : memref<2560x128xi32, #tpu.memory_space<hbm>> -> memref<40x128xi32, #tpu.memory_space<hbm>>
      tpu.wait_dma2 semaphore(%run_scoped3A : memref<!tpu.dma_semaphore, #tpu.memory_space<semaphore_mem>>) src(%dma_wait3A_78 : memref<40x128xi32, #tpu.memory_space<hbm>>) dst(%arg7 : memref<40x128xi32, #tpu.memory_space<vmem>>)
      tpu.yield
    }) : () -> ()
    "tpu.region"() ({
      %run_scoped3A = tpu.sem_alloc : memref<!tpu.dma_semaphore, #tpu.memory_space<semaphore_mem>>
      %dma_start3A_71 = arith.constant 0 : i32
      %dma_start3A_72 = tpu.memref_slice %arg4[%multiple_of3A_13, %dma_start3A_71] : memref<2560x128xi32, #tpu.memory_space<hbm>> -> memref<40x128xi32, #tpu.memory_space<hbm>>
      %dma_start3A_73 = arith.constant 0 : i32
      %dma_start3A_74 = tpu.memref_slice %arg4[%multiple_of3A_13, %dma_start3A_73] : memref<2560x128xi32, #tpu.memory_space<hbm>> -> memref<40x128xi32, #tpu.memory_space<hbm>>
      tpu.enqueue_dma source(%dma_start3A_74 : memref<40x128xi32, #tpu.memory_space<hbm>>) target(%arg8 : memref<40x128xi32, #tpu.memory_space<vmem>>) target_semaphore(%run_scoped3A : memref<!tpu.dma_semaphore, #tpu.memory_space<semaphore_mem>>)
      %dma_wait3A_75 = arith.constant 0 : i32
      %dma_wait3A_76 = tpu.memref_slice %arg4[%multiple_of3A_13, %dma_wait3A_75] : memref<2560x128xi32, #tpu.memory_space<hbm>> -> memref<40x128xi32, #tpu.memory_space<hbm>>
      %dma_wait3A_77 = arith.constant 0 : i32
      %dma_wait3A_78 = tpu.memref_slice %arg4[%multiple_of3A_13, %dma_wait3A_77] : memref<2560x128xi32, #tpu.memory_space<hbm>> -> memref<40x128xi32, #tpu.memory_space<hbm>>
      tpu.wait_dma2 semaphore(%run_scoped3A : memref<!tpu.dma_semaphore, #tpu.memory_space<semaphore_mem>>) src(%dma_wait3A_78 : memref<40x128xi32, #tpu.memory_space<hbm>>) dst(%arg8 : memref<40x128xi32, #tpu.memory_space<vmem>>)
      tpu.yield
    }) : () -> ()
    %dma_start3A_14 = arith.constant 0 : i32
    %dma_start3A_15 = arith.constant 0 : i32
    %dma_start3A_16 = tpu.memref_slice %arg7[%dma_start3A_14, %dma_start3A_15] : memref<40x128xi32, #tpu.memory_space<vmem>> -> memref<1x128xi32, #tpu.memory_space<vmem>>
    %dma_start3A_17 = tpu.memref_squeeze %dma_start3A_16 : memref<1x128xi32, #tpu.memory_space<vmem>> -> memref<128xi32, #tpu.memory_space<vmem>>
    %dma_start3A_18 = arith.constant 0 : i32
    %dma_start3A_19 = arith.constant 0 : i32
    %dma_start3A_20 = tpu.memref_slice %arg2[%dma_start3A_18, %dma_start3A_19] : memref<10000x128xf32, #tpu.memory_space<hbm>> -> memref<10000x128xf32, #tpu.memory_space<hbm>>
    tpu.enqueue_indirect_dma source(%dma_start3A_20 : memref<10000x128xf32, #tpu.memory_space<hbm>>) target(%arg9 : memref<128x128xf32, #tpu.memory_space<vmem>>) offsets(%dma_start3A_17 : memref<128xi32, #tpu.memory_space<vmem>>) semaphore(%arg12 : memref<!tpu.dma_semaphore, #tpu.memory_space<semaphore_mem>>)
    %dma_wait3A = arith.constant 0 : i32
    %dma_wait3A_21 = tpu.memref_slice %arg11[%multiple_of3A, %dma_wait3A] : memref<10008x128xf32, #tpu.memory_space<vmem_shared>> -> memref<624x128xf32, #tpu.memory_space<vmem_shared>>
    %dma_wait3A_22 = arith.constant 0 : i32
    %dma_wait3A_23 = arith.constant 0 : i32
    %dma_wait3A_24 = tpu.memref_slice %arg5[%dma_wait3A_22, %dma_wait3A_23] : memref<624x128xf32, #tpu.memory_space<hbm>> -> memref<624x128xf32, #tpu.memory_space<hbm>>
    tpu.wait_dma2 semaphore(%arg14 : memref<!tpu.dma_semaphore, #tpu.memory_space<semaphore_mem>>) src(%dma_wait3A_24 : memref<624x128xf32, #tpu.memory_space<hbm>>) dst(%dma_wait3A_21 : memref<624x128xf32, #tpu.memory_space<vmem_shared>>)
    %eq3A_25 = arith.constant 0 : i32
    %eq3A_26 = arith.cmpi eq, %arg1, %eq3A_25 : i32
    %convert_element_type3A_27 = arith.extui %eq3A_26 : i1 to i32
    %cond3A_28 = arith.constant 0 : i32
    %cond3A_29 = arith.cmpi ne, %convert_element_type3A_27, %cond3A_28 : i32
    scf.if %cond3A_29 {
      %dma_wait3A_71 = arith.constant 9984 : i32
      %dma_wait3A_72 = arith.constant 0 : i32
      %dma_wait3A_73 = tpu.memref_slice %arg11[%dma_wait3A_71, %dma_wait3A_72] : memref<10008x128xf32, #tpu.memory_space<vmem_shared>> -> memref<24x128xf32, #tpu.memory_space<vmem_shared>>
      %dma_wait3A_74 = arith.constant 0 : i32
      %dma_wait3A_75 = arith.constant 0 : i32
      %dma_wait3A_76 = tpu.memref_slice %arg5[%dma_wait3A_74, %dma_wait3A_75] : memref<624x128xf32, #tpu.memory_space<hbm>> -> memref<24x128xf32, #tpu.memory_space<hbm>>
      tpu.wait_dma2 semaphore(%arg15 : memref<!tpu.dma_semaphore, #tpu.memory_space<semaphore_mem>>) src(%dma_wait3A_76 : memref<24x128xf32, #tpu.memory_space<hbm>>) dst(%dma_wait3A_73 : memref<24x128xf32, #tpu.memory_space<vmem_shared>>)
    } else {
    }
    %barrier3A = arith.constant 0 : index
    tpu.barrier barrier_id(%barrier3A)
    %scan3A = arith.constant 0 : i32
    %scan3A_30 = arith.constant 0 : i32
    %scan3A_31 = arith.constant 20 : i32
    %scan3A_32 = arith.addi %scan3A_30, %scan3A_31 : i32
    %scan3A_33 = arith.constant 1 : i32
    scf.for %scan3A_71 = %scan3A_30 to %scan3A_32 step %scan3A_33  : i32 {
      %mul3A_72 = arith.constant 2 : i32
      %mul3A_73 = arith.muli %scan3A_71, %mul3A_72 : i32
      %add3A_74 = arith.constant 0 : i32
      %add3A_75 = arith.addi %mul3A_73, %add3A_74 : i32
      %ge3A = arith.constant 1 : i32
      %ge3A_76 = arith.cmpi sge, %add3A_75, %ge3A : i32
      %convert_element_type3A_77 = arith.extui %ge3A_76 : i1 to i32
      %cond3A_78 = arith.constant 0 : i32
      %cond3A_79 = arith.cmpi ne, %convert_element_type3A_77, %cond3A_78 : i32
      scf.if %cond3A_79 {
        %sub3A = arith.constant 1 : i32
        %sub3A_126 = arith.subi %add3A_75, %sub3A : i32
        %dma_wait3A_127 = arith.constant 0 : i32
        %dma_wait3A_128 = tpu.memref_slice %arg8[%sub3A_126, %dma_wait3A_127] : memref<40x128xi32, #tpu.memory_space<vmem>> -> memref<1x128xi32, #tpu.memory_space<vmem>>
        %dma_wait3A_129 = tpu.memref_squeeze %dma_wait3A_128 : memref<1x128xi32, #tpu.memory_space<vmem>> -> memref<128xi32, #tpu.memory_space<vmem>>
        %dma_wait3A_130 = arith.constant 0 : i32
        %dma_wait3A_131 = arith.constant 0 : i32
        %dma_wait3A_132 = tpu.memref_slice %arg11[%dma_wait3A_130, %dma_wait3A_131] : memref<10008x128xf32, #tpu.memory_space<vmem_shared>> -> memref<10008x128xf32, #tpu.memory_space<vmem_shared>>
        tpu.wait_indirect_dma semaphore(%arg15 : memref<!tpu.dma_semaphore, #tpu.memory_space<semaphore_mem>>) src(%arg10 : memref<128x128xf32, #tpu.memory_space<vmem>>) dst(%dma_wait3A_132 : memref<10008x128xf32, #tpu.memory_space<vmem_shared>>)
      } else {
      }
      %add3A_80 = arith.constant 1 : i32
      %add3A_81 = arith.addi %add3A_75, %add3A_80 : i32
      %lt3A = arith.constant 40 : i32
      %lt3A_82 = arith.cmpi slt, %add3A_81, %lt3A : i32
      %convert_element_type3A_83 = arith.extui %lt3A_82 : i1 to i32
      %cond3A_84 = arith.constant 0 : i32
      %cond3A_85 = arith.cmpi ne, %convert_element_type3A_83, %cond3A_84 : i32
      scf.if %cond3A_85 {
        %add3A_126 = arith.constant 1 : i32
        %add3A_127 = arith.addi %add3A_75, %add3A_126 : i32
        %dma_start3A_128 = arith.constant 0 : i32
        %dma_start3A_129 = tpu.memref_slice %arg7[%add3A_127, %dma_start3A_128] : memref<40x128xi32, #tpu.memory_space<vmem>> -> memref<1x128xi32, #tpu.memory_space<vmem>>
        %dma_start3A_130 = tpu.memref_squeeze %dma_start3A_129 : memref<1x128xi32, #tpu.memory_space<vmem>> -> memref<128xi32, #tpu.memory_space<vmem>>
        %dma_start3A_131 = arith.constant 0 : i32
        %dma_start3A_132 = arith.constant 0 : i32
        %dma_start3A_133 = tpu.memref_slice %arg2[%dma_start3A_131, %dma_start3A_132] : memref<10000x128xf32, #tpu.memory_space<hbm>> -> memref<10000x128xf32, #tpu.memory_space<hbm>>
        tpu.enqueue_indirect_dma source(%dma_start3A_133 : memref<10000x128xf32, #tpu.memory_space<hbm>>) target(%arg10 : memref<128x128xf32, #tpu.memory_space<vmem>>) offsets(%dma_start3A_130 : memref<128xi32, #tpu.memory_space<vmem>>) semaphore(%arg13 : memref<!tpu.dma_semaphore, #tpu.memory_space<semaphore_mem>>)
      } else {
      }
      %dma_wait3A_86 = arith.constant 0 : i32
      %dma_wait3A_87 = tpu.memref_slice %arg7[%add3A_75, %dma_wait3A_86] : memref<40x128xi32, #tpu.memory_space<vmem>> -> memref<1x128xi32, #tpu.memory_space<vmem>>
      %dma_wait3A_88 = tpu.memref_squeeze %dma_wait3A_87 : memref<1x128xi32, #tpu.memory_space<vmem>> -> memref<128xi32, #tpu.memory_space<vmem>>
      %dma_wait3A_89 = arith.constant 0 : i32
      %dma_wait3A_90 = arith.constant 0 : i32
      %dma_wait3A_91 = tpu.memref_slice %arg2[%dma_wait3A_89, %dma_wait3A_90] : memref<10000x128xf32, #tpu.memory_space<hbm>> -> memref<10000x128xf32, #tpu.memory_space<hbm>>
      tpu.wait_indirect_dma semaphore(%arg12 : memref<!tpu.dma_semaphore, #tpu.memory_space<semaphore_mem>>) src(%dma_wait3A_91 : memref<10000x128xf32, #tpu.memory_space<hbm>>) dst(%arg9 : memref<128x128xf32, #tpu.memory_space<vmem>>)
      %dma_start3A_92 = arith.constant 0 : i32
      %dma_start3A_93 = tpu.memref_slice %arg8[%add3A_75, %dma_start3A_92] : memref<40x128xi32, #tpu.memory_space<vmem>> -> memref<1x128xi32, #tpu.memory_space<vmem>>
      %dma_start3A_94 = tpu.memref_squeeze %dma_start3A_93 : memref<1x128xi32, #tpu.memory_space<vmem>> -> memref<128xi32, #tpu.memory_space<vmem>>
      %dma_start3A_95 = arith.constant 0 : i32
      %dma_start3A_96 = arith.constant 0 : i32
      %dma_start3A_97 = tpu.memref_slice %arg11[%dma_start3A_95, %dma_start3A_96] : memref<10008x128xf32, #tpu.memory_space<vmem_shared>> -> memref<10008x128xf32, #tpu.memory_space<vmem_shared>>
      tpu.enqueue_indirect_dma source(%arg9 : memref<128x128xf32, #tpu.memory_space<vmem>>) target(%dma_start3A_97 : memref<10008x128xf32, #tpu.memory_space<vmem_shared>>) offsets(%dma_start3A_94 : memref<128xi32, #tpu.memory_space<vmem>>) semaphore(%arg14 : memref<!tpu.dma_semaphore, #tpu.memory_space<semaphore_mem>>) {add = true}
      %mul3A_98 = arith.constant 2 : i32
      %mul3A_99 = arith.muli %scan3A_71, %mul3A_98 : i32
      %add3A_100 = arith.constant 1 : i32
      %add3A_101 = arith.addi %mul3A_99, %add3A_100 : i32
      %ge3A_102 = arith.constant 1 : i32
      %ge3A_103 = arith.cmpi sge, %add3A_101, %ge3A_102 : i32
      %convert_element_type3A_104 = arith.extui %ge3A_103 : i1 to i32
      %cond3A_105 = arith.constant 0 : i32
      %cond3A_106 = arith.cmpi ne, %convert_element_type3A_104, %cond3A_105 : i32
      scf.if %cond3A_106 {
        %sub3A = arith.constant 1 : i32
        %sub3A_126 = arith.subi %add3A_101, %sub3A : i32
        %dma_wait3A_127 = arith.constant 0 : i32
        %dma_wait3A_128 = tpu.memref_slice %arg8[%sub3A_126, %dma_wait3A_127] : memref<40x128xi32, #tpu.memory_space<vmem>> -> memref<1x128xi32, #tpu.memory_space<vmem>>
        %dma_wait3A_129 = tpu.memref_squeeze %dma_wait3A_128 : memref<1x128xi32, #tpu.memory_space<vmem>> -> memref<128xi32, #tpu.memory_space<vmem>>
        %dma_wait3A_130 = arith.constant 0 : i32
        %dma_wait3A_131 = arith.constant 0 : i32
        %dma_wait3A_132 = tpu.memref_slice %arg11[%dma_wait3A_130, %dma_wait3A_131] : memref<10008x128xf32, #tpu.memory_space<vmem_shared>> -> memref<10008x128xf32, #tpu.memory_space<vmem_shared>>
        tpu.wait_indirect_dma semaphore(%arg14 : memref<!tpu.dma_semaphore, #tpu.memory_space<semaphore_mem>>) src(%arg9 : memref<128x128xf32, #tpu.memory_space<vmem>>) dst(%dma_wait3A_132 : memref<10008x128xf32, #tpu.memory_space<vmem_shared>>)
      } else {
      }
      %add3A_107 = arith.constant 1 : i32
      %add3A_108 = arith.addi %add3A_101, %add3A_107 : i32
      %lt3A_109 = arith.constant 40 : i32
      %lt3A_110 = arith.cmpi slt, %add3A_108, %lt3A_109 : i32
      %convert_element_type3A_111 = arith.extui %lt3A_110 : i1 to i32
      %cond3A_112 = arith.constant 0 : i32
      %cond3A_113 = arith.cmpi ne, %convert_element_type3A_111, %cond3A_112 : i32
      scf.if %cond3A_113 {
        %add3A_126 = arith.constant 1 : i32
        %add3A_127 = arith.addi %add3A_101, %add3A_126 : i32
        %dma_start3A_128 = arith.constant 0 : i32
        %dma_start3A_129 = tpu.memref_slice %arg7[%add3A_127, %dma_start3A_128] : memref<40x128xi32, #tpu.memory_space<vmem>> -> memref<1x128xi32, #tpu.memory_space<vmem>>
        %dma_start3A_130 = tpu.memref_squeeze %dma_start3A_129 : memref<1x128xi32, #tpu.memory_space<vmem>> -> memref<128xi32, #tpu.memory_space<vmem>>
        %dma_start3A_131 = arith.constant 0 : i32
        %dma_start3A_132 = arith.constant 0 : i32
        %dma_start3A_133 = tpu.memref_slice %arg2[%dma_start3A_131, %dma_start3A_132] : memref<10000x128xf32, #tpu.memory_space<hbm>> -> memref<10000x128xf32, #tpu.memory_space<hbm>>
        tpu.enqueue_indirect_dma source(%dma_start3A_133 : memref<10000x128xf32, #tpu.memory_space<hbm>>) target(%arg9 : memref<128x128xf32, #tpu.memory_space<vmem>>) offsets(%dma_start3A_130 : memref<128xi32, #tpu.memory_space<vmem>>) semaphore(%arg12 : memref<!tpu.dma_semaphore, #tpu.memory_space<semaphore_mem>>)
      } else {
      }
      %dma_wait3A_114 = arith.constant 0 : i32
      %dma_wait3A_115 = tpu.memref_slice %arg7[%add3A_101, %dma_wait3A_114] : memref<40x128xi32, #tpu.memory_space<vmem>> -> memref<1x128xi32, #tpu.memory_space<vmem>>
      %dma_wait3A_116 = tpu.memref_squeeze %dma_wait3A_115 : memref<1x128xi32, #tpu.memory_space<vmem>> -> memref<128xi32, #tpu.memory_space<vmem>>
      %dma_wait3A_117 = arith.constant 0 : i32
      %dma_wait3A_118 = arith.constant 0 : i32
      %dma_wait3A_119 = tpu.memref_slice %arg2[%dma_wait3A_117, %dma_wait3A_118] : memref<10000x128xf32, #tpu.memory_space<hbm>> -> memref<10000x128xf32, #tpu.memory_space<hbm>>
      tpu.wait_indirect_dma semaphore(%arg13 : memref<!tpu.dma_semaphore, #tpu.memory_space<semaphore_mem>>) src(%dma_wait3A_119 : memref<10000x128xf32, #tpu.memory_space<hbm>>) dst(%arg10 : memref<128x128xf32, #tpu.memory_space<vmem>>)
      %dma_start3A_120 = arith.constant 0 : i32
      %dma_start3A_121 = tpu.memref_slice %arg8[%add3A_101, %dma_start3A_120] : memref<40x128xi32, #tpu.memory_space<vmem>> -> memref<1x128xi32, #tpu.memory_space<vmem>>
      %dma_start3A_122 = tpu.memref_squeeze %dma_start3A_121 : memref<1x128xi32, #tpu.memory_space<vmem>> -> memref<128xi32, #tpu.memory_space<vmem>>
      %dma_start3A_123 = arith.constant 0 : i32
      %dma_start3A_124 = arith.constant 0 : i32
      %dma_start3A_125 = tpu.memref_slice %arg11[%dma_start3A_123, %dma_start3A_124] : memref<10008x128xf32, #tpu.memory_space<vmem_shared>> -> memref<10008x128xf32, #tpu.memory_space<vmem_shared>>
      tpu.enqueue_indirect_dma source(%arg10 : memref<128x128xf32, #tpu.memory_space<vmem>>) target(%dma_start3A_125 : memref<10008x128xf32, #tpu.memory_space<vmem_shared>>) offsets(%dma_start3A_122 : memref<128xi32, #tpu.memory_space<vmem>>) semaphore(%arg15 : memref<!tpu.dma_semaphore, #tpu.memory_space<semaphore_mem>>) {add = true}
    }
    %scan3A_34 = arith.constant 20 : i32
    %dma_wait3A_35 = arith.constant 39 : i32
    %dma_wait3A_36 = arith.constant 0 : i32
    %dma_wait3A_37 = tpu.memref_slice %arg8[%dma_wait3A_35, %dma_wait3A_36] : memref<40x128xi32, #tpu.memory_space<vmem>> -> memref<1x128xi32, #tpu.memory_space<vmem>>
    %dma_wait3A_38 = tpu.memref_squeeze %dma_wait3A_37 : memref<1x128xi32, #tpu.memory_space<vmem>> -> memref<128xi32, #tpu.memory_space<vmem>>
    %dma_wait3A_39 = arith.constant 0 : i32
    %dma_wait3A_40 = arith.constant 0 : i32
    %dma_wait3A_41 = tpu.memref_slice %arg11[%dma_wait3A_39, %dma_wait3A_40] : memref<10008x128xf32, #tpu.memory_space<vmem_shared>> -> memref<10008x128xf32, #tpu.memory_space<vmem_shared>>
    tpu.wait_indirect_dma semaphore(%arg15 : memref<!tpu.dma_semaphore, #tpu.memory_space<semaphore_mem>>) src(%arg10 : memref<128x128xf32, #tpu.memory_space<vmem>>) dst(%dma_wait3A_41 : memref<10008x128xf32, #tpu.memory_space<vmem_shared>>)
    %add3A_42 = arith.constant 40 : i32
    %add3A_43 = arith.addi %mul3A_2, %add3A_42 : i32
    %multiple_of3A_44 = tpu.assume_multiple %add3A_43, 8 : i32
    "tpu.region"() ({
      %run_scoped3A = tpu.sem_alloc : memref<!tpu.dma_semaphore, #tpu.memory_space<semaphore_mem>>
      %dma_start3A_71 = arith.constant 0 : i32
      %dma_start3A_72 = tpu.memref_slice %arg3[%multiple_of3A_44, %dma_start3A_71] : memref<2560x128xi32, #tpu.memory_space<hbm>> -> memref<40x128xi32, #tpu.memory_space<hbm>>
      %dma_start3A_73 = arith.constant 0 : i32
      %dma_start3A_74 = tpu.memref_slice %arg3[%multiple_of3A_44, %dma_start3A_73] : memref<2560x128xi32, #tpu.memory_space<hbm>> -> memref<40x128xi32, #tpu.memory_space<hbm>>
      tpu.enqueue_dma source(%dma_start3A_74 : memref<40x128xi32, #tpu.memory_space<hbm>>) target(%arg7 : memref<40x128xi32, #tpu.memory_space<vmem>>) target_semaphore(%run_scoped3A : memref<!tpu.dma_semaphore, #tpu.memory_space<semaphore_mem>>)
      %dma_wait3A_75 = arith.constant 0 : i32
      %dma_wait3A_76 = tpu.memref_slice %arg3[%multiple_of3A_44, %dma_wait3A_75] : memref<2560x128xi32, #tpu.memory_space<hbm>> -> memref<40x128xi32, #tpu.memory_space<hbm>>
      %dma_wait3A_77 = arith.constant 0 : i32
      %dma_wait3A_78 = tpu.memref_slice %arg3[%multiple_of3A_44, %dma_wait3A_77] : memref<2560x128xi32, #tpu.memory_space<hbm>> -> memref<40x128xi32, #tpu.memory_space<hbm>>
      tpu.wait_dma2 semaphore(%run_scoped3A : memref<!tpu.dma_semaphore, #tpu.memory_space<semaphore_mem>>) src(%dma_wait3A_78 : memref<40x128xi32, #tpu.memory_space<hbm>>) dst(%arg7 : memref<40x128xi32, #tpu.memory_space<vmem>>)
      tpu.yield
    }) : () -> ()
    "tpu.region"() ({
      %run_scoped3A = tpu.sem_alloc : memref<!tpu.dma_semaphore, #tpu.memory_space<semaphore_mem>>
      %dma_start3A_71 = arith.constant 0 : i32
      %dma_start3A_72 = tpu.memref_slice %arg4[%multiple_of3A_44, %dma_start3A_71] : memref<2560x128xi32, #tpu.memory_space<hbm>> -> memref<40x128xi32, #tpu.memory_space<hbm>>
      %dma_start3A_73 = arith.constant 0 : i32
      %dma_start3A_74 = tpu.memref_slice %arg4[%multiple_of3A_44, %dma_start3A_73] : memref<2560x128xi32, #tpu.memory_space<hbm>> -> memref<40x128xi32, #tpu.memory_space<hbm>>
      tpu.enqueue_dma source(%dma_start3A_74 : memref<40x128xi32, #tpu.memory_space<hbm>>) target(%arg8 : memref<40x128xi32, #tpu.memory_space<vmem>>) target_semaphore(%run_scoped3A : memref<!tpu.dma_semaphore, #tpu.memory_space<semaphore_mem>>)
      %dma_wait3A_75 = arith.constant 0 : i32
      %dma_wait3A_76 = tpu.memref_slice %arg4[%multiple_of3A_44, %dma_wait3A_75] : memref<2560x128xi32, #tpu.memory_space<hbm>> -> memref<40x128xi32, #tpu.memory_space<hbm>>
      %dma_wait3A_77 = arith.constant 0 : i32
      %dma_wait3A_78 = tpu.memref_slice %arg4[%multiple_of3A_44, %dma_wait3A_77] : memref<2560x128xi32, #tpu.memory_space<hbm>> -> memref<40x128xi32, #tpu.memory_space<hbm>>
      tpu.wait_dma2 semaphore(%run_scoped3A : memref<!tpu.dma_semaphore, #tpu.memory_space<semaphore_mem>>) src(%dma_wait3A_78 : memref<40x128xi32, #tpu.memory_space<hbm>>) dst(%arg8 : memref<40x128xi32, #tpu.memory_space<vmem>>)
      tpu.yield
    }) : () -> ()
    %dma_start3A_45 = arith.constant 0 : i32
    %dma_start3A_46 = arith.constant 0 : i32
    %dma_start3A_47 = tpu.memref_slice %arg7[%dma_start3A_45, %dma_start3A_46] : memref<40x128xi32, #tpu.memory_space<vmem>> -> memref<1x128xi32, #tpu.memory_space<vmem>>
    %dma_start3A_48 = tpu.memref_squeeze %dma_start3A_47 : memref<1x128xi32, #tpu.memory_space<vmem>> -> memref<128xi32, #tpu.memory_space<vmem>>
    %dma_start3A_49 = arith.constant 0 : i32
    %dma_start3A_50 = arith.constant 0 : i32
    %dma_start3A_51 = tpu.memref_slice %arg2[%dma_start3A_49, %dma_start3A_50] : memref<10000x128xf32, #tpu.memory_space<hbm>> -> memref<10000x128xf32, #tpu.memory_space<hbm>>
    tpu.enqueue_indirect_dma source(%dma_start3A_51 : memref<10000x128xf32, #tpu.memory_space<hbm>>) target(%arg9 : memref<128x128xf32, #tpu.memory_space<vmem>>) offsets(%dma_start3A_48 : memref<128xi32, #tpu.memory_space<vmem>>) semaphore(%arg12 : memref<!tpu.dma_semaphore, #tpu.memory_space<semaphore_mem>>)
    %scan3A_52 = arith.constant 0 : i32
    %scan3A_53 = arith.constant 0 : i32
    %scan3A_54 = arith.constant 20 : i32
    %scan3A_55 = arith.addi %scan3A_53, %scan3A_54 : i32
    %scan3A_56 = arith.constant 1 : i32
    scf.for %scan3A_71 = %scan3A_53 to %scan3A_55 step %scan3A_56  : i32 {
      %mul3A_72 = arith.constant 2 : i32
      %mul3A_73 = arith.muli %scan3A_71, %mul3A_72 : i32
      %add3A_74 = arith.constant 0 : i32
      %add3A_75 = arith.addi %mul3A_73, %add3A_74 : i32
      %ge3A = arith.constant 1 : i32
      %ge3A_76 = arith.cmpi sge, %add3A_75, %ge3A : i32
      %convert_element_type3A_77 = arith.extui %ge3A_76 : i1 to i32
      %cond3A_78 = arith.constant 0 : i32
      %cond3A_79 = arith.cmpi ne, %convert_element_type3A_77, %cond3A_78 : i32
      scf.if %cond3A_79 {
        %sub3A = arith.constant 1 : i32
        %sub3A_126 = arith.subi %add3A_75, %sub3A : i32
        %dma_wait3A_127 = arith.constant 0 : i32
        %dma_wait3A_128 = tpu.memref_slice %arg8[%sub3A_126, %dma_wait3A_127] : memref<40x128xi32, #tpu.memory_space<vmem>> -> memref<1x128xi32, #tpu.memory_space<vmem>>
        %dma_wait3A_129 = tpu.memref_squeeze %dma_wait3A_128 : memref<1x128xi32, #tpu.memory_space<vmem>> -> memref<128xi32, #tpu.memory_space<vmem>>
        %dma_wait3A_130 = arith.constant 0 : i32
        %dma_wait3A_131 = arith.constant 0 : i32
        %dma_wait3A_132 = tpu.memref_slice %arg11[%dma_wait3A_130, %dma_wait3A_131] : memref<10008x128xf32, #tpu.memory_space<vmem_shared>> -> memref<10008x128xf32, #tpu.memory_space<vmem_shared>>
        tpu.wait_indirect_dma semaphore(%arg15 : memref<!tpu.dma_semaphore, #tpu.memory_space<semaphore_mem>>) src(%arg10 : memref<128x128xf32, #tpu.memory_space<vmem>>) dst(%dma_wait3A_132 : memref<10008x128xf32, #tpu.memory_space<vmem_shared>>)
      } else {
      }
      %add3A_80 = arith.constant 1 : i32
      %add3A_81 = arith.addi %add3A_75, %add3A_80 : i32
      %lt3A = arith.constant 40 : i32
      %lt3A_82 = arith.cmpi slt, %add3A_81, %lt3A : i32
      %convert_element_type3A_83 = arith.extui %lt3A_82 : i1 to i32
      %cond3A_84 = arith.constant 0 : i32
      %cond3A_85 = arith.cmpi ne, %convert_element_type3A_83, %cond3A_84 : i32
      scf.if %cond3A_85 {
        %add3A_126 = arith.constant 1 : i32
        %add3A_127 = arith.addi %add3A_75, %add3A_126 : i32
        %dma_start3A_128 = arith.constant 0 : i32
        %dma_start3A_129 = tpu.memref_slice %arg7[%add3A_127, %dma_start3A_128] : memref<40x128xi32, #tpu.memory_space<vmem>> -> memref<1x128xi32, #tpu.memory_space<vmem>>
        %dma_start3A_130 = tpu.memref_squeeze %dma_start3A_129 : memref<1x128xi32, #tpu.memory_space<vmem>> -> memref<128xi32, #tpu.memory_space<vmem>>
        %dma_start3A_131 = arith.constant 0 : i32
        %dma_start3A_132 = arith.constant 0 : i32
        %dma_start3A_133 = tpu.memref_slice %arg2[%dma_start3A_131, %dma_start3A_132] : memref<10000x128xf32, #tpu.memory_space<hbm>> -> memref<10000x128xf32, #tpu.memory_space<hbm>>
        tpu.enqueue_indirect_dma source(%dma_start3A_133 : memref<10000x128xf32, #tpu.memory_space<hbm>>) target(%arg10 : memref<128x128xf32, #tpu.memory_space<vmem>>) offsets(%dma_start3A_130 : memref<128xi32, #tpu.memory_space<vmem>>) semaphore(%arg13 : memref<!tpu.dma_semaphore, #tpu.memory_space<semaphore_mem>>)
      } else {
      }
      %dma_wait3A_86 = arith.constant 0 : i32
      %dma_wait3A_87 = tpu.memref_slice %arg7[%add3A_75, %dma_wait3A_86] : memref<40x128xi32, #tpu.memory_space<vmem>> -> memref<1x128xi32, #tpu.memory_space<vmem>>
      %dma_wait3A_88 = tpu.memref_squeeze %dma_wait3A_87 : memref<1x128xi32, #tpu.memory_space<vmem>> -> memref<128xi32, #tpu.memory_space<vmem>>
      %dma_wait3A_89 = arith.constant 0 : i32
      %dma_wait3A_90 = arith.constant 0 : i32
      %dma_wait3A_91 = tpu.memref_slice %arg2[%dma_wait3A_89, %dma_wait3A_90] : memref<10000x128xf32, #tpu.memory_space<hbm>> -> memref<10000x128xf32, #tpu.memory_space<hbm>>
      tpu.wait_indirect_dma semaphore(%arg12 : memref<!tpu.dma_semaphore, #tpu.memory_space<semaphore_mem>>) src(%dma_wait3A_91 : memref<10000x128xf32, #tpu.memory_space<hbm>>) dst(%arg9 : memref<128x128xf32, #tpu.memory_space<vmem>>)
      %dma_start3A_92 = arith.constant 0 : i32
      %dma_start3A_93 = tpu.memref_slice %arg8[%add3A_75, %dma_start3A_92] : memref<40x128xi32, #tpu.memory_space<vmem>> -> memref<1x128xi32, #tpu.memory_space<vmem>>
      %dma_start3A_94 = tpu.memref_squeeze %dma_start3A_93 : memref<1x128xi32, #tpu.memory_space<vmem>> -> memref<128xi32, #tpu.memory_space<vmem>>
      %dma_start3A_95 = arith.constant 0 : i32
      %dma_start3A_96 = arith.constant 0 : i32
      %dma_start3A_97 = tpu.memref_slice %arg11[%dma_start3A_95, %dma_start3A_96] : memref<10008x128xf32, #tpu.memory_space<vmem_shared>> -> memref<10008x128xf32, #tpu.memory_space<vmem_shared>>
      tpu.enqueue_indirect_dma source(%arg9 : memref<128x128xf32, #tpu.memory_space<vmem>>) target(%dma_start3A_97 : memref<10008x128xf32, #tpu.memory_space<vmem_shared>>) offsets(%dma_start3A_94 : memref<128xi32, #tpu.memory_space<vmem>>) semaphore(%arg14 : memref<!tpu.dma_semaphore, #tpu.memory_space<semaphore_mem>>) {add = true}
      %mul3A_98 = arith.constant 2 : i32
      %mul3A_99 = arith.muli %scan3A_71, %mul3A_98 : i32
      %add3A_100 = arith.constant 1 : i32
      %add3A_101 = arith.addi %mul3A_99, %add3A_100 : i32
      %ge3A_102 = arith.constant 1 : i32
      %ge3A_103 = arith.cmpi sge, %add3A_101, %ge3A_102 : i32
      %convert_element_type3A_104 = arith.extui %ge3A_103 : i1 to i32
      %cond3A_105 = arith.constant 0 : i32
      %cond3A_106 = arith.cmpi ne, %convert_element_type3A_104, %cond3A_105 : i32
      scf.if %cond3A_106 {
        %sub3A = arith.constant 1 : i32
        %sub3A_126 = arith.subi %add3A_101, %sub3A : i32
        %dma_wait3A_127 = arith.constant 0 : i32
        %dma_wait3A_128 = tpu.memref_slice %arg8[%sub3A_126, %dma_wait3A_127] : memref<40x128xi32, #tpu.memory_space<vmem>> -> memref<1x128xi32, #tpu.memory_space<vmem>>
        %dma_wait3A_129 = tpu.memref_squeeze %dma_wait3A_128 : memref<1x128xi32, #tpu.memory_space<vmem>> -> memref<128xi32, #tpu.memory_space<vmem>>
        %dma_wait3A_130 = arith.constant 0 : i32
        %dma_wait3A_131 = arith.constant 0 : i32
        %dma_wait3A_132 = tpu.memref_slice %arg11[%dma_wait3A_130, %dma_wait3A_131] : memref<10008x128xf32, #tpu.memory_space<vmem_shared>> -> memref<10008x128xf32, #tpu.memory_space<vmem_shared>>
        tpu.wait_indirect_dma semaphore(%arg14 : memref<!tpu.dma_semaphore, #tpu.memory_space<semaphore_mem>>) src(%arg9 : memref<128x128xf32, #tpu.memory_space<vmem>>) dst(%dma_wait3A_132 : memref<10008x128xf32, #tpu.memory_space<vmem_shared>>)
      } else {
      }
      %add3A_107 = arith.constant 1 : i32
      %add3A_108 = arith.addi %add3A_101, %add3A_107 : i32
      %lt3A_109 = arith.constant 40 : i32
      %lt3A_110 = arith.cmpi slt, %add3A_108, %lt3A_109 : i32
      %convert_element_type3A_111 = arith.extui %lt3A_110 : i1 to i32
      %cond3A_112 = arith.constant 0 : i32
      %cond3A_113 = arith.cmpi ne, %convert_element_type3A_111, %cond3A_112 : i32
      scf.if %cond3A_113 {
        %add3A_126 = arith.constant 1 : i32
        %add3A_127 = arith.addi %add3A_101, %add3A_126 : i32
        %dma_start3A_128 = arith.constant 0 : i32
        %dma_start3A_129 = tpu.memref_slice %arg7[%add3A_127, %dma_start3A_128] : memref<40x128xi32, #tpu.memory_space<vmem>> -> memref<1x128xi32, #tpu.memory_space<vmem>>
        %dma_start3A_130 = tpu.memref_squeeze %dma_start3A_129 : memref<1x128xi32, #tpu.memory_space<vmem>> -> memref<128xi32, #tpu.memory_space<vmem>>
        %dma_start3A_131 = arith.constant 0 : i32
        %dma_start3A_132 = arith.constant 0 : i32
        %dma_start3A_133 = tpu.memref_slice %arg2[%dma_start3A_131, %dma_start3A_132] : memref<10000x128xf32, #tpu.memory_space<hbm>> -> memref<10000x128xf32, #tpu.memory_space<hbm>>
        tpu.enqueue_indirect_dma source(%dma_start3A_133 : memref<10000x128xf32, #tpu.memory_space<hbm>>) target(%arg9 : memref<128x128xf32, #tpu.memory_space<vmem>>) offsets(%dma_start3A_130 : memref<128xi32, #tpu.memory_space<vmem>>) semaphore(%arg12 : memref<!tpu.dma_semaphore, #tpu.memory_space<semaphore_mem>>)
      } else {
      }
      %dma_wait3A_114 = arith.constant 0 : i32
      %dma_wait3A_115 = tpu.memref_slice %arg7[%add3A_101, %dma_wait3A_114] : memref<40x128xi32, #tpu.memory_space<vmem>> -> memref<1x128xi32, #tpu.memory_space<vmem>>
      %dma_wait3A_116 = tpu.memref_squeeze %dma_wait3A_115 : memref<1x128xi32, #tpu.memory_space<vmem>> -> memref<128xi32, #tpu.memory_space<vmem>>
      %dma_wait3A_117 = arith.constant 0 : i32
      %dma_wait3A_118 = arith.constant 0 : i32
      %dma_wait3A_119 = tpu.memref_slice %arg2[%dma_wait3A_117, %dma_wait3A_118] : memref<10000x128xf32, #tpu.memory_space<hbm>> -> memref<10000x128xf32, #tpu.memory_space<hbm>>
      tpu.wait_indirect_dma semaphore(%arg13 : memref<!tpu.dma_semaphore, #tpu.memory_space<semaphore_mem>>) src(%dma_wait3A_119 : memref<10000x128xf32, #tpu.memory_space<hbm>>) dst(%arg10 : memref<128x128xf32, #tpu.memory_space<vmem>>)
      %dma_start3A_120 = arith.constant 0 : i32
      %dma_start3A_121 = tpu.memref_slice %arg8[%add3A_101, %dma_start3A_120] : memref<40x128xi32, #tpu.memory_space<vmem>> -> memref<1x128xi32, #tpu.memory_space<vmem>>
      %dma_start3A_122 = tpu.memref_squeeze %dma_start3A_121 : memref<1x128xi32, #tpu.memory_space<vmem>> -> memref<128xi32, #tpu.memory_space<vmem>>
      %dma_start3A_123 = arith.constant 0 : i32
      %dma_start3A_124 = arith.constant 0 : i32
      %dma_start3A_125 = tpu.memref_slice %arg11[%dma_start3A_123, %dma_start3A_124] : memref<10008x128xf32, #tpu.memory_space<vmem_shared>> -> memref<10008x128xf32, #tpu.memory_space<vmem_shared>>
      tpu.enqueue_indirect_dma source(%arg10 : memref<128x128xf32, #tpu.memory_space<vmem>>) target(%dma_start3A_125 : memref<10008x128xf32, #tpu.memory_space<vmem_shared>>) offsets(%dma_start3A_122 : memref<128xi32, #tpu.memory_space<vmem>>) semaphore(%arg15 : memref<!tpu.dma_semaphore, #tpu.memory_space<semaphore_mem>>) {add = true}
    }
    %scan3A_57 = arith.constant 20 : i32
    %dma_wait3A_58 = arith.constant 39 : i32
    %dma_wait3A_59 = arith.constant 0 : i32
    %dma_wait3A_60 = tpu.memref_slice %arg8[%dma_wait3A_58, %dma_wait3A_59] : memref<40x128xi32, #tpu.memory_space<vmem>> -> memref<1x128xi32, #tpu.memory_space<vmem>>
    %dma_wait3A_61 = tpu.memref_squeeze %dma_wait3A_60 : memref<1x128xi32, #tpu.memory_space<vmem>> -> memref<128xi32, #tpu.memory_space<vmem>>
    %dma_wait3A_62 = arith.constant 0 : i32
    %dma_wait3A_63 = arith.constant 0 : i32
    %dma_wait3A_64 = tpu.memref_slice %arg11[%dma_wait3A_62, %dma_wait3A_63] : memref<10008x128xf32, #tpu.memory_space<vmem_shared>> -> memref<10008x128xf32, #tpu.memory_space<vmem_shared>>
    tpu.wait_indirect_dma semaphore(%arg15 : memref<!tpu.dma_semaphore, #tpu.memory_space<semaphore_mem>>) src(%arg10 : memref<128x128xf32, #tpu.memory_space<vmem>>) dst(%dma_wait3A_64 : memref<10008x128xf32, #tpu.memory_space<vmem_shared>>)
    %barrier3A_65 = arith.constant 0 : index
    tpu.barrier barrier_id(%barrier3A_65)
    "tpu.region"() ({
      %run_scoped3A = tpu.sem_alloc : memref<!tpu.dma_semaphore, #tpu.memory_space<semaphore_mem>>
      %dma_start3A_71 = arith.constant 0 : i32
      %dma_start3A_72 = tpu.memref_slice %arg6[%arg0, %multiple_of3A, %dma_start3A_71] : memref<2x10000x128xf32, #tpu.memory_space<hbm>> -> memref<1x624x128xf32, #tpu.memory_space<hbm>>
      %dma_start3A_73 = tpu.memref_squeeze %dma_start3A_72 : memref<1x624x128xf32, #tpu.memory_space<hbm>> -> memref<624x128xf32, #tpu.memory_space<hbm>>
      %dma_start3A_74 = arith.constant 0 : i32
      %dma_start3A_75 = tpu.memref_slice %arg11[%multiple_of3A, %dma_start3A_74] : memref<10008x128xf32, #tpu.memory_space<vmem_shared>> -> memref<624x128xf32, #tpu.memory_space<vmem_shared>>
      tpu.enqueue_dma source(%dma_start3A_75 : memref<624x128xf32, #tpu.memory_space<vmem_shared>>) target(%dma_start3A_73 : memref<624x128xf32, #tpu.memory_space<hbm>>) target_semaphore(%run_scoped3A : memref<!tpu.dma_semaphore, #tpu.memory_space<semaphore_mem>>)
      %dma_wait3A_76 = arith.constant 0 : i32
      %dma_wait3A_77 = tpu.memref_slice %arg6[%arg0, %multiple_of3A, %dma_wait3A_76] : memref<2x10000x128xf32, #tpu.memory_space<hbm>> -> memref<1x624x128xf32, #tpu.memory_space<hbm>>
      %dma_wait3A_78 = tpu.memref_squeeze %dma_wait3A_77 : memref<1x624x128xf32, #tpu.memory_space<hbm>> -> memref<624x128xf32, #tpu.memory_space<hbm>>
      %dma_wait3A_79 = arith.constant 0 : i32
      %dma_wait3A_80 = tpu.memref_slice %arg11[%multiple_of3A, %dma_wait3A_79] : memref<10008x128xf32, #tpu.memory_space<vmem_shared>> -> memref<624x128xf32, #tpu.memory_space<vmem_shared>>
      tpu.wait_dma2 semaphore(%run_scoped3A : memref<!tpu.dma_semaphore, #tpu.memory_space<semaphore_mem>>) src(%dma_wait3A_80 : memref<624x128xf32, #tpu.memory_space<vmem_shared>>) dst(%dma_wait3A_78 : memref<624x128xf32, #tpu.memory_space<hbm>>)
      tpu.yield
    }) : () -> ()
    %eq3A_66 = arith.constant 0 : i32
    %eq3A_67 = arith.cmpi eq, %arg1, %eq3A_66 : i32
    %convert_element_type3A_68 = arith.extui %eq3A_67 : i1 to i32
    %cond3A_69 = arith.constant 0 : i32
    %cond3A_70 = arith.cmpi ne, %convert_element_type3A_68, %cond3A_69 : i32
    scf.if %cond3A_70 {
      "tpu.region"() ({
        %run_scoped3A = tpu.sem_alloc : memref<!tpu.dma_semaphore, #tpu.memory_space<semaphore_mem>>
        %dma_start3A_71 = arith.constant 9984 : i32
        %dma_start3A_72 = arith.constant 0 : i32
        %dma_start3A_73 = tpu.memref_slice %arg6[%arg0, %dma_start3A_71, %dma_start3A_72] : memref<2x10000x128xf32, #tpu.memory_space<hbm>> -> memref<1x16x128xf32, #tpu.memory_space<hbm>>
        %dma_start3A_74 = tpu.memref_squeeze %dma_start3A_73 : memref<1x16x128xf32, #tpu.memory_space<hbm>> -> memref<16x128xf32, #tpu.memory_space<hbm>>
        %dma_start3A_75 = arith.constant 9984 : i32
        %dma_start3A_76 = arith.constant 0 : i32
        %dma_start3A_77 = tpu.memref_slice %arg11[%dma_start3A_75, %dma_start3A_76] : memref<10008x128xf32, #tpu.memory_space<vmem_shared>> -> memref<16x128xf32, #tpu.memory_space<vmem_shared>>
        tpu.enqueue_dma source(%dma_start3A_77 : memref<16x128xf32, #tpu.memory_space<vmem_shared>>) target(%dma_start3A_74 : memref<16x128xf32, #tpu.memory_space<hbm>>) target_semaphore(%run_scoped3A : memref<!tpu.dma_semaphore, #tpu.memory_space<semaphore_mem>>)
        %dma_wait3A_78 = arith.constant 9984 : i32
        %dma_wait3A_79 = arith.constant 0 : i32
        %dma_wait3A_80 = tpu.memref_slice %arg6[%arg0, %dma_wait3A_78, %dma_wait3A_79] : memref<2x10000x128xf32, #tpu.memory_space<hbm>> -> memref<1x16x128xf32, #tpu.memory_space<hbm>>
        %dma_wait3A_81 = tpu.memref_squeeze %dma_wait3A_80 : memref<1x16x128xf32, #tpu.memory_space<hbm>> -> memref<16x128xf32, #tpu.memory_space<hbm>>
        %dma_wait3A_82 = arith.constant 9984 : i32
        %dma_wait3A_83 = arith.constant 0 : i32
        %dma_wait3A_84 = tpu.memref_slice %arg11[%dma_wait3A_82, %dma_wait3A_83] : memref<10008x128xf32, #tpu.memory_space<vmem_shared>> -> memref<16x128xf32, #tpu.memory_space<vmem_shared>>
        tpu.wait_dma2 semaphore(%run_scoped3A : memref<!tpu.dma_semaphore, #tpu.memory_space<semaphore_mem>>) src(%dma_wait3A_84 : memref<16x128xf32, #tpu.memory_space<vmem_shared>>) dst(%dma_wait3A_81 : memref<16x128xf32, #tpu.memory_space<hbm>>)
        tpu.yield
      }) : () -> ()
    } else {
    }
    return
  }
}

#map = affine_map<(d0, d1) -> (0, 0, 0)>
#map1 = affine_map<(d0, d1) -> (0, 0)>
module attributes {stable_mosaic.version = 14 : i64} {
  func.func @segsum(%arg0: i32, %arg1: i32, %arg2: memref<2x10000x128xf32, #tpu.memory_space<hbm>>, %arg3: memref<2560x128xi32, #tpu.memory_space<hbm>>, %arg4: memref<2560x128xi32, #tpu.memory_space<hbm>>, %arg5: memref<624x128xf32, #tpu.memory_space<hbm>>, %arg6: memref<2x10000x128xf32, #tpu.memory_space<hbm>>, %arg7: memref<40x128xi32, #tpu.memory_space<vmem>>, %arg8: memref<40x128xi32, #tpu.memory_space<vmem>>, %arg9: memref<128x128xf32, #tpu.memory_space<vmem>>, %arg10: memref<128x128xf32, #tpu.memory_space<vmem>>, %arg11: memref<10008x128xf32, #tpu.memory_space<vmem_shared>>, %arg12: memref<!tpu.dma_semaphore, #tpu.memory_space<semaphore_mem>>, %arg13: memref<!tpu.dma_semaphore, #tpu.memory_space<semaphore_mem>>, %arg14: memref<!tpu.dma_semaphore, #tpu.memory_space<semaphore_mem>>, %arg15: memref<!tpu.dma_semaphore, #tpu.memory_space<semaphore_mem>>) attributes {dimension_semantics = [#tpu.dimension_semantics<core_parallel>, #tpu.dimension_semantics<subcore_parallel>], iteration_bounds = array<i64: 2, 16>, scalar_prefetch = 0 : i64, scratch_operands = 9 : i64, tpu.core_type = #tpu.core_type<sc_vector_subcore>, window_params = [{transform_indices = #map}, {transform_indices = #map1}, {transform_indices = #map1}, {transform_indices = #map1}, {transform_indices = #map}]} {
    %mul3A = arith.constant 160 : i32
    %mul3A_0 = arith.muli %arg1, %mul3A : i32
    %mul3A_1 = arith.constant 624 : i32
    %mul3A_2 = arith.muli %arg1, %mul3A_1 : i32
    %multiple_of3A = tpu.assume_multiple %mul3A_2, 8 : i32
    %dma_start3A = arith.constant 0 : i32
    %dma_start3A_3 = tpu.memref_slice %arg11[%multiple_of3A, %dma_start3A] : memref<10008x128xf32, #tpu.memory_space<vmem_shared>> -> memref<624x128xf32, #tpu.memory_space<vmem_shared>>
    %dma_start3A_4 = arith.constant 0 : i32
    %dma_start3A_5 = arith.constant 0 : i32
    %dma_start3A_6 = tpu.memref_slice %arg5[%dma_start3A_4, %dma_start3A_5] : memref<624x128xf32, #tpu.memory_space<hbm>> -> memref<624x128xf32, #tpu.memory_space<hbm>>
    tpu.enqueue_dma source(%dma_start3A_6 : memref<624x128xf32, #tpu.memory_space<hbm>>) target(%dma_start3A_3 : memref<624x128xf32, #tpu.memory_space<vmem_shared>>) target_semaphore(%arg14 : memref<!tpu.dma_semaphore, #tpu.memory_space<semaphore_mem>>)
    %eq3A = arith.constant 0 : i32
    %eq3A_7 = arith.cmpi eq, %arg1, %eq3A : i32
    %convert_element_type3A = arith.extui %eq3A_7 : i1 to i32
    %cond3A = arith.constant 0 : i32
    %cond3A_8 = arith.cmpi ne, %convert_element_type3A, %cond3A : i32
    scf.if %cond3A_8 {
      %dma_start3A_130 = arith.constant 9984 : i32
      %dma_start3A_131 = arith.constant 0 : i32
      %dma_start3A_132 = tpu.memref_slice %arg11[%dma_start3A_130, %dma_start3A_131] : memref<10008x128xf32, #tpu.memory_space<vmem_shared>> -> memref<24x128xf32, #tpu.memory_space<vmem_shared>>
      %dma_start3A_133 = arith.constant 0 : i32
      %dma_start3A_134 = arith.constant 0 : i32
      %dma_start3A_135 = tpu.memref_slice %arg5[%dma_start3A_133, %dma_start3A_134] : memref<624x128xf32, #tpu.memory_space<hbm>> -> memref<24x128xf32, #tpu.memory_space<hbm>>
      tpu.enqueue_dma source(%dma_start3A_135 : memref<24x128xf32, #tpu.memory_space<hbm>>) target(%dma_start3A_132 : memref<24x128xf32, #tpu.memory_space<vmem_shared>>) target_semaphore(%arg15 : memref<!tpu.dma_semaphore, #tpu.memory_space<semaphore_mem>>)
    } else {
    }
    %add3A = arith.constant 0 : i32
    %add3A_9 = arith.addi %mul3A_0, %add3A : i32
    %multiple_of3A_10 = tpu.assume_multiple %add3A_9, 8 : i32
    "tpu.region"() ({
      %run_scoped3A = tpu.sem_alloc : memref<!tpu.dma_semaphore, #tpu.memory_space<semaphore_mem>>
      %dma_start3A_130 = arith.constant 0 : i32
      %dma_start3A_131 = tpu.memref_slice %arg3[%multiple_of3A_10, %dma_start3A_130] : memref<2560x128xi32, #tpu.memory_space<hbm>> -> memref<40x128xi32, #tpu.memory_space<hbm>>
      %dma_start3A_132 = arith.constant 0 : i32
      %dma_start3A_133 = tpu.memref_slice %arg3[%multiple_of3A_10, %dma_start3A_132] : memref<2560x128xi32, #tpu.memory_space<hbm>> -> memref<40x128xi32, #tpu.memory_space<hbm>>
      tpu.enqueue_dma source(%dma_start3A_133 : memref<40x128xi32, #tpu.memory_space<hbm>>) target(%arg7 : memref<40x128xi32, #tpu.memory_space<vmem>>) target_semaphore(%run_scoped3A : memref<!tpu.dma_semaphore, #tpu.memory_space<semaphore_mem>>)
      %dma_wait3A_134 = arith.constant 0 : i32
      %dma_wait3A_135 = tpu.memref_slice %arg3[%multiple_of3A_10, %dma_wait3A_134] : memref<2560x128xi32, #tpu.memory_space<hbm>> -> memref<40x128xi32, #tpu.memory_space<hbm>>
      %dma_wait3A_136 = arith.constant 0 : i32
      %dma_wait3A_137 = tpu.memref_slice %arg3[%multiple_of3A_10, %dma_wait3A_136] : memref<2560x128xi32, #tpu.memory_space<hbm>> -> memref<40x128xi32, #tpu.memory_space<hbm>>
      tpu.wait_dma2 semaphore(%run_scoped3A : memref<!tpu.dma_semaphore, #tpu.memory_space<semaphore_mem>>) src(%dma_wait3A_137 : memref<40x128xi32, #tpu.memory_space<hbm>>) dst(%arg7 : memref<40x128xi32, #tpu.memory_space<vmem>>)
      tpu.yield
    }) : () -> ()
    "tpu.region"() ({
      %run_scoped3A = tpu.sem_alloc : memref<!tpu.dma_semaphore, #tpu.memory_space<semaphore_mem>>
      %dma_start3A_130 = arith.constant 0 : i32
      %dma_start3A_131 = tpu.memref_slice %arg4[%multiple_of3A_10, %dma_start3A_130] : memref<2560x128xi32, #tpu.memory_space<hbm>> -> memref<40x128xi32, #tpu.memory_space<hbm>>
      %dma_start3A_132 = arith.constant 0 : i32
      %dma_start3A_133 = tpu.memref_slice %arg4[%multiple_of3A_10, %dma_start3A_132] : memref<2560x128xi32, #tpu.memory_space<hbm>> -> memref<40x128xi32, #tpu.memory_space<hbm>>
      tpu.enqueue_dma source(%dma_start3A_133 : memref<40x128xi32, #tpu.memory_space<hbm>>) target(%arg8 : memref<40x128xi32, #tpu.memory_space<vmem>>) target_semaphore(%run_scoped3A : memref<!tpu.dma_semaphore, #tpu.memory_space<semaphore_mem>>)
      %dma_wait3A_134 = arith.constant 0 : i32
      %dma_wait3A_135 = tpu.memref_slice %arg4[%multiple_of3A_10, %dma_wait3A_134] : memref<2560x128xi32, #tpu.memory_space<hbm>> -> memref<40x128xi32, #tpu.memory_space<hbm>>
      %dma_wait3A_136 = arith.constant 0 : i32
      %dma_wait3A_137 = tpu.memref_slice %arg4[%multiple_of3A_10, %dma_wait3A_136] : memref<2560x128xi32, #tpu.memory_space<hbm>> -> memref<40x128xi32, #tpu.memory_space<hbm>>
      tpu.wait_dma2 semaphore(%run_scoped3A : memref<!tpu.dma_semaphore, #tpu.memory_space<semaphore_mem>>) src(%dma_wait3A_137 : memref<40x128xi32, #tpu.memory_space<hbm>>) dst(%arg8 : memref<40x128xi32, #tpu.memory_space<vmem>>)
      tpu.yield
    }) : () -> ()
    %dma_start3A_11 = arith.constant 0 : i32
    %dma_start3A_12 = arith.constant 0 : i32
    %dma_start3A_13 = tpu.memref_slice %arg7[%dma_start3A_11, %dma_start3A_12] : memref<40x128xi32, #tpu.memory_space<vmem>> -> memref<1x128xi32, #tpu.memory_space<vmem>>
    %dma_start3A_14 = tpu.memref_squeeze %dma_start3A_13 : memref<1x128xi32, #tpu.memory_space<vmem>> -> memref<128xi32, #tpu.memory_space<vmem>>
    %dma_start3A_15 = arith.constant 0 : i32
    %dma_start3A_16 = arith.constant 0 : i32
    %dma_start3A_17 = tpu.memref_slice %arg2[%arg0, %dma_start3A_15, %dma_start3A_16] : memref<2x10000x128xf32, #tpu.memory_space<hbm>> -> memref<1x10000x128xf32, #tpu.memory_space<hbm>>
    %dma_start3A_18 = tpu.memref_squeeze %dma_start3A_17 : memref<1x10000x128xf32, #tpu.memory_space<hbm>> -> memref<10000x128xf32, #tpu.memory_space<hbm>>
    %dma_start3A_19 = arith.constant 0 : i32
    %dma_start3A_20 = arith.constant 0 : i32
    %dma_start3A_21 = tpu.memref_slice %dma_start3A_18[%dma_start3A_19, %dma_start3A_20] : memref<10000x128xf32, #tpu.memory_space<hbm>> -> memref<10000x128xf32, #tpu.memory_space<hbm>>
    tpu.enqueue_indirect_dma source(%dma_start3A_21 : memref<10000x128xf32, #tpu.memory_space<hbm>>) target(%arg9 : memref<128x128xf32, #tpu.memory_space<vmem>>) offsets(%dma_start3A_14 : memref<128xi32, #tpu.memory_space<vmem>>) semaphore(%arg12 : memref<!tpu.dma_semaphore, #tpu.memory_space<semaphore_mem>>)
    %dma_wait3A = arith.constant 0 : i32
    %dma_wait3A_22 = tpu.memref_slice %arg11[%multiple_of3A, %dma_wait3A] : memref<10008x128xf32, #tpu.memory_space<vmem_shared>> -> memref<624x128xf32, #tpu.memory_space<vmem_shared>>
    %dma_wait3A_23 = arith.constant 0 : i32
    %dma_wait3A_24 = arith.constant 0 : i32
    %dma_wait3A_25 = tpu.memref_slice %arg5[%dma_wait3A_23, %dma_wait3A_24] : memref<624x128xf32, #tpu.memory_space<hbm>> -> memref<624x128xf32, #tpu.memory_space<hbm>>
    tpu.wait_dma2 semaphore(%arg14 : memref<!tpu.dma_semaphore, #tpu.memory_space<semaphore_mem>>) src(%dma_wait3A_25 : memref<624x128xf32, #tpu.memory_space<hbm>>) dst(%dma_wait3A_22 : memref<624x128xf32, #tpu.memory_space<vmem_shared>>)
    %eq3A_26 = arith.constant 0 : i32
    %eq3A_27 = arith.cmpi eq, %arg1, %eq3A_26 : i32
    %convert_element_type3A_28 = arith.extui %eq3A_27 : i1 to i32
    %cond3A_29 = arith.constant 0 : i32
    %cond3A_30 = arith.cmpi ne, %convert_element_type3A_28, %cond3A_29 : i32
    scf.if %cond3A_30 {
      %dma_wait3A_130 = arith.constant 9984 : i32
      %dma_wait3A_131 = arith.constant 0 : i32
      %dma_wait3A_132 = tpu.memref_slice %arg11[%dma_wait3A_130, %dma_wait3A_131] : memref<10008x128xf32, #tpu.memory_space<vmem_shared>> -> memref<24x128xf32, #tpu.memory_space<vmem_shared>>
      %dma_wait3A_133 = arith.constant 0 : i32
      %dma_wait3A_134 = arith.constant 0 : i32
      %dma_wait3A_135 = tpu.memref_slice %arg5[%dma_wait3A_133, %dma_wait3A_134] : memref<624x128xf32, #tpu.memory_space<hbm>> -> memref<24x128xf32, #tpu.memory_space<hbm>>
      tpu.wait_dma2 semaphore(%arg15 : memref<!tpu.dma_semaphore, #tpu.memory_space<semaphore_mem>>) src(%dma_wait3A_135 : memref<24x128xf32, #tpu.memory_space<hbm>>) dst(%dma_wait3A_132 : memref<24x128xf32, #tpu.memory_space<vmem_shared>>)
    } else {
    }
    %barrier3A = arith.constant 0 : index
    tpu.barrier barrier_id(%barrier3A)
    %scan3A = arith.constant 0 : i32
    %scan3A_31 = arith.constant 0 : i32
    %scan3A_32 = arith.constant 20 : i32
    %scan3A_33 = arith.addi %scan3A_31, %scan3A_32 : i32
    %scan3A_34 = arith.constant 1 : i32
    scf.for %scan3A_130 = %scan3A_31 to %scan3A_33 step %scan3A_34  : i32 {
      %mul3A_131 = arith.constant 2 : i32
      %mul3A_132 = arith.muli %scan3A_130, %mul3A_131 : i32
      %add3A_133 = arith.constant 0 : i32
      %add3A_134 = arith.addi %mul3A_132, %add3A_133 : i32
      %ge3A = arith.constant 1 : i32
      %ge3A_135 = arith.cmpi sge, %add3A_134, %ge3A : i32
      %convert_element_type3A_136 = arith.extui %ge3A_135 : i1 to i32
      %cond3A_137 = arith.constant 0 : i32
      %cond3A_138 = arith.cmpi ne, %convert_element_type3A_136, %cond3A_137 : i32
      scf.if %cond3A_138 {
        %sub3A = arith.constant 1 : i32
        %sub3A_193 = arith.subi %add3A_134, %sub3A : i32
        %dma_wait3A_194 = arith.constant 0 : i32
        %dma_wait3A_195 = tpu.memref_slice %arg8[%sub3A_193, %dma_wait3A_194] : memref<40x128xi32, #tpu.memory_space<vmem>> -> memref<1x128xi32, #tpu.memory_space<vmem>>
        %dma_wait3A_196 = tpu.memref_squeeze %dma_wait3A_195 : memref<1x128xi32, #tpu.memory_space<vmem>> -> memref<128xi32, #tpu.memory_space<vmem>>
        %dma_wait3A_197 = arith.constant 0 : i32
        %dma_wait3A_198 = arith.constant 0 : i32
        %dma_wait3A_199 = tpu.memref_slice %arg11[%dma_wait3A_197, %dma_wait3A_198] : memref<10008x128xf32, #tpu.memory_space<vmem_shared>> -> memref<10008x128xf32, #tpu.memory_space<vmem_shared>>
        tpu.wait_indirect_dma semaphore(%arg15 : memref<!tpu.dma_semaphore, #tpu.memory_space<semaphore_mem>>) src(%arg10 : memref<128x128xf32, #tpu.memory_space<vmem>>) dst(%dma_wait3A_199 : memref<10008x128xf32, #tpu.memory_space<vmem_shared>>)
      } else {
      }
      %add3A_139 = arith.constant 1 : i32
      %add3A_140 = arith.addi %add3A_134, %add3A_139 : i32
      %lt3A = arith.constant 40 : i32
      %lt3A_141 = arith.cmpi slt, %add3A_140, %lt3A : i32
      %convert_element_type3A_142 = arith.extui %lt3A_141 : i1 to i32
      %cond3A_143 = arith.constant 0 : i32
      %cond3A_144 = arith.cmpi ne, %convert_element_type3A_142, %cond3A_143 : i32
      scf.if %cond3A_144 {
        %add3A_193 = arith.constant 1 : i32
        %add3A_194 = arith.addi %add3A_134, %add3A_193 : i32
        %dma_start3A_195 = arith.constant 0 : i32
        %dma_start3A_196 = tpu.memref_slice %arg7[%add3A_194, %dma_start3A_195] : memref<40x128xi32, #tpu.memory_space<vmem>> -> memref<1x128xi32, #tpu.memory_space<vmem>>
        %dma_start3A_197 = tpu.memref_squeeze %dma_start3A_196 : memref<1x128xi32, #tpu.memory_space<vmem>> -> memref<128xi32, #tpu.memory_space<vmem>>
        %dma_start3A_198 = arith.constant 0 : i32
        %dma_start3A_199 = arith.constant 0 : i32
        %dma_start3A_200 = tpu.memref_slice %arg2[%arg0, %dma_start3A_198, %dma_start3A_199] : memref<2x10000x128xf32, #tpu.memory_space<hbm>> -> memref<1x10000x128xf32, #tpu.memory_space<hbm>>
        %dma_start3A_201 = tpu.memref_squeeze %dma_start3A_200 : memref<1x10000x128xf32, #tpu.memory_space<hbm>> -> memref<10000x128xf32, #tpu.memory_space<hbm>>
        %dma_start3A_202 = arith.constant 0 : i32
        %dma_start3A_203 = arith.constant 0 : i32
        %dma_start3A_204 = tpu.memref_slice %dma_start3A_201[%dma_start3A_202, %dma_start3A_203] : memref<10000x128xf32, #tpu.memory_space<hbm>> -> memref<10000x128xf32, #tpu.memory_space<hbm>>
        tpu.enqueue_indirect_dma source(%dma_start3A_204 : memref<10000x128xf32, #tpu.memory_space<hbm>>) target(%arg10 : memref<128x128xf32, #tpu.memory_space<vmem>>) offsets(%dma_start3A_197 : memref<128xi32, #tpu.memory_space<vmem>>) semaphore(%arg13 : memref<!tpu.dma_semaphore, #tpu.memory_space<semaphore_mem>>)
      } else {
      }
      %dma_wait3A_145 = arith.constant 0 : i32
      %dma_wait3A_146 = tpu.memref_slice %arg7[%add3A_134, %dma_wait3A_145] : memref<40x128xi32, #tpu.memory_space<vmem>> -> memref<1x128xi32, #tpu.memory_space<vmem>>
      %dma_wait3A_147 = tpu.memref_squeeze %dma_wait3A_146 : memref<1x128xi32, #tpu.memory_space<vmem>> -> memref<128xi32, #tpu.memory_space<vmem>>
      %dma_wait3A_148 = arith.constant 0 : i32
      %dma_wait3A_149 = arith.constant 0 : i32
      %dma_wait3A_150 = tpu.memref_slice %arg2[%arg0, %dma_wait3A_148, %dma_wait3A_149] : memref<2x10000x128xf32, #tpu.memory_space<hbm>> -> memref<1x10000x128xf32, #tpu.memory_space<hbm>>
      %dma_wait3A_151 = tpu.memref_squeeze %dma_wait3A_150 : memref<1x10000x128xf32, #tpu.memory_space<hbm>> -> memref<10000x128xf32, #tpu.memory_space<hbm>>
      %dma_wait3A_152 = arith.constant 0 : i32
      %dma_wait3A_153 = arith.constant 0 : i32
      %dma_wait3A_154 = tpu.memref_slice %dma_wait3A_151[%dma_wait3A_152, %dma_wait3A_153] : memref<10000x128xf32, #tpu.memory_space<hbm>> -> memref<10000x128xf32, #tpu.memory_space<hbm>>
      tpu.wait_indirect_dma semaphore(%arg12 : memref<!tpu.dma_semaphore, #tpu.memory_space<semaphore_mem>>) src(%dma_wait3A_154 : memref<10000x128xf32, #tpu.memory_space<hbm>>) dst(%arg9 : memref<128x128xf32, #tpu.memory_space<vmem>>)
      %dma_start3A_155 = arith.constant 0 : i32
      %dma_start3A_156 = tpu.memref_slice %arg8[%add3A_134, %dma_start3A_155] : memref<40x128xi32, #tpu.memory_space<vmem>> -> memref<1x128xi32, #tpu.memory_space<vmem>>
      %dma_start3A_157 = tpu.memref_squeeze %dma_start3A_156 : memref<1x128xi32, #tpu.memory_space<vmem>> -> memref<128xi32, #tpu.memory_space<vmem>>
      %dma_start3A_158 = arith.constant 0 : i32
      %dma_start3A_159 = arith.constant 0 : i32
      %dma_start3A_160 = tpu.memref_slice %arg11[%dma_start3A_158, %dma_start3A_159] : memref<10008x128xf32, #tpu.memory_space<vmem_shared>> -> memref<10008x128xf32, #tpu.memory_space<vmem_shared>>
      tpu.enqueue_indirect_dma source(%arg9 : memref<128x128xf32, #tpu.memory_space<vmem>>) target(%dma_start3A_160 : memref<10008x128xf32, #tpu.memory_space<vmem_shared>>) offsets(%dma_start3A_157 : memref<128xi32, #tpu.memory_space<vmem>>) semaphore(%arg14 : memref<!tpu.dma_semaphore, #tpu.memory_space<semaphore_mem>>) {add = true}
      %mul3A_161 = arith.constant 2 : i32
      %mul3A_162 = arith.muli %scan3A_130, %mul3A_161 : i32
      %add3A_163 = arith.constant 1 : i32
      %add3A_164 = arith.addi %mul3A_162, %add3A_163 : i32
      %ge3A_165 = arith.constant 1 : i32
      %ge3A_166 = arith.cmpi sge, %add3A_164, %ge3A_165 : i32
      %convert_element_type3A_167 = arith.extui %ge3A_166 : i1 to i32
      %cond3A_168 = arith.constant 0 : i32
      %cond3A_169 = arith.cmpi ne, %convert_element_type3A_167, %cond3A_168 : i32
      scf.if %cond3A_169 {
        %sub3A = arith.constant 1 : i32
        %sub3A_193 = arith.subi %add3A_164, %sub3A : i32
        %dma_wait3A_194 = arith.constant 0 : i32
        %dma_wait3A_195 = tpu.memref_slice %arg8[%sub3A_193, %dma_wait3A_194] : memref<40x128xi32, #tpu.memory_space<vmem>> -> memref<1x128xi32, #tpu.memory_space<vmem>>
        %dma_wait3A_196 = tpu.memref_squeeze %dma_wait3A_195 : memref<1x128xi32, #tpu.memory_space<vmem>> -> memref<128xi32, #tpu.memory_space<vmem>>
        %dma_wait3A_197 = arith.constant 0 : i32
        %dma_wait3A_198 = arith.constant 0 : i32
        %dma_wait3A_199 = tpu.memref_slice %arg11[%dma_wait3A_197, %dma_wait3A_198] : memref<10008x128xf32, #tpu.memory_space<vmem_shared>> -> memref<10008x128xf32, #tpu.memory_space<vmem_shared>>
        tpu.wait_indirect_dma semaphore(%arg14 : memref<!tpu.dma_semaphore, #tpu.memory_space<semaphore_mem>>) src(%arg9 : memref<128x128xf32, #tpu.memory_space<vmem>>) dst(%dma_wait3A_199 : memref<10008x128xf32, #tpu.memory_space<vmem_shared>>)
      } else {
      }
      %add3A_170 = arith.constant 1 : i32
      %add3A_171 = arith.addi %add3A_164, %add3A_170 : i32
      %lt3A_172 = arith.constant 40 : i32
      %lt3A_173 = arith.cmpi slt, %add3A_171, %lt3A_172 : i32
      %convert_element_type3A_174 = arith.extui %lt3A_173 : i1 to i32
      %cond3A_175 = arith.constant 0 : i32
      %cond3A_176 = arith.cmpi ne, %convert_element_type3A_174, %cond3A_175 : i32
      scf.if %cond3A_176 {
        %add3A_193 = arith.constant 1 : i32
        %add3A_194 = arith.addi %add3A_164, %add3A_193 : i32
        %dma_start3A_195 = arith.constant 0 : i32
        %dma_start3A_196 = tpu.memref_slice %arg7[%add3A_194, %dma_start3A_195] : memref<40x128xi32, #tpu.memory_space<vmem>> -> memref<1x128xi32, #tpu.memory_space<vmem>>
        %dma_start3A_197 = tpu.memref_squeeze %dma_start3A_196 : memref<1x128xi32, #tpu.memory_space<vmem>> -> memref<128xi32, #tpu.memory_space<vmem>>
        %dma_start3A_198 = arith.constant 0 : i32
        %dma_start3A_199 = arith.constant 0 : i32
        %dma_start3A_200 = tpu.memref_slice %arg2[%arg0, %dma_start3A_198, %dma_start3A_199] : memref<2x10000x128xf32, #tpu.memory_space<hbm>> -> memref<1x10000x128xf32, #tpu.memory_space<hbm>>
        %dma_start3A_201 = tpu.memref_squeeze %dma_start3A_200 : memref<1x10000x128xf32, #tpu.memory_space<hbm>> -> memref<10000x128xf32, #tpu.memory_space<hbm>>
        %dma_start3A_202 = arith.constant 0 : i32
        %dma_start3A_203 = arith.constant 0 : i32
        %dma_start3A_204 = tpu.memref_slice %dma_start3A_201[%dma_start3A_202, %dma_start3A_203] : memref<10000x128xf32, #tpu.memory_space<hbm>> -> memref<10000x128xf32, #tpu.memory_space<hbm>>
        tpu.enqueue_indirect_dma source(%dma_start3A_204 : memref<10000x128xf32, #tpu.memory_space<hbm>>) target(%arg9 : memref<128x128xf32, #tpu.memory_space<vmem>>) offsets(%dma_start3A_197 : memref<128xi32, #tpu.memory_space<vmem>>) semaphore(%arg12 : memref<!tpu.dma_semaphore, #tpu.memory_space<semaphore_mem>>)
      } else {
      }
      %dma_wait3A_177 = arith.constant 0 : i32
      %dma_wait3A_178 = tpu.memref_slice %arg7[%add3A_164, %dma_wait3A_177] : memref<40x128xi32, #tpu.memory_space<vmem>> -> memref<1x128xi32, #tpu.memory_space<vmem>>
      %dma_wait3A_179 = tpu.memref_squeeze %dma_wait3A_178 : memref<1x128xi32, #tpu.memory_space<vmem>> -> memref<128xi32, #tpu.memory_space<vmem>>
      %dma_wait3A_180 = arith.constant 0 : i32
      %dma_wait3A_181 = arith.constant 0 : i32
      %dma_wait3A_182 = tpu.memref_slice %arg2[%arg0, %dma_wait3A_180, %dma_wait3A_181] : memref<2x10000x128xf32, #tpu.memory_space<hbm>> -> memref<1x10000x128xf32, #tpu.memory_space<hbm>>
      %dma_wait3A_183 = tpu.memref_squeeze %dma_wait3A_182 : memref<1x10000x128xf32, #tpu.memory_space<hbm>> -> memref<10000x128xf32, #tpu.memory_space<hbm>>
      %dma_wait3A_184 = arith.constant 0 : i32
      %dma_wait3A_185 = arith.constant 0 : i32
      %dma_wait3A_186 = tpu.memref_slice %dma_wait3A_183[%dma_wait3A_184, %dma_wait3A_185] : memref<10000x128xf32, #tpu.memory_space<hbm>> -> memref<10000x128xf32, #tpu.memory_space<hbm>>
      tpu.wait_indirect_dma semaphore(%arg13 : memref<!tpu.dma_semaphore, #tpu.memory_space<semaphore_mem>>) src(%dma_wait3A_186 : memref<10000x128xf32, #tpu.memory_space<hbm>>) dst(%arg10 : memref<128x128xf32, #tpu.memory_space<vmem>>)
      %dma_start3A_187 = arith.constant 0 : i32
      %dma_start3A_188 = tpu.memref_slice %arg8[%add3A_164, %dma_start3A_187] : memref<40x128xi32, #tpu.memory_space<vmem>> -> memref<1x128xi32, #tpu.memory_space<vmem>>
      %dma_start3A_189 = tpu.memref_squeeze %dma_start3A_188 : memref<1x128xi32, #tpu.memory_space<vmem>> -> memref<128xi32, #tpu.memory_space<vmem>>
      %dma_start3A_190 = arith.constant 0 : i32
      %dma_start3A_191 = arith.constant 0 : i32
      %dma_start3A_192 = tpu.memref_slice %arg11[%dma_start3A_190, %dma_start3A_191] : memref<10008x128xf32, #tpu.memory_space<vmem_shared>> -> memref<10008x128xf32, #tpu.memory_space<vmem_shared>>
      tpu.enqueue_indirect_dma source(%arg10 : memref<128x128xf32, #tpu.memory_space<vmem>>) target(%dma_start3A_192 : memref<10008x128xf32, #tpu.memory_space<vmem_shared>>) offsets(%dma_start3A_189 : memref<128xi32, #tpu.memory_space<vmem>>) semaphore(%arg15 : memref<!tpu.dma_semaphore, #tpu.memory_space<semaphore_mem>>) {add = true}
    }
    %scan3A_35 = arith.constant 20 : i32
    %dma_wait3A_36 = arith.constant 39 : i32
    %dma_wait3A_37 = arith.constant 0 : i32
    %dma_wait3A_38 = tpu.memref_slice %arg8[%dma_wait3A_36, %dma_wait3A_37] : memref<40x128xi32, #tpu.memory_space<vmem>> -> memref<1x128xi32, #tpu.memory_space<vmem>>
    %dma_wait3A_39 = tpu.memref_squeeze %dma_wait3A_38 : memref<1x128xi32, #tpu.memory_space<vmem>> -> memref<128xi32, #tpu.memory_space<vmem>>
    %dma_wait3A_40 = arith.constant 0 : i32
    %dma_wait3A_41 = arith.constant 0 : i32
    %dma_wait3A_42 = tpu.memref_slice %arg11[%dma_wait3A_40, %dma_wait3A_41] : memref<10008x128xf32, #tpu.memory_space<vmem_shared>> -> memref<10008x128xf32, #tpu.memory_space<vmem_shared>>
    tpu.wait_indirect_dma semaphore(%arg15 : memref<!tpu.dma_semaphore, #tpu.memory_space<semaphore_mem>>) src(%arg10 : memref<128x128xf32, #tpu.memory_space<vmem>>) dst(%dma_wait3A_42 : memref<10008x128xf32, #tpu.memory_space<vmem_shared>>)
    %add3A_43 = arith.constant 40 : i32
    %add3A_44 = arith.addi %mul3A_0, %add3A_43 : i32
    %multiple_of3A_45 = tpu.assume_multiple %add3A_44, 8 : i32
    "tpu.region"() ({
      %run_scoped3A = tpu.sem_alloc : memref<!tpu.dma_semaphore, #tpu.memory_space<semaphore_mem>>
      %dma_start3A_130 = arith.constant 0 : i32
      %dma_start3A_131 = tpu.memref_slice %arg3[%multiple_of3A_45, %dma_start3A_130] : memref<2560x128xi32, #tpu.memory_space<hbm>> -> memref<40x128xi32, #tpu.memory_space<hbm>>
      %dma_start3A_132 = arith.constant 0 : i32
      %dma_start3A_133 = tpu.memref_slice %arg3[%multiple_of3A_45, %dma_start3A_132] : memref<2560x128xi32, #tpu.memory_space<hbm>> -> memref<40x128xi32, #tpu.memory_space<hbm>>
      tpu.enqueue_dma source(%dma_start3A_133 : memref<40x128xi32, #tpu.memory_space<hbm>>) target(%arg7 : memref<40x128xi32, #tpu.memory_space<vmem>>) target_semaphore(%run_scoped3A : memref<!tpu.dma_semaphore, #tpu.memory_space<semaphore_mem>>)
      %dma_wait3A_134 = arith.constant 0 : i32
      %dma_wait3A_135 = tpu.memref_slice %arg3[%multiple_of3A_45, %dma_wait3A_134] : memref<2560x128xi32, #tpu.memory_space<hbm>> -> memref<40x128xi32, #tpu.memory_space<hbm>>
      %dma_wait3A_136 = arith.constant 0 : i32
      %dma_wait3A_137 = tpu.memref_slice %arg3[%multiple_of3A_45, %dma_wait3A_136] : memref<2560x128xi32, #tpu.memory_space<hbm>> -> memref<40x128xi32, #tpu.memory_space<hbm>>
      tpu.wait_dma2 semaphore(%run_scoped3A : memref<!tpu.dma_semaphore, #tpu.memory_space<semaphore_mem>>) src(%dma_wait3A_137 : memref<40x128xi32, #tpu.memory_space<hbm>>) dst(%arg7 : memref<40x128xi32, #tpu.memory_space<vmem>>)
      tpu.yield
    }) : () -> ()
    "tpu.region"() ({
      %run_scoped3A = tpu.sem_alloc : memref<!tpu.dma_semaphore, #tpu.memory_space<semaphore_mem>>
      %dma_start3A_130 = arith.constant 0 : i32
      %dma_start3A_131 = tpu.memref_slice %arg4[%multiple_of3A_45, %dma_start3A_130] : memref<2560x128xi32, #tpu.memory_space<hbm>> -> memref<40x128xi32, #tpu.memory_space<hbm>>
      %dma_start3A_132 = arith.constant 0 : i32
      %dma_start3A_133 = tpu.memref_slice %arg4[%multiple_of3A_45, %dma_start3A_132] : memref<2560x128xi32, #tpu.memory_space<hbm>> -> memref<40x128xi32, #tpu.memory_space<hbm>>
      tpu.enqueue_dma source(%dma_start3A_133 : memref<40x128xi32, #tpu.memory_space<hbm>>) target(%arg8 : memref<40x128xi32, #tpu.memory_space<vmem>>) target_semaphore(%run_scoped3A : memref<!tpu.dma_semaphore, #tpu.memory_space<semaphore_mem>>)
      %dma_wait3A_134 = arith.constant 0 : i32
      %dma_wait3A_135 = tpu.memref_slice %arg4[%multiple_of3A_45, %dma_wait3A_134] : memref<2560x128xi32, #tpu.memory_space<hbm>> -> memref<40x128xi32, #tpu.memory_space<hbm>>
      %dma_wait3A_136 = arith.constant 0 : i32
      %dma_wait3A_137 = tpu.memref_slice %arg4[%multiple_of3A_45, %dma_wait3A_136] : memref<2560x128xi32, #tpu.memory_space<hbm>> -> memref<40x128xi32, #tpu.memory_space<hbm>>
      tpu.wait_dma2 semaphore(%run_scoped3A : memref<!tpu.dma_semaphore, #tpu.memory_space<semaphore_mem>>) src(%dma_wait3A_137 : memref<40x128xi32, #tpu.memory_space<hbm>>) dst(%arg8 : memref<40x128xi32, #tpu.memory_space<vmem>>)
      tpu.yield
    }) : () -> ()
    %dma_start3A_46 = arith.constant 0 : i32
    %dma_start3A_47 = arith.constant 0 : i32
    %dma_start3A_48 = tpu.memref_slice %arg7[%dma_start3A_46, %dma_start3A_47] : memref<40x128xi32, #tpu.memory_space<vmem>> -> memref<1x128xi32, #tpu.memory_space<vmem>>
    %dma_start3A_49 = tpu.memref_squeeze %dma_start3A_48 : memref<1x128xi32, #tpu.memory_space<vmem>> -> memref<128xi32, #tpu.memory_space<vmem>>
    %dma_start3A_50 = arith.constant 0 : i32
    %dma_start3A_51 = arith.constant 0 : i32
    %dma_start3A_52 = tpu.memref_slice %arg2[%arg0, %dma_start3A_50, %dma_start3A_51] : memref<2x10000x128xf32, #tpu.memory_space<hbm>> -> memref<1x10000x128xf32, #tpu.memory_space<hbm>>
    %dma_start3A_53 = tpu.memref_squeeze %dma_start3A_52 : memref<1x10000x128xf32, #tpu.memory_space<hbm>> -> memref<10000x128xf32, #tpu.memory_space<hbm>>
    %dma_start3A_54 = arith.constant 0 : i32
    %dma_start3A_55 = arith.constant 0 : i32
    %dma_start3A_56 = tpu.memref_slice %dma_start3A_53[%dma_start3A_54, %dma_start3A_55] : memref<10000x128xf32, #tpu.memory_space<hbm>> -> memref<10000x128xf32, #tpu.memory_space<hbm>>
    tpu.enqueue_indirect_dma source(%dma_start3A_56 : memref<10000x128xf32, #tpu.memory_space<hbm>>) target(%arg9 : memref<128x128xf32, #tpu.memory_space<vmem>>) offsets(%dma_start3A_49 : memref<128xi32, #tpu.memory_space<vmem>>) semaphore(%arg12 : memref<!tpu.dma_semaphore, #tpu.memory_space<semaphore_mem>>)
    %scan3A_57 = arith.constant 0 : i32
    %scan3A_58 = arith.constant 0 : i32
    %scan3A_59 = arith.constant 20 : i32
    %scan3A_60 = arith.addi %scan3A_58, %scan3A_59 : i32
    %scan3A_61 = arith.constant 1 : i32
    scf.for %scan3A_130 = %scan3A_58 to %scan3A_60 step %scan3A_61  : i32 {
      %mul3A_131 = arith.constant 2 : i32
      %mul3A_132 = arith.muli %scan3A_130, %mul3A_131 : i32
      %add3A_133 = arith.constant 0 : i32
      %add3A_134 = arith.addi %mul3A_132, %add3A_133 : i32
      %ge3A = arith.constant 1 : i32
      %ge3A_135 = arith.cmpi sge, %add3A_134, %ge3A : i32
      %convert_element_type3A_136 = arith.extui %ge3A_135 : i1 to i32
      %cond3A_137 = arith.constant 0 : i32
      %cond3A_138 = arith.cmpi ne, %convert_element_type3A_136, %cond3A_137 : i32
      scf.if %cond3A_138 {
        %sub3A = arith.constant 1 : i32
        %sub3A_193 = arith.subi %add3A_134, %sub3A : i32
        %dma_wait3A_194 = arith.constant 0 : i32
        %dma_wait3A_195 = tpu.memref_slice %arg8[%sub3A_193, %dma_wait3A_194] : memref<40x128xi32, #tpu.memory_space<vmem>> -> memref<1x128xi32, #tpu.memory_space<vmem>>
        %dma_wait3A_196 = tpu.memref_squeeze %dma_wait3A_195 : memref<1x128xi32, #tpu.memory_space<vmem>> -> memref<128xi32, #tpu.memory_space<vmem>>
        %dma_wait3A_197 = arith.constant 0 : i32
        %dma_wait3A_198 = arith.constant 0 : i32
        %dma_wait3A_199 = tpu.memref_slice %arg11[%dma_wait3A_197, %dma_wait3A_198] : memref<10008x128xf32, #tpu.memory_space<vmem_shared>> -> memref<10008x128xf32, #tpu.memory_space<vmem_shared>>
        tpu.wait_indirect_dma semaphore(%arg15 : memref<!tpu.dma_semaphore, #tpu.memory_space<semaphore_mem>>) src(%arg10 : memref<128x128xf32, #tpu.memory_space<vmem>>) dst(%dma_wait3A_199 : memref<10008x128xf32, #tpu.memory_space<vmem_shared>>)
      } else {
      }
      %add3A_139 = arith.constant 1 : i32
      %add3A_140 = arith.addi %add3A_134, %add3A_139 : i32
      %lt3A = arith.constant 40 : i32
      %lt3A_141 = arith.cmpi slt, %add3A_140, %lt3A : i32
      %convert_element_type3A_142 = arith.extui %lt3A_141 : i1 to i32
      %cond3A_143 = arith.constant 0 : i32
      %cond3A_144 = arith.cmpi ne, %convert_element_type3A_142, %cond3A_143 : i32
      scf.if %cond3A_144 {
        %add3A_193 = arith.constant 1 : i32
        %add3A_194 = arith.addi %add3A_134, %add3A_193 : i32
        %dma_start3A_195 = arith.constant 0 : i32
        %dma_start3A_196 = tpu.memref_slice %arg7[%add3A_194, %dma_start3A_195] : memref<40x128xi32, #tpu.memory_space<vmem>> -> memref<1x128xi32, #tpu.memory_space<vmem>>
        %dma_start3A_197 = tpu.memref_squeeze %dma_start3A_196 : memref<1x128xi32, #tpu.memory_space<vmem>> -> memref<128xi32, #tpu.memory_space<vmem>>
        %dma_start3A_198 = arith.constant 0 : i32
        %dma_start3A_199 = arith.constant 0 : i32
        %dma_start3A_200 = tpu.memref_slice %arg2[%arg0, %dma_start3A_198, %dma_start3A_199] : memref<2x10000x128xf32, #tpu.memory_space<hbm>> -> memref<1x10000x128xf32, #tpu.memory_space<hbm>>
        %dma_start3A_201 = tpu.memref_squeeze %dma_start3A_200 : memref<1x10000x128xf32, #tpu.memory_space<hbm>> -> memref<10000x128xf32, #tpu.memory_space<hbm>>
        %dma_start3A_202 = arith.constant 0 : i32
        %dma_start3A_203 = arith.constant 0 : i32
        %dma_start3A_204 = tpu.memref_slice %dma_start3A_201[%dma_start3A_202, %dma_start3A_203] : memref<10000x128xf32, #tpu.memory_space<hbm>> -> memref<10000x128xf32, #tpu.memory_space<hbm>>
        tpu.enqueue_indirect_dma source(%dma_start3A_204 : memref<10000x128xf32, #tpu.memory_space<hbm>>) target(%arg10 : memref<128x128xf32, #tpu.memory_space<vmem>>) offsets(%dma_start3A_197 : memref<128xi32, #tpu.memory_space<vmem>>) semaphore(%arg13 : memref<!tpu.dma_semaphore, #tpu.memory_space<semaphore_mem>>)
      } else {
      }
      %dma_wait3A_145 = arith.constant 0 : i32
      %dma_wait3A_146 = tpu.memref_slice %arg7[%add3A_134, %dma_wait3A_145] : memref<40x128xi32, #tpu.memory_space<vmem>> -> memref<1x128xi32, #tpu.memory_space<vmem>>
      %dma_wait3A_147 = tpu.memref_squeeze %dma_wait3A_146 : memref<1x128xi32, #tpu.memory_space<vmem>> -> memref<128xi32, #tpu.memory_space<vmem>>
      %dma_wait3A_148 = arith.constant 0 : i32
      %dma_wait3A_149 = arith.constant 0 : i32
      %dma_wait3A_150 = tpu.memref_slice %arg2[%arg0, %dma_wait3A_148, %dma_wait3A_149] : memref<2x10000x128xf32, #tpu.memory_space<hbm>> -> memref<1x10000x128xf32, #tpu.memory_space<hbm>>
      %dma_wait3A_151 = tpu.memref_squeeze %dma_wait3A_150 : memref<1x10000x128xf32, #tpu.memory_space<hbm>> -> memref<10000x128xf32, #tpu.memory_space<hbm>>
      %dma_wait3A_152 = arith.constant 0 : i32
      %dma_wait3A_153 = arith.constant 0 : i32
      %dma_wait3A_154 = tpu.memref_slice %dma_wait3A_151[%dma_wait3A_152, %dma_wait3A_153] : memref<10000x128xf32, #tpu.memory_space<hbm>> -> memref<10000x128xf32, #tpu.memory_space<hbm>>
      tpu.wait_indirect_dma semaphore(%arg12 : memref<!tpu.dma_semaphore, #tpu.memory_space<semaphore_mem>>) src(%dma_wait3A_154 : memref<10000x128xf32, #tpu.memory_space<hbm>>) dst(%arg9 : memref<128x128xf32, #tpu.memory_space<vmem>>)
      %dma_start3A_155 = arith.constant 0 : i32
      %dma_start3A_156 = tpu.memref_slice %arg8[%add3A_134, %dma_start3A_155] : memref<40x128xi32, #tpu.memory_space<vmem>> -> memref<1x128xi32, #tpu.memory_space<vmem>>
      %dma_start3A_157 = tpu.memref_squeeze %dma_start3A_156 : memref<1x128xi32, #tpu.memory_space<vmem>> -> memref<128xi32, #tpu.memory_space<vmem>>
      %dma_start3A_158 = arith.constant 0 : i32
      %dma_start3A_159 = arith.constant 0 : i32
      %dma_start3A_160 = tpu.memref_slice %arg11[%dma_start3A_158, %dma_start3A_159] : memref<10008x128xf32, #tpu.memory_space<vmem_shared>> -> memref<10008x128xf32, #tpu.memory_space<vmem_shared>>
      tpu.enqueue_indirect_dma source(%arg9 : memref<128x128xf32, #tpu.memory_space<vmem>>) target(%dma_start3A_160 : memref<10008x128xf32, #tpu.memory_space<vmem_shared>>) offsets(%dma_start3A_157 : memref<128xi32, #tpu.memory_space<vmem>>) semaphore(%arg14 : memref<!tpu.dma_semaphore, #tpu.memory_space<semaphore_mem>>) {add = true}
      %mul3A_161 = arith.constant 2 : i32
      %mul3A_162 = arith.muli %scan3A_130, %mul3A_161 : i32
      %add3A_163 = arith.constant 1 : i32
      %add3A_164 = arith.addi %mul3A_162, %add3A_163 : i32
      %ge3A_165 = arith.constant 1 : i32
      %ge3A_166 = arith.cmpi sge, %add3A_164, %ge3A_165 : i32
      %convert_element_type3A_167 = arith.extui %ge3A_166 : i1 to i32
      %cond3A_168 = arith.constant 0 : i32
      %cond3A_169 = arith.cmpi ne, %convert_element_type3A_167, %cond3A_168 : i32
      scf.if %cond3A_169 {
        %sub3A = arith.constant 1 : i32
        %sub3A_193 = arith.subi %add3A_164, %sub3A : i32
        %dma_wait3A_194 = arith.constant 0 : i32
        %dma_wait3A_195 = tpu.memref_slice %arg8[%sub3A_193, %dma_wait3A_194] : memref<40x128xi32, #tpu.memory_space<vmem>> -> memref<1x128xi32, #tpu.memory_space<vmem>>
        %dma_wait3A_196 = tpu.memref_squeeze %dma_wait3A_195 : memref<1x128xi32, #tpu.memory_space<vmem>> -> memref<128xi32, #tpu.memory_space<vmem>>
        %dma_wait3A_197 = arith.constant 0 : i32
        %dma_wait3A_198 = arith.constant 0 : i32
        %dma_wait3A_199 = tpu.memref_slice %arg11[%dma_wait3A_197, %dma_wait3A_198] : memref<10008x128xf32, #tpu.memory_space<vmem_shared>> -> memref<10008x128xf32, #tpu.memory_space<vmem_shared>>
        tpu.wait_indirect_dma semaphore(%arg14 : memref<!tpu.dma_semaphore, #tpu.memory_space<semaphore_mem>>) src(%arg9 : memref<128x128xf32, #tpu.memory_space<vmem>>) dst(%dma_wait3A_199 : memref<10008x128xf32, #tpu.memory_space<vmem_shared>>)
      } else {
      }
      %add3A_170 = arith.constant 1 : i32
      %add3A_171 = arith.addi %add3A_164, %add3A_170 : i32
      %lt3A_172 = arith.constant 40 : i32
      %lt3A_173 = arith.cmpi slt, %add3A_171, %lt3A_172 : i32
      %convert_element_type3A_174 = arith.extui %lt3A_173 : i1 to i32
      %cond3A_175 = arith.constant 0 : i32
      %cond3A_176 = arith.cmpi ne, %convert_element_type3A_174, %cond3A_175 : i32
      scf.if %cond3A_176 {
        %add3A_193 = arith.constant 1 : i32
        %add3A_194 = arith.addi %add3A_164, %add3A_193 : i32
        %dma_start3A_195 = arith.constant 0 : i32
        %dma_start3A_196 = tpu.memref_slice %arg7[%add3A_194, %dma_start3A_195] : memref<40x128xi32, #tpu.memory_space<vmem>> -> memref<1x128xi32, #tpu.memory_space<vmem>>
        %dma_start3A_197 = tpu.memref_squeeze %dma_start3A_196 : memref<1x128xi32, #tpu.memory_space<vmem>> -> memref<128xi32, #tpu.memory_space<vmem>>
        %dma_start3A_198 = arith.constant 0 : i32
        %dma_start3A_199 = arith.constant 0 : i32
        %dma_start3A_200 = tpu.memref_slice %arg2[%arg0, %dma_start3A_198, %dma_start3A_199] : memref<2x10000x128xf32, #tpu.memory_space<hbm>> -> memref<1x10000x128xf32, #tpu.memory_space<hbm>>
        %dma_start3A_201 = tpu.memref_squeeze %dma_start3A_200 : memref<1x10000x128xf32, #tpu.memory_space<hbm>> -> memref<10000x128xf32, #tpu.memory_space<hbm>>
        %dma_start3A_202 = arith.constant 0 : i32
        %dma_start3A_203 = arith.constant 0 : i32
        %dma_start3A_204 = tpu.memref_slice %dma_start3A_201[%dma_start3A_202, %dma_start3A_203] : memref<10000x128xf32, #tpu.memory_space<hbm>> -> memref<10000x128xf32, #tpu.memory_space<hbm>>
        tpu.enqueue_indirect_dma source(%dma_start3A_204 : memref<10000x128xf32, #tpu.memory_space<hbm>>) target(%arg9 : memref<128x128xf32, #tpu.memory_space<vmem>>) offsets(%dma_start3A_197 : memref<128xi32, #tpu.memory_space<vmem>>) semaphore(%arg12 : memref<!tpu.dma_semaphore, #tpu.memory_space<semaphore_mem>>)
      } else {
      }
      %dma_wait3A_177 = arith.constant 0 : i32
      %dma_wait3A_178 = tpu.memref_slice %arg7[%add3A_164, %dma_wait3A_177] : memref<40x128xi32, #tpu.memory_space<vmem>> -> memref<1x128xi32, #tpu.memory_space<vmem>>
      %dma_wait3A_179 = tpu.memref_squeeze %dma_wait3A_178 : memref<1x128xi32, #tpu.memory_space<vmem>> -> memref<128xi32, #tpu.memory_space<vmem>>
      %dma_wait3A_180 = arith.constant 0 : i32
      %dma_wait3A_181 = arith.constant 0 : i32
      %dma_wait3A_182 = tpu.memref_slice %arg2[%arg0, %dma_wait3A_180, %dma_wait3A_181] : memref<2x10000x128xf32, #tpu.memory_space<hbm>> -> memref<1x10000x128xf32, #tpu.memory_space<hbm>>
      %dma_wait3A_183 = tpu.memref_squeeze %dma_wait3A_182 : memref<1x10000x128xf32, #tpu.memory_space<hbm>> -> memref<10000x128xf32, #tpu.memory_space<hbm>>
      %dma_wait3A_184 = arith.constant 0 : i32
      %dma_wait3A_185 = arith.constant 0 : i32
      %dma_wait3A_186 = tpu.memref_slice %dma_wait3A_183[%dma_wait3A_184, %dma_wait3A_185] : memref<10000x128xf32, #tpu.memory_space<hbm>> -> memref<10000x128xf32, #tpu.memory_space<hbm>>
      tpu.wait_indirect_dma semaphore(%arg13 : memref<!tpu.dma_semaphore, #tpu.memory_space<semaphore_mem>>) src(%dma_wait3A_186 : memref<10000x128xf32, #tpu.memory_space<hbm>>) dst(%arg10 : memref<128x128xf32, #tpu.memory_space<vmem>>)
      %dma_start3A_187 = arith.constant 0 : i32
      %dma_start3A_188 = tpu.memref_slice %arg8[%add3A_164, %dma_start3A_187] : memref<40x128xi32, #tpu.memory_space<vmem>> -> memref<1x128xi32, #tpu.memory_space<vmem>>
      %dma_start3A_189 = tpu.memref_squeeze %dma_start3A_188 : memref<1x128xi32, #tpu.memory_space<vmem>> -> memref<128xi32, #tpu.memory_space<vmem>>
      %dma_start3A_190 = arith.constant 0 : i32
      %dma_start3A_191 = arith.constant 0 : i32
      %dma_start3A_192 = tpu.memref_slice %arg11[%dma_start3A_190, %dma_start3A_191] : memref<10008x128xf32, #tpu.memory_space<vmem_shared>> -> memref<10008x128xf32, #tpu.memory_space<vmem_shared>>
      tpu.enqueue_indirect_dma source(%arg10 : memref<128x128xf32, #tpu.memory_space<vmem>>) target(%dma_start3A_192 : memref<10008x128xf32, #tpu.memory_space<vmem_shared>>) offsets(%dma_start3A_189 : memref<128xi32, #tpu.memory_space<vmem>>) semaphore(%arg15 : memref<!tpu.dma_semaphore, #tpu.memory_space<semaphore_mem>>) {add = true}
    }
    %scan3A_62 = arith.constant 20 : i32
    %dma_wait3A_63 = arith.constant 39 : i32
    %dma_wait3A_64 = arith.constant 0 : i32
    %dma_wait3A_65 = tpu.memref_slice %arg8[%dma_wait3A_63, %dma_wait3A_64] : memref<40x128xi32, #tpu.memory_space<vmem>> -> memref<1x128xi32, #tpu.memory_space<vmem>>
    %dma_wait3A_66 = tpu.memref_squeeze %dma_wait3A_65 : memref<1x128xi32, #tpu.memory_space<vmem>> -> memref<128xi32, #tpu.memory_space<vmem>>
    %dma_wait3A_67 = arith.constant 0 : i32
    %dma_wait3A_68 = arith.constant 0 : i32
    %dma_wait3A_69 = tpu.memref_slice %arg11[%dma_wait3A_67, %dma_wait3A_68] : memref<10008x128xf32, #tpu.memory_space<vmem_shared>> -> memref<10008x128xf32, #tpu.memory_space<vmem_shared>>
    tpu.wait_indirect_dma semaphore(%arg15 : memref<!tpu.dma_semaphore, #tpu.memory_space<semaphore_mem>>) src(%arg10 : memref<128x128xf32, #tpu.memory_space<vmem>>) dst(%dma_wait3A_69 : memref<10008x128xf32, #tpu.memory_space<vmem_shared>>)
    %add3A_70 = arith.constant 80 : i32
    %add3A_71 = arith.addi %mul3A_0, %add3A_70 : i32
    %multiple_of3A_72 = tpu.assume_multiple %add3A_71, 8 : i32
    "tpu.region"() ({
      %run_scoped3A = tpu.sem_alloc : memref<!tpu.dma_semaphore, #tpu.memory_space<semaphore_mem>>
      %dma_start3A_130 = arith.constant 0 : i32
      %dma_start3A_131 = tpu.memref_slice %arg3[%multiple_of3A_72, %dma_start3A_130] : memref<2560x128xi32, #tpu.memory_space<hbm>> -> memref<40x128xi32, #tpu.memory_space<hbm>>
      %dma_start3A_132 = arith.constant 0 : i32
      %dma_start3A_133 = tpu.memref_slice %arg3[%multiple_of3A_72, %dma_start3A_132] : memref<2560x128xi32, #tpu.memory_space<hbm>> -> memref<40x128xi32, #tpu.memory_space<hbm>>
      tpu.enqueue_dma source(%dma_start3A_133 : memref<40x128xi32, #tpu.memory_space<hbm>>) target(%arg7 : memref<40x128xi32, #tpu.memory_space<vmem>>) target_semaphore(%run_scoped3A : memref<!tpu.dma_semaphore, #tpu.memory_space<semaphore_mem>>)
      %dma_wait3A_134 = arith.constant 0 : i32
      %dma_wait3A_135 = tpu.memref_slice %arg3[%multiple_of3A_72, %dma_wait3A_134] : memref<2560x128xi32, #tpu.memory_space<hbm>> -> memref<40x128xi32, #tpu.memory_space<hbm>>
      %dma_wait3A_136 = arith.constant 0 : i32
      %dma_wait3A_137 = tpu.memref_slice %arg3[%multiple_of3A_72, %dma_wait3A_136] : memref<2560x128xi32, #tpu.memory_space<hbm>> -> memref<40x128xi32, #tpu.memory_space<hbm>>
      tpu.wait_dma2 semaphore(%run_scoped3A : memref<!tpu.dma_semaphore, #tpu.memory_space<semaphore_mem>>) src(%dma_wait3A_137 : memref<40x128xi32, #tpu.memory_space<hbm>>) dst(%arg7 : memref<40x128xi32, #tpu.memory_space<vmem>>)
      tpu.yield
    }) : () -> ()
    "tpu.region"() ({
      %run_scoped3A = tpu.sem_alloc : memref<!tpu.dma_semaphore, #tpu.memory_space<semaphore_mem>>
      %dma_start3A_130 = arith.constant 0 : i32
      %dma_start3A_131 = tpu.memref_slice %arg4[%multiple_of3A_72, %dma_start3A_130] : memref<2560x128xi32, #tpu.memory_space<hbm>> -> memref<40x128xi32, #tpu.memory_space<hbm>>
      %dma_start3A_132 = arith.constant 0 : i32
      %dma_start3A_133 = tpu.memref_slice %arg4[%multiple_of3A_72, %dma_start3A_132] : memref<2560x128xi32, #tpu.memory_space<hbm>> -> memref<40x128xi32, #tpu.memory_space<hbm>>
      tpu.enqueue_dma source(%dma_start3A_133 : memref<40x128xi32, #tpu.memory_space<hbm>>) target(%arg8 : memref<40x128xi32, #tpu.memory_space<vmem>>) target_semaphore(%run_scoped3A : memref<!tpu.dma_semaphore, #tpu.memory_space<semaphore_mem>>)
      %dma_wait3A_134 = arith.constant 0 : i32
      %dma_wait3A_135 = tpu.memref_slice %arg4[%multiple_of3A_72, %dma_wait3A_134] : memref<2560x128xi32, #tpu.memory_space<hbm>> -> memref<40x128xi32, #tpu.memory_space<hbm>>
      %dma_wait3A_136 = arith.constant 0 : i32
      %dma_wait3A_137 = tpu.memref_slice %arg4[%multiple_of3A_72, %dma_wait3A_136] : memref<2560x128xi32, #tpu.memory_space<hbm>> -> memref<40x128xi32, #tpu.memory_space<hbm>>
      tpu.wait_dma2 semaphore(%run_scoped3A : memref<!tpu.dma_semaphore, #tpu.memory_space<semaphore_mem>>) src(%dma_wait3A_137 : memref<40x128xi32, #tpu.memory_space<hbm>>) dst(%arg8 : memref<40x128xi32, #tpu.memory_space<vmem>>)
      tpu.yield
    }) : () -> ()
    %dma_start3A_73 = arith.constant 0 : i32
    %dma_start3A_74 = arith.constant 0 : i32
    %dma_start3A_75 = tpu.memref_slice %arg7[%dma_start3A_73, %dma_start3A_74] : memref<40x128xi32, #tpu.memory_space<vmem>> -> memref<1x128xi32, #tpu.memory_space<vmem>>
    %dma_start3A_76 = tpu.memref_squeeze %dma_start3A_75 : memref<1x128xi32, #tpu.memory_space<vmem>> -> memref<128xi32, #tpu.memory_space<vmem>>
    %dma_start3A_77 = arith.constant 0 : i32
    %dma_start3A_78 = arith.constant 0 : i32
    %dma_start3A_79 = tpu.memref_slice %arg2[%arg0, %dma_start3A_77, %dma_start3A_78] : memref<2x10000x128xf32, #tpu.memory_space<hbm>> -> memref<1x10000x128xf32, #tpu.memory_space<hbm>>
    %dma_start3A_80 = tpu.memref_squeeze %dma_start3A_79 : memref<1x10000x128xf32, #tpu.memory_space<hbm>> -> memref<10000x128xf32, #tpu.memory_space<hbm>>
    %dma_start3A_81 = arith.constant 0 : i32
    %dma_start3A_82 = arith.constant 0 : i32
    %dma_start3A_83 = tpu.memref_slice %dma_start3A_80[%dma_start3A_81, %dma_start3A_82] : memref<10000x128xf32, #tpu.memory_space<hbm>> -> memref<10000x128xf32, #tpu.memory_space<hbm>>
    tpu.enqueue_indirect_dma source(%dma_start3A_83 : memref<10000x128xf32, #tpu.memory_space<hbm>>) target(%arg9 : memref<128x128xf32, #tpu.memory_space<vmem>>) offsets(%dma_start3A_76 : memref<128xi32, #tpu.memory_space<vmem>>) semaphore(%arg12 : memref<!tpu.dma_semaphore, #tpu.memory_space<semaphore_mem>>)
    %scan3A_84 = arith.constant 0 : i32
    %scan3A_85 = arith.constant 0 : i32
    %scan3A_86 = arith.constant 20 : i32
    %scan3A_87 = arith.addi %scan3A_85, %scan3A_86 : i32
    %scan3A_88 = arith.constant 1 : i32
    scf.for %scan3A_130 = %scan3A_85 to %scan3A_87 step %scan3A_88  : i32 {
      %mul3A_131 = arith.constant 2 : i32
      %mul3A_132 = arith.muli %scan3A_130, %mul3A_131 : i32
      %add3A_133 = arith.constant 0 : i32
      %add3A_134 = arith.addi %mul3A_132, %add3A_133 : i32
      %ge3A = arith.constant 1 : i32
      %ge3A_135 = arith.cmpi sge, %add3A_134, %ge3A : i32
      %convert_element_type3A_136 = arith.extui %ge3A_135 : i1 to i32
      %cond3A_137 = arith.constant 0 : i32
      %cond3A_138 = arith.cmpi ne, %convert_element_type3A_136, %cond3A_137 : i32
      scf.if %cond3A_138 {
        %sub3A = arith.constant 1 : i32
        %sub3A_193 = arith.subi %add3A_134, %sub3A : i32
        %dma_wait3A_194 = arith.constant 0 : i32
        %dma_wait3A_195 = tpu.memref_slice %arg8[%sub3A_193, %dma_wait3A_194] : memref<40x128xi32, #tpu.memory_space<vmem>> -> memref<1x128xi32, #tpu.memory_space<vmem>>
        %dma_wait3A_196 = tpu.memref_squeeze %dma_wait3A_195 : memref<1x128xi32, #tpu.memory_space<vmem>> -> memref<128xi32, #tpu.memory_space<vmem>>
        %dma_wait3A_197 = arith.constant 0 : i32
        %dma_wait3A_198 = arith.constant 0 : i32
        %dma_wait3A_199 = tpu.memref_slice %arg11[%dma_wait3A_197, %dma_wait3A_198] : memref<10008x128xf32, #tpu.memory_space<vmem_shared>> -> memref<10008x128xf32, #tpu.memory_space<vmem_shared>>
        tpu.wait_indirect_dma semaphore(%arg15 : memref<!tpu.dma_semaphore, #tpu.memory_space<semaphore_mem>>) src(%arg10 : memref<128x128xf32, #tpu.memory_space<vmem>>) dst(%dma_wait3A_199 : memref<10008x128xf32, #tpu.memory_space<vmem_shared>>)
      } else {
      }
      %add3A_139 = arith.constant 1 : i32
      %add3A_140 = arith.addi %add3A_134, %add3A_139 : i32
      %lt3A = arith.constant 40 : i32
      %lt3A_141 = arith.cmpi slt, %add3A_140, %lt3A : i32
      %convert_element_type3A_142 = arith.extui %lt3A_141 : i1 to i32
      %cond3A_143 = arith.constant 0 : i32
      %cond3A_144 = arith.cmpi ne, %convert_element_type3A_142, %cond3A_143 : i32
      scf.if %cond3A_144 {
        %add3A_193 = arith.constant 1 : i32
        %add3A_194 = arith.addi %add3A_134, %add3A_193 : i32
        %dma_start3A_195 = arith.constant 0 : i32
        %dma_start3A_196 = tpu.memref_slice %arg7[%add3A_194, %dma_start3A_195] : memref<40x128xi32, #tpu.memory_space<vmem>> -> memref<1x128xi32, #tpu.memory_space<vmem>>
        %dma_start3A_197 = tpu.memref_squeeze %dma_start3A_196 : memref<1x128xi32, #tpu.memory_space<vmem>> -> memref<128xi32, #tpu.memory_space<vmem>>
        %dma_start3A_198 = arith.constant 0 : i32
        %dma_start3A_199 = arith.constant 0 : i32
        %dma_start3A_200 = tpu.memref_slice %arg2[%arg0, %dma_start3A_198, %dma_start3A_199] : memref<2x10000x128xf32, #tpu.memory_space<hbm>> -> memref<1x10000x128xf32, #tpu.memory_space<hbm>>
        %dma_start3A_201 = tpu.memref_squeeze %dma_start3A_200 : memref<1x10000x128xf32, #tpu.memory_space<hbm>> -> memref<10000x128xf32, #tpu.memory_space<hbm>>
        %dma_start3A_202 = arith.constant 0 : i32
        %dma_start3A_203 = arith.constant 0 : i32
        %dma_start3A_204 = tpu.memref_slice %dma_start3A_201[%dma_start3A_202, %dma_start3A_203] : memref<10000x128xf32, #tpu.memory_space<hbm>> -> memref<10000x128xf32, #tpu.memory_space<hbm>>
        tpu.enqueue_indirect_dma source(%dma_start3A_204 : memref<10000x128xf32, #tpu.memory_space<hbm>>) target(%arg10 : memref<128x128xf32, #tpu.memory_space<vmem>>) offsets(%dma_start3A_197 : memref<128xi32, #tpu.memory_space<vmem>>) semaphore(%arg13 : memref<!tpu.dma_semaphore, #tpu.memory_space<semaphore_mem>>)
      } else {
      }
      %dma_wait3A_145 = arith.constant 0 : i32
      %dma_wait3A_146 = tpu.memref_slice %arg7[%add3A_134, %dma_wait3A_145] : memref<40x128xi32, #tpu.memory_space<vmem>> -> memref<1x128xi32, #tpu.memory_space<vmem>>
      %dma_wait3A_147 = tpu.memref_squeeze %dma_wait3A_146 : memref<1x128xi32, #tpu.memory_space<vmem>> -> memref<128xi32, #tpu.memory_space<vmem>>
      %dma_wait3A_148 = arith.constant 0 : i32
      %dma_wait3A_149 = arith.constant 0 : i32
      %dma_wait3A_150 = tpu.memref_slice %arg2[%arg0, %dma_wait3A_148, %dma_wait3A_149] : memref<2x10000x128xf32, #tpu.memory_space<hbm>> -> memref<1x10000x128xf32, #tpu.memory_space<hbm>>
      %dma_wait3A_151 = tpu.memref_squeeze %dma_wait3A_150 : memref<1x10000x128xf32, #tpu.memory_space<hbm>> -> memref<10000x128xf32, #tpu.memory_space<hbm>>
      %dma_wait3A_152 = arith.constant 0 : i32
      %dma_wait3A_153 = arith.constant 0 : i32
      %dma_wait3A_154 = tpu.memref_slice %dma_wait3A_151[%dma_wait3A_152, %dma_wait3A_153] : memref<10000x128xf32, #tpu.memory_space<hbm>> -> memref<10000x128xf32, #tpu.memory_space<hbm>>
      tpu.wait_indirect_dma semaphore(%arg12 : memref<!tpu.dma_semaphore, #tpu.memory_space<semaphore_mem>>) src(%dma_wait3A_154 : memref<10000x128xf32, #tpu.memory_space<hbm>>) dst(%arg9 : memref<128x128xf32, #tpu.memory_space<vmem>>)
      %dma_start3A_155 = arith.constant 0 : i32
      %dma_start3A_156 = tpu.memref_slice %arg8[%add3A_134, %dma_start3A_155] : memref<40x128xi32, #tpu.memory_space<vmem>> -> memref<1x128xi32, #tpu.memory_space<vmem>>
      %dma_start3A_157 = tpu.memref_squeeze %dma_start3A_156 : memref<1x128xi32, #tpu.memory_space<vmem>> -> memref<128xi32, #tpu.memory_space<vmem>>
      %dma_start3A_158 = arith.constant 0 : i32
      %dma_start3A_159 = arith.constant 0 : i32
      %dma_start3A_160 = tpu.memref_slice %arg11[%dma_start3A_158, %dma_start3A_159] : memref<10008x128xf32, #tpu.memory_space<vmem_shared>> -> memref<10008x128xf32, #tpu.memory_space<vmem_shared>>
      tpu.enqueue_indirect_dma source(%arg9 : memref<128x128xf32, #tpu.memory_space<vmem>>) target(%dma_start3A_160 : memref<10008x128xf32, #tpu.memory_space<vmem_shared>>) offsets(%dma_start3A_157 : memref<128xi32, #tpu.memory_space<vmem>>) semaphore(%arg14 : memref<!tpu.dma_semaphore, #tpu.memory_space<semaphore_mem>>) {add = true}
      %mul3A_161 = arith.constant 2 : i32
      %mul3A_162 = arith.muli %scan3A_130, %mul3A_161 : i32
      %add3A_163 = arith.constant 1 : i32
      %add3A_164 = arith.addi %mul3A_162, %add3A_163 : i32
      %ge3A_165 = arith.constant 1 : i32
      %ge3A_166 = arith.cmpi sge, %add3A_164, %ge3A_165 : i32
      %convert_element_type3A_167 = arith.extui %ge3A_166 : i1 to i32
      %cond3A_168 = arith.constant 0 : i32
      %cond3A_169 = arith.cmpi ne, %convert_element_type3A_167, %cond3A_168 : i32
      scf.if %cond3A_169 {
        %sub3A = arith.constant 1 : i32
        %sub3A_193 = arith.subi %add3A_164, %sub3A : i32
        %dma_wait3A_194 = arith.constant 0 : i32
        %dma_wait3A_195 = tpu.memref_slice %arg8[%sub3A_193, %dma_wait3A_194] : memref<40x128xi32, #tpu.memory_space<vmem>> -> memref<1x128xi32, #tpu.memory_space<vmem>>
        %dma_wait3A_196 = tpu.memref_squeeze %dma_wait3A_195 : memref<1x128xi32, #tpu.memory_space<vmem>> -> memref<128xi32, #tpu.memory_space<vmem>>
        %dma_wait3A_197 = arith.constant 0 : i32
        %dma_wait3A_198 = arith.constant 0 : i32
        %dma_wait3A_199 = tpu.memref_slice %arg11[%dma_wait3A_197, %dma_wait3A_198] : memref<10008x128xf32, #tpu.memory_space<vmem_shared>> -> memref<10008x128xf32, #tpu.memory_space<vmem_shared>>
        tpu.wait_indirect_dma semaphore(%arg14 : memref<!tpu.dma_semaphore, #tpu.memory_space<semaphore_mem>>) src(%arg9 : memref<128x128xf32, #tpu.memory_space<vmem>>) dst(%dma_wait3A_199 : memref<10008x128xf32, #tpu.memory_space<vmem_shared>>)
      } else {
      }
      %add3A_170 = arith.constant 1 : i32
      %add3A_171 = arith.addi %add3A_164, %add3A_170 : i32
      %lt3A_172 = arith.constant 40 : i32
      %lt3A_173 = arith.cmpi slt, %add3A_171, %lt3A_172 : i32
      %convert_element_type3A_174 = arith.extui %lt3A_173 : i1 to i32
      %cond3A_175 = arith.constant 0 : i32
      %cond3A_176 = arith.cmpi ne, %convert_element_type3A_174, %cond3A_175 : i32
      scf.if %cond3A_176 {
        %add3A_193 = arith.constant 1 : i32
        %add3A_194 = arith.addi %add3A_164, %add3A_193 : i32
        %dma_start3A_195 = arith.constant 0 : i32
        %dma_start3A_196 = tpu.memref_slice %arg7[%add3A_194, %dma_start3A_195] : memref<40x128xi32, #tpu.memory_space<vmem>> -> memref<1x128xi32, #tpu.memory_space<vmem>>
        %dma_start3A_197 = tpu.memref_squeeze %dma_start3A_196 : memref<1x128xi32, #tpu.memory_space<vmem>> -> memref<128xi32, #tpu.memory_space<vmem>>
        %dma_start3A_198 = arith.constant 0 : i32
        %dma_start3A_199 = arith.constant 0 : i32
        %dma_start3A_200 = tpu.memref_slice %arg2[%arg0, %dma_start3A_198, %dma_start3A_199] : memref<2x10000x128xf32, #tpu.memory_space<hbm>> -> memref<1x10000x128xf32, #tpu.memory_space<hbm>>
        %dma_start3A_201 = tpu.memref_squeeze %dma_start3A_200 : memref<1x10000x128xf32, #tpu.memory_space<hbm>> -> memref<10000x128xf32, #tpu.memory_space<hbm>>
        %dma_start3A_202 = arith.constant 0 : i32
        %dma_start3A_203 = arith.constant 0 : i32
        %dma_start3A_204 = tpu.memref_slice %dma_start3A_201[%dma_start3A_202, %dma_start3A_203] : memref<10000x128xf32, #tpu.memory_space<hbm>> -> memref<10000x128xf32, #tpu.memory_space<hbm>>
        tpu.enqueue_indirect_dma source(%dma_start3A_204 : memref<10000x128xf32, #tpu.memory_space<hbm>>) target(%arg9 : memref<128x128xf32, #tpu.memory_space<vmem>>) offsets(%dma_start3A_197 : memref<128xi32, #tpu.memory_space<vmem>>) semaphore(%arg12 : memref<!tpu.dma_semaphore, #tpu.memory_space<semaphore_mem>>)
      } else {
      }
      %dma_wait3A_177 = arith.constant 0 : i32
      %dma_wait3A_178 = tpu.memref_slice %arg7[%add3A_164, %dma_wait3A_177] : memref<40x128xi32, #tpu.memory_space<vmem>> -> memref<1x128xi32, #tpu.memory_space<vmem>>
      %dma_wait3A_179 = tpu.memref_squeeze %dma_wait3A_178 : memref<1x128xi32, #tpu.memory_space<vmem>> -> memref<128xi32, #tpu.memory_space<vmem>>
      %dma_wait3A_180 = arith.constant 0 : i32
      %dma_wait3A_181 = arith.constant 0 : i32
      %dma_wait3A_182 = tpu.memref_slice %arg2[%arg0, %dma_wait3A_180, %dma_wait3A_181] : memref<2x10000x128xf32, #tpu.memory_space<hbm>> -> memref<1x10000x128xf32, #tpu.memory_space<hbm>>
      %dma_wait3A_183 = tpu.memref_squeeze %dma_wait3A_182 : memref<1x10000x128xf32, #tpu.memory_space<hbm>> -> memref<10000x128xf32, #tpu.memory_space<hbm>>
      %dma_wait3A_184 = arith.constant 0 : i32
      %dma_wait3A_185 = arith.constant 0 : i32
      %dma_wait3A_186 = tpu.memref_slice %dma_wait3A_183[%dma_wait3A_184, %dma_wait3A_185] : memref<10000x128xf32, #tpu.memory_space<hbm>> -> memref<10000x128xf32, #tpu.memory_space<hbm>>
      tpu.wait_indirect_dma semaphore(%arg13 : memref<!tpu.dma_semaphore, #tpu.memory_space<semaphore_mem>>) src(%dma_wait3A_186 : memref<10000x128xf32, #tpu.memory_space<hbm>>) dst(%arg10 : memref<128x128xf32, #tpu.memory_space<vmem>>)
      %dma_start3A_187 = arith.constant 0 : i32
      %dma_start3A_188 = tpu.memref_slice %arg8[%add3A_164, %dma_start3A_187] : memref<40x128xi32, #tpu.memory_space<vmem>> -> memref<1x128xi32, #tpu.memory_space<vmem>>
      %dma_start3A_189 = tpu.memref_squeeze %dma_start3A_188 : memref<1x128xi32, #tpu.memory_space<vmem>> -> memref<128xi32, #tpu.memory_space<vmem>>
      %dma_start3A_190 = arith.constant 0 : i32
      %dma_start3A_191 = arith.constant 0 : i32
      %dma_start3A_192 = tpu.memref_slice %arg11[%dma_start3A_190, %dma_start3A_191] : memref<10008x128xf32, #tpu.memory_space<vmem_shared>> -> memref<10008x128xf32, #tpu.memory_space<vmem_shared>>
      tpu.enqueue_indirect_dma source(%arg10 : memref<128x128xf32, #tpu.memory_space<vmem>>) target(%dma_start3A_192 : memref<10008x128xf32, #tpu.memory_space<vmem_shared>>) offsets(%dma_start3A_189 : memref<128xi32, #tpu.memory_space<vmem>>) semaphore(%arg15 : memref<!tpu.dma_semaphore, #tpu.memory_space<semaphore_mem>>) {add = true}
    }
    %scan3A_89 = arith.constant 20 : i32
    %dma_wait3A_90 = arith.constant 39 : i32
    %dma_wait3A_91 = arith.constant 0 : i32
    %dma_wait3A_92 = tpu.memref_slice %arg8[%dma_wait3A_90, %dma_wait3A_91] : memref<40x128xi32, #tpu.memory_space<vmem>> -> memref<1x128xi32, #tpu.memory_space<vmem>>
    %dma_wait3A_93 = tpu.memref_squeeze %dma_wait3A_92 : memref<1x128xi32, #tpu.memory_space<vmem>> -> memref<128xi32, #tpu.memory_space<vmem>>
    %dma_wait3A_94 = arith.constant 0 : i32
    %dma_wait3A_95 = arith.constant 0 : i32
    %dma_wait3A_96 = tpu.memref_slice %arg11[%dma_wait3A_94, %dma_wait3A_95] : memref<10008x128xf32, #tpu.memory_space<vmem_shared>> -> memref<10008x128xf32, #tpu.memory_space<vmem_shared>>
    tpu.wait_indirect_dma semaphore(%arg15 : memref<!tpu.dma_semaphore, #tpu.memory_space<semaphore_mem>>) src(%arg10 : memref<128x128xf32, #tpu.memory_space<vmem>>) dst(%dma_wait3A_96 : memref<10008x128xf32, #tpu.memory_space<vmem_shared>>)
    %add3A_97 = arith.constant 120 : i32
    %add3A_98 = arith.addi %mul3A_0, %add3A_97 : i32
    %multiple_of3A_99 = tpu.assume_multiple %add3A_98, 8 : i32
    "tpu.region"() ({
      %run_scoped3A = tpu.sem_alloc : memref<!tpu.dma_semaphore, #tpu.memory_space<semaphore_mem>>
      %dma_start3A_130 = arith.constant 0 : i32
      %dma_start3A_131 = tpu.memref_slice %arg3[%multiple_of3A_99, %dma_start3A_130] : memref<2560x128xi32, #tpu.memory_space<hbm>> -> memref<40x128xi32, #tpu.memory_space<hbm>>
      %dma_start3A_132 = arith.constant 0 : i32
      %dma_start3A_133 = tpu.memref_slice %arg3[%multiple_of3A_99, %dma_start3A_132] : memref<2560x128xi32, #tpu.memory_space<hbm>> -> memref<40x128xi32, #tpu.memory_space<hbm>>
      tpu.enqueue_dma source(%dma_start3A_133 : memref<40x128xi32, #tpu.memory_space<hbm>>) target(%arg7 : memref<40x128xi32, #tpu.memory_space<vmem>>) target_semaphore(%run_scoped3A : memref<!tpu.dma_semaphore, #tpu.memory_space<semaphore_mem>>)
      %dma_wait3A_134 = arith.constant 0 : i32
      %dma_wait3A_135 = tpu.memref_slice %arg3[%multiple_of3A_99, %dma_wait3A_134] : memref<2560x128xi32, #tpu.memory_space<hbm>> -> memref<40x128xi32, #tpu.memory_space<hbm>>
      %dma_wait3A_136 = arith.constant 0 : i32
      %dma_wait3A_137 = tpu.memref_slice %arg3[%multiple_of3A_99, %dma_wait3A_136] : memref<2560x128xi32, #tpu.memory_space<hbm>> -> memref<40x128xi32, #tpu.memory_space<hbm>>
      tpu.wait_dma2 semaphore(%run_scoped3A : memref<!tpu.dma_semaphore, #tpu.memory_space<semaphore_mem>>) src(%dma_wait3A_137 : memref<40x128xi32, #tpu.memory_space<hbm>>) dst(%arg7 : memref<40x128xi32, #tpu.memory_space<vmem>>)
      tpu.yield
    }) : () -> ()
    "tpu.region"() ({
      %run_scoped3A = tpu.sem_alloc : memref<!tpu.dma_semaphore, #tpu.memory_space<semaphore_mem>>
      %dma_start3A_130 = arith.constant 0 : i32
      %dma_start3A_131 = tpu.memref_slice %arg4[%multiple_of3A_99, %dma_start3A_130] : memref<2560x128xi32, #tpu.memory_space<hbm>> -> memref<40x128xi32, #tpu.memory_space<hbm>>
      %dma_start3A_132 = arith.constant 0 : i32
      %dma_start3A_133 = tpu.memref_slice %arg4[%multiple_of3A_99, %dma_start3A_132] : memref<2560x128xi32, #tpu.memory_space<hbm>> -> memref<40x128xi32, #tpu.memory_space<hbm>>
      tpu.enqueue_dma source(%dma_start3A_133 : memref<40x128xi32, #tpu.memory_space<hbm>>) target(%arg8 : memref<40x128xi32, #tpu.memory_space<vmem>>) target_semaphore(%run_scoped3A : memref<!tpu.dma_semaphore, #tpu.memory_space<semaphore_mem>>)
      %dma_wait3A_134 = arith.constant 0 : i32
      %dma_wait3A_135 = tpu.memref_slice %arg4[%multiple_of3A_99, %dma_wait3A_134] : memref<2560x128xi32, #tpu.memory_space<hbm>> -> memref<40x128xi32, #tpu.memory_space<hbm>>
      %dma_wait3A_136 = arith.constant 0 : i32
      %dma_wait3A_137 = tpu.memref_slice %arg4[%multiple_of3A_99, %dma_wait3A_136] : memref<2560x128xi32, #tpu.memory_space<hbm>> -> memref<40x128xi32, #tpu.memory_space<hbm>>
      tpu.wait_dma2 semaphore(%run_scoped3A : memref<!tpu.dma_semaphore, #tpu.memory_space<semaphore_mem>>) src(%dma_wait3A_137 : memref<40x128xi32, #tpu.memory_space<hbm>>) dst(%arg8 : memref<40x128xi32, #tpu.memory_space<vmem>>)
      tpu.yield
    }) : () -> ()
    %dma_start3A_100 = arith.constant 0 : i32
    %dma_start3A_101 = arith.constant 0 : i32
    %dma_start3A_102 = tpu.memref_slice %arg7[%dma_start3A_100, %dma_start3A_101] : memref<40x128xi32, #tpu.memory_space<vmem>> -> memref<1x128xi32, #tpu.memory_space<vmem>>
    %dma_start3A_103 = tpu.memref_squeeze %dma_start3A_102 : memref<1x128xi32, #tpu.memory_space<vmem>> -> memref<128xi32, #tpu.memory_space<vmem>>
    %dma_start3A_104 = arith.constant 0 : i32
    %dma_start3A_105 = arith.constant 0 : i32
    %dma_start3A_106 = tpu.memref_slice %arg2[%arg0, %dma_start3A_104, %dma_start3A_105] : memref<2x10000x128xf32, #tpu.memory_space<hbm>> -> memref<1x10000x128xf32, #tpu.memory_space<hbm>>
    %dma_start3A_107 = tpu.memref_squeeze %dma_start3A_106 : memref<1x10000x128xf32, #tpu.memory_space<hbm>> -> memref<10000x128xf32, #tpu.memory_space<hbm>>
    %dma_start3A_108 = arith.constant 0 : i32
    %dma_start3A_109 = arith.constant 0 : i32
    %dma_start3A_110 = tpu.memref_slice %dma_start3A_107[%dma_start3A_108, %dma_start3A_109] : memref<10000x128xf32, #tpu.memory_space<hbm>> -> memref<10000x128xf32, #tpu.memory_space<hbm>>
    tpu.enqueue_indirect_dma source(%dma_start3A_110 : memref<10000x128xf32, #tpu.memory_space<hbm>>) target(%arg9 : memref<128x128xf32, #tpu.memory_space<vmem>>) offsets(%dma_start3A_103 : memref<128xi32, #tpu.memory_space<vmem>>) semaphore(%arg12 : memref<!tpu.dma_semaphore, #tpu.memory_space<semaphore_mem>>)
    %scan3A_111 = arith.constant 0 : i32
    %scan3A_112 = arith.constant 0 : i32
    %scan3A_113 = arith.constant 20 : i32
    %scan3A_114 = arith.addi %scan3A_112, %scan3A_113 : i32
    %scan3A_115 = arith.constant 1 : i32
    scf.for %scan3A_130 = %scan3A_112 to %scan3A_114 step %scan3A_115  : i32 {
      %mul3A_131 = arith.constant 2 : i32
      %mul3A_132 = arith.muli %scan3A_130, %mul3A_131 : i32
      %add3A_133 = arith.constant 0 : i32
      %add3A_134 = arith.addi %mul3A_132, %add3A_133 : i32
      %ge3A = arith.constant 1 : i32
      %ge3A_135 = arith.cmpi sge, %add3A_134, %ge3A : i32
      %convert_element_type3A_136 = arith.extui %ge3A_135 : i1 to i32
      %cond3A_137 = arith.constant 0 : i32
      %cond3A_138 = arith.cmpi ne, %convert_element_type3A_136, %cond3A_137 : i32
      scf.if %cond3A_138 {
        %sub3A = arith.constant 1 : i32
        %sub3A_193 = arith.subi %add3A_134, %sub3A : i32
        %dma_wait3A_194 = arith.constant 0 : i32
        %dma_wait3A_195 = tpu.memref_slice %arg8[%sub3A_193, %dma_wait3A_194] : memref<40x128xi32, #tpu.memory_space<vmem>> -> memref<1x128xi32, #tpu.memory_space<vmem>>
        %dma_wait3A_196 = tpu.memref_squeeze %dma_wait3A_195 : memref<1x128xi32, #tpu.memory_space<vmem>> -> memref<128xi32, #tpu.memory_space<vmem>>
        %dma_wait3A_197 = arith.constant 0 : i32
        %dma_wait3A_198 = arith.constant 0 : i32
        %dma_wait3A_199 = tpu.memref_slice %arg11[%dma_wait3A_197, %dma_wait3A_198] : memref<10008x128xf32, #tpu.memory_space<vmem_shared>> -> memref<10008x128xf32, #tpu.memory_space<vmem_shared>>
        tpu.wait_indirect_dma semaphore(%arg15 : memref<!tpu.dma_semaphore, #tpu.memory_space<semaphore_mem>>) src(%arg10 : memref<128x128xf32, #tpu.memory_space<vmem>>) dst(%dma_wait3A_199 : memref<10008x128xf32, #tpu.memory_space<vmem_shared>>)
      } else {
      }
      %add3A_139 = arith.constant 1 : i32
      %add3A_140 = arith.addi %add3A_134, %add3A_139 : i32
      %lt3A = arith.constant 40 : i32
      %lt3A_141 = arith.cmpi slt, %add3A_140, %lt3A : i32
      %convert_element_type3A_142 = arith.extui %lt3A_141 : i1 to i32
      %cond3A_143 = arith.constant 0 : i32
      %cond3A_144 = arith.cmpi ne, %convert_element_type3A_142, %cond3A_143 : i32
      scf.if %cond3A_144 {
        %add3A_193 = arith.constant 1 : i32
        %add3A_194 = arith.addi %add3A_134, %add3A_193 : i32
        %dma_start3A_195 = arith.constant 0 : i32
        %dma_start3A_196 = tpu.memref_slice %arg7[%add3A_194, %dma_start3A_195] : memref<40x128xi32, #tpu.memory_space<vmem>> -> memref<1x128xi32, #tpu.memory_space<vmem>>
        %dma_start3A_197 = tpu.memref_squeeze %dma_start3A_196 : memref<1x128xi32, #tpu.memory_space<vmem>> -> memref<128xi32, #tpu.memory_space<vmem>>
        %dma_start3A_198 = arith.constant 0 : i32
        %dma_start3A_199 = arith.constant 0 : i32
        %dma_start3A_200 = tpu.memref_slice %arg2[%arg0, %dma_start3A_198, %dma_start3A_199] : memref<2x10000x128xf32, #tpu.memory_space<hbm>> -> memref<1x10000x128xf32, #tpu.memory_space<hbm>>
        %dma_start3A_201 = tpu.memref_squeeze %dma_start3A_200 : memref<1x10000x128xf32, #tpu.memory_space<hbm>> -> memref<10000x128xf32, #tpu.memory_space<hbm>>
        %dma_start3A_202 = arith.constant 0 : i32
        %dma_start3A_203 = arith.constant 0 : i32
        %dma_start3A_204 = tpu.memref_slice %dma_start3A_201[%dma_start3A_202, %dma_start3A_203] : memref<10000x128xf32, #tpu.memory_space<hbm>> -> memref<10000x128xf32, #tpu.memory_space<hbm>>
        tpu.enqueue_indirect_dma source(%dma_start3A_204 : memref<10000x128xf32, #tpu.memory_space<hbm>>) target(%arg10 : memref<128x128xf32, #tpu.memory_space<vmem>>) offsets(%dma_start3A_197 : memref<128xi32, #tpu.memory_space<vmem>>) semaphore(%arg13 : memref<!tpu.dma_semaphore, #tpu.memory_space<semaphore_mem>>)
      } else {
      }
      %dma_wait3A_145 = arith.constant 0 : i32
      %dma_wait3A_146 = tpu.memref_slice %arg7[%add3A_134, %dma_wait3A_145] : memref<40x128xi32, #tpu.memory_space<vmem>> -> memref<1x128xi32, #tpu.memory_space<vmem>>
      %dma_wait3A_147 = tpu.memref_squeeze %dma_wait3A_146 : memref<1x128xi32, #tpu.memory_space<vmem>> -> memref<128xi32, #tpu.memory_space<vmem>>
      %dma_wait3A_148 = arith.constant 0 : i32
      %dma_wait3A_149 = arith.constant 0 : i32
      %dma_wait3A_150 = tpu.memref_slice %arg2[%arg0, %dma_wait3A_148, %dma_wait3A_149] : memref<2x10000x128xf32, #tpu.memory_space<hbm>> -> memref<1x10000x128xf32, #tpu.memory_space<hbm>>
      %dma_wait3A_151 = tpu.memref_squeeze %dma_wait3A_150 : memref<1x10000x128xf32, #tpu.memory_space<hbm>> -> memref<10000x128xf32, #tpu.memory_space<hbm>>
      %dma_wait3A_152 = arith.constant 0 : i32
      %dma_wait3A_153 = arith.constant 0 : i32
      %dma_wait3A_154 = tpu.memref_slice %dma_wait3A_151[%dma_wait3A_152, %dma_wait3A_153] : memref<10000x128xf32, #tpu.memory_space<hbm>> -> memref<10000x128xf32, #tpu.memory_space<hbm>>
      tpu.wait_indirect_dma semaphore(%arg12 : memref<!tpu.dma_semaphore, #tpu.memory_space<semaphore_mem>>) src(%dma_wait3A_154 : memref<10000x128xf32, #tpu.memory_space<hbm>>) dst(%arg9 : memref<128x128xf32, #tpu.memory_space<vmem>>)
      %dma_start3A_155 = arith.constant 0 : i32
      %dma_start3A_156 = tpu.memref_slice %arg8[%add3A_134, %dma_start3A_155] : memref<40x128xi32, #tpu.memory_space<vmem>> -> memref<1x128xi32, #tpu.memory_space<vmem>>
      %dma_start3A_157 = tpu.memref_squeeze %dma_start3A_156 : memref<1x128xi32, #tpu.memory_space<vmem>> -> memref<128xi32, #tpu.memory_space<vmem>>
      %dma_start3A_158 = arith.constant 0 : i32
      %dma_start3A_159 = arith.constant 0 : i32
      %dma_start3A_160 = tpu.memref_slice %arg11[%dma_start3A_158, %dma_start3A_159] : memref<10008x128xf32, #tpu.memory_space<vmem_shared>> -> memref<10008x128xf32, #tpu.memory_space<vmem_shared>>
      tpu.enqueue_indirect_dma source(%arg9 : memref<128x128xf32, #tpu.memory_space<vmem>>) target(%dma_start3A_160 : memref<10008x128xf32, #tpu.memory_space<vmem_shared>>) offsets(%dma_start3A_157 : memref<128xi32, #tpu.memory_space<vmem>>) semaphore(%arg14 : memref<!tpu.dma_semaphore, #tpu.memory_space<semaphore_mem>>) {add = true}
      %mul3A_161 = arith.constant 2 : i32
      %mul3A_162 = arith.muli %scan3A_130, %mul3A_161 : i32
      %add3A_163 = arith.constant 1 : i32
      %add3A_164 = arith.addi %mul3A_162, %add3A_163 : i32
      %ge3A_165 = arith.constant 1 : i32
      %ge3A_166 = arith.cmpi sge, %add3A_164, %ge3A_165 : i32
      %convert_element_type3A_167 = arith.extui %ge3A_166 : i1 to i32
      %cond3A_168 = arith.constant 0 : i32
      %cond3A_169 = arith.cmpi ne, %convert_element_type3A_167, %cond3A_168 : i32
      scf.if %cond3A_169 {
        %sub3A = arith.constant 1 : i32
        %sub3A_193 = arith.subi %add3A_164, %sub3A : i32
        %dma_wait3A_194 = arith.constant 0 : i32
        %dma_wait3A_195 = tpu.memref_slice %arg8[%sub3A_193, %dma_wait3A_194] : memref<40x128xi32, #tpu.memory_space<vmem>> -> memref<1x128xi32, #tpu.memory_space<vmem>>
        %dma_wait3A_196 = tpu.memref_squeeze %dma_wait3A_195 : memref<1x128xi32, #tpu.memory_space<vmem>> -> memref<128xi32, #tpu.memory_space<vmem>>
        %dma_wait3A_197 = arith.constant 0 : i32
        %dma_wait3A_198 = arith.constant 0 : i32
        %dma_wait3A_199 = tpu.memref_slice %arg11[%dma_wait3A_197, %dma_wait3A_198] : memref<10008x128xf32, #tpu.memory_space<vmem_shared>> -> memref<10008x128xf32, #tpu.memory_space<vmem_shared>>
        tpu.wait_indirect_dma semaphore(%arg14 : memref<!tpu.dma_semaphore, #tpu.memory_space<semaphore_mem>>) src(%arg9 : memref<128x128xf32, #tpu.memory_space<vmem>>) dst(%dma_wait3A_199 : memref<10008x128xf32, #tpu.memory_space<vmem_shared>>)
      } else {
      }
      %add3A_170 = arith.constant 1 : i32
      %add3A_171 = arith.addi %add3A_164, %add3A_170 : i32
      %lt3A_172 = arith.constant 40 : i32
      %lt3A_173 = arith.cmpi slt, %add3A_171, %lt3A_172 : i32
      %convert_element_type3A_174 = arith.extui %lt3A_173 : i1 to i32
      %cond3A_175 = arith.constant 0 : i32
      %cond3A_176 = arith.cmpi ne, %convert_element_type3A_174, %cond3A_175 : i32
      scf.if %cond3A_176 {
        %add3A_193 = arith.constant 1 : i32
        %add3A_194 = arith.addi %add3A_164, %add3A_193 : i32
        %dma_start3A_195 = arith.constant 0 : i32
        %dma_start3A_196 = tpu.memref_slice %arg7[%add3A_194, %dma_start3A_195] : memref<40x128xi32, #tpu.memory_space<vmem>> -> memref<1x128xi32, #tpu.memory_space<vmem>>
        %dma_start3A_197 = tpu.memref_squeeze %dma_start3A_196 : memref<1x128xi32, #tpu.memory_space<vmem>> -> memref<128xi32, #tpu.memory_space<vmem>>
        %dma_start3A_198 = arith.constant 0 : i32
        %dma_start3A_199 = arith.constant 0 : i32
        %dma_start3A_200 = tpu.memref_slice %arg2[%arg0, %dma_start3A_198, %dma_start3A_199] : memref<2x10000x128xf32, #tpu.memory_space<hbm>> -> memref<1x10000x128xf32, #tpu.memory_space<hbm>>
        %dma_start3A_201 = tpu.memref_squeeze %dma_start3A_200 : memref<1x10000x128xf32, #tpu.memory_space<hbm>> -> memref<10000x128xf32, #tpu.memory_space<hbm>>
        %dma_start3A_202 = arith.constant 0 : i32
        %dma_start3A_203 = arith.constant 0 : i32
        %dma_start3A_204 = tpu.memref_slice %dma_start3A_201[%dma_start3A_202, %dma_start3A_203] : memref<10000x128xf32, #tpu.memory_space<hbm>> -> memref<10000x128xf32, #tpu.memory_space<hbm>>
        tpu.enqueue_indirect_dma source(%dma_start3A_204 : memref<10000x128xf32, #tpu.memory_space<hbm>>) target(%arg9 : memref<128x128xf32, #tpu.memory_space<vmem>>) offsets(%dma_start3A_197 : memref<128xi32, #tpu.memory_space<vmem>>) semaphore(%arg12 : memref<!tpu.dma_semaphore, #tpu.memory_space<semaphore_mem>>)
      } else {
      }
      %dma_wait3A_177 = arith.constant 0 : i32
      %dma_wait3A_178 = tpu.memref_slice %arg7[%add3A_164, %dma_wait3A_177] : memref<40x128xi32, #tpu.memory_space<vmem>> -> memref<1x128xi32, #tpu.memory_space<vmem>>
      %dma_wait3A_179 = tpu.memref_squeeze %dma_wait3A_178 : memref<1x128xi32, #tpu.memory_space<vmem>> -> memref<128xi32, #tpu.memory_space<vmem>>
      %dma_wait3A_180 = arith.constant 0 : i32
      %dma_wait3A_181 = arith.constant 0 : i32
      %dma_wait3A_182 = tpu.memref_slice %arg2[%arg0, %dma_wait3A_180, %dma_wait3A_181] : memref<2x10000x128xf32, #tpu.memory_space<hbm>> -> memref<1x10000x128xf32, #tpu.memory_space<hbm>>
      %dma_wait3A_183 = tpu.memref_squeeze %dma_wait3A_182 : memref<1x10000x128xf32, #tpu.memory_space<hbm>> -> memref<10000x128xf32, #tpu.memory_space<hbm>>
      %dma_wait3A_184 = arith.constant 0 : i32
      %dma_wait3A_185 = arith.constant 0 : i32
      %dma_wait3A_186 = tpu.memref_slice %dma_wait3A_183[%dma_wait3A_184, %dma_wait3A_185] : memref<10000x128xf32, #tpu.memory_space<hbm>> -> memref<10000x128xf32, #tpu.memory_space<hbm>>
      tpu.wait_indirect_dma semaphore(%arg13 : memref<!tpu.dma_semaphore, #tpu.memory_space<semaphore_mem>>) src(%dma_wait3A_186 : memref<10000x128xf32, #tpu.memory_space<hbm>>) dst(%arg10 : memref<128x128xf32, #tpu.memory_space<vmem>>)
      %dma_start3A_187 = arith.constant 0 : i32
      %dma_start3A_188 = tpu.memref_slice %arg8[%add3A_164, %dma_start3A_187] : memref<40x128xi32, #tpu.memory_space<vmem>> -> memref<1x128xi32, #tpu.memory_space<vmem>>
      %dma_start3A_189 = tpu.memref_squeeze %dma_start3A_188 : memref<1x128xi32, #tpu.memory_space<vmem>> -> memref<128xi32, #tpu.memory_space<vmem>>
      %dma_start3A_190 = arith.constant 0 : i32
      %dma_start3A_191 = arith.constant 0 : i32
      %dma_start3A_192 = tpu.memref_slice %arg11[%dma_start3A_190, %dma_start3A_191] : memref<10008x128xf32, #tpu.memory_space<vmem_shared>> -> memref<10008x128xf32, #tpu.memory_space<vmem_shared>>
      tpu.enqueue_indirect_dma source(%arg10 : memref<128x128xf32, #tpu.memory_space<vmem>>) target(%dma_start3A_192 : memref<10008x128xf32, #tpu.memory_space<vmem_shared>>) offsets(%dma_start3A_189 : memref<128xi32, #tpu.memory_space<vmem>>) semaphore(%arg15 : memref<!tpu.dma_semaphore, #tpu.memory_space<semaphore_mem>>) {add = true}
    }
    %scan3A_116 = arith.constant 20 : i32
    %dma_wait3A_117 = arith.constant 39 : i32
    %dma_wait3A_118 = arith.constant 0 : i32
    %dma_wait3A_119 = tpu.memref_slice %arg8[%dma_wait3A_117, %dma_wait3A_118] : memref<40x128xi32, #tpu.memory_space<vmem>> -> memref<1x128xi32, #tpu.memory_space<vmem>>
    %dma_wait3A_120 = tpu.memref_squeeze %dma_wait3A_119 : memref<1x128xi32, #tpu.memory_space<vmem>> -> memref<128xi32, #tpu.memory_space<vmem>>
    %dma_wait3A_121 = arith.constant 0 : i32
    %dma_wait3A_122 = arith.constant 0 : i32
    %dma_wait3A_123 = tpu.memref_slice %arg11[%dma_wait3A_121, %dma_wait3A_122] : memref<10008x128xf32, #tpu.memory_space<vmem_shared>> -> memref<10008x128xf32, #tpu.memory_space<vmem_shared>>
    tpu.wait_indirect_dma semaphore(%arg15 : memref<!tpu.dma_semaphore, #tpu.memory_space<semaphore_mem>>) src(%arg10 : memref<128x128xf32, #tpu.memory_space<vmem>>) dst(%dma_wait3A_123 : memref<10008x128xf32, #tpu.memory_space<vmem_shared>>)
    %barrier3A_124 = arith.constant 0 : index
    tpu.barrier barrier_id(%barrier3A_124)
    "tpu.region"() ({
      %run_scoped3A = tpu.sem_alloc : memref<!tpu.dma_semaphore, #tpu.memory_space<semaphore_mem>>
      %dma_start3A_130 = arith.constant 0 : i32
      %dma_start3A_131 = tpu.memref_slice %arg6[%arg0, %multiple_of3A, %dma_start3A_130] : memref<2x10000x128xf32, #tpu.memory_space<hbm>> -> memref<1x624x128xf32, #tpu.memory_space<hbm>>
      %dma_start3A_132 = tpu.memref_squeeze %dma_start3A_131 : memref<1x624x128xf32, #tpu.memory_space<hbm>> -> memref<624x128xf32, #tpu.memory_space<hbm>>
      %dma_start3A_133 = arith.constant 0 : i32
      %dma_start3A_134 = tpu.memref_slice %arg11[%multiple_of3A, %dma_start3A_133] : memref<10008x128xf32, #tpu.memory_space<vmem_shared>> -> memref<624x128xf32, #tpu.memory_space<vmem_shared>>
      tpu.enqueue_dma source(%dma_start3A_134 : memref<624x128xf32, #tpu.memory_space<vmem_shared>>) target(%dma_start3A_132 : memref<624x128xf32, #tpu.memory_space<hbm>>) target_semaphore(%run_scoped3A : memref<!tpu.dma_semaphore, #tpu.memory_space<semaphore_mem>>)
      %dma_wait3A_135 = arith.constant 0 : i32
      %dma_wait3A_136 = tpu.memref_slice %arg6[%arg0, %multiple_of3A, %dma_wait3A_135] : memref<2x10000x128xf32, #tpu.memory_space<hbm>> -> memref<1x624x128xf32, #tpu.memory_space<hbm>>
      %dma_wait3A_137 = tpu.memref_squeeze %dma_wait3A_136 : memref<1x624x128xf32, #tpu.memory_space<hbm>> -> memref<624x128xf32, #tpu.memory_space<hbm>>
      %dma_wait3A_138 = arith.constant 0 : i32
      %dma_wait3A_139 = tpu.memref_slice %arg11[%multiple_of3A, %dma_wait3A_138] : memref<10008x128xf32, #tpu.memory_space<vmem_shared>> -> memref<624x128xf32, #tpu.memory_space<vmem_shared>>
      tpu.wait_dma2 semaphore(%run_scoped3A : memref<!tpu.dma_semaphore, #tpu.memory_space<semaphore_mem>>) src(%dma_wait3A_139 : memref<624x128xf32, #tpu.memory_space<vmem_shared>>) dst(%dma_wait3A_137 : memref<624x128xf32, #tpu.memory_space<hbm>>)
      tpu.yield
    }) : () -> ()
    %eq3A_125 = arith.constant 0 : i32
    %eq3A_126 = arith.cmpi eq, %arg1, %eq3A_125 : i32
    %convert_element_type3A_127 = arith.extui %eq3A_126 : i1 to i32
    %cond3A_128 = arith.constant 0 : i32
    %cond3A_129 = arith.cmpi ne, %convert_element_type3A_127, %cond3A_128 : i32
    scf.if %cond3A_129 {
      "tpu.region"() ({
        %run_scoped3A = tpu.sem_alloc : memref<!tpu.dma_semaphore, #tpu.memory_space<semaphore_mem>>
        %dma_start3A_130 = arith.constant 9984 : i32
        %dma_start3A_131 = arith.constant 0 : i32
        %dma_start3A_132 = tpu.memref_slice %arg6[%arg0, %dma_start3A_130, %dma_start3A_131] : memref<2x10000x128xf32, #tpu.memory_space<hbm>> -> memref<1x16x128xf32, #tpu.memory_space<hbm>>
        %dma_start3A_133 = tpu.memref_squeeze %dma_start3A_132 : memref<1x16x128xf32, #tpu.memory_space<hbm>> -> memref<16x128xf32, #tpu.memory_space<hbm>>
        %dma_start3A_134 = arith.constant 9984 : i32
        %dma_start3A_135 = arith.constant 0 : i32
        %dma_start3A_136 = tpu.memref_slice %arg11[%dma_start3A_134, %dma_start3A_135] : memref<10008x128xf32, #tpu.memory_space<vmem_shared>> -> memref<16x128xf32, #tpu.memory_space<vmem_shared>>
        tpu.enqueue_dma source(%dma_start3A_136 : memref<16x128xf32, #tpu.memory_space<vmem_shared>>) target(%dma_start3A_133 : memref<16x128xf32, #tpu.memory_space<hbm>>) target_semaphore(%run_scoped3A : memref<!tpu.dma_semaphore, #tpu.memory_space<semaphore_mem>>)
        %dma_wait3A_137 = arith.constant 9984 : i32
        %dma_wait3A_138 = arith.constant 0 : i32
        %dma_wait3A_139 = tpu.memref_slice %arg6[%arg0, %dma_wait3A_137, %dma_wait3A_138] : memref<2x10000x128xf32, #tpu.memory_space<hbm>> -> memref<1x16x128xf32, #tpu.memory_space<hbm>>
        %dma_wait3A_140 = tpu.memref_squeeze %dma_wait3A_139 : memref<1x16x128xf32, #tpu.memory_space<hbm>> -> memref<16x128xf32, #tpu.memory_space<hbm>>
        %dma_wait3A_141 = arith.constant 9984 : i32
        %dma_wait3A_142 = arith.constant 0 : i32
        %dma_wait3A_143 = tpu.memref_slice %arg11[%dma_wait3A_141, %dma_wait3A_142] : memref<10008x128xf32, #tpu.memory_space<vmem_shared>> -> memref<16x128xf32, #tpu.memory_space<vmem_shared>>
        tpu.wait_dma2 semaphore(%run_scoped3A : memref<!tpu.dma_semaphore, #tpu.memory_space<semaphore_mem>>) src(%dma_wait3A_143 : memref<16x128xf32, #tpu.memory_space<vmem_shared>>) dst(%dma_wait3A_140 : memref<16x128xf32, #tpu.memory_space<hbm>>)
        tpu.yield
      }) : () -> ()
    } else {
    }
    return
  }
}

#map = affine_map<(d0, d1) -> (0, 0)>
#map1 = affine_map<(d0, d1) -> (0, 0, 0)>
module attributes {stable_mosaic.version = 14 : i64} {
  func.func @segsum(%arg0: i32, %arg1: i32, %arg2: memref<10000x128xf32, #tpu.memory_space<hbm>>, %arg3: memref<2560x128xi32, #tpu.memory_space<hbm>>, %arg4: memref<2560x128xi32, #tpu.memory_space<hbm>>, %arg5: memref<624x128xf32, #tpu.memory_space<hbm>>, %arg6: memref<2x10000x128xf32, #tpu.memory_space<hbm>>, %arg7: memref<40x128xi32, #tpu.memory_space<vmem>>, %arg8: memref<40x128xi32, #tpu.memory_space<vmem>>, %arg9: memref<128x128xf32, #tpu.memory_space<vmem>>, %arg10: memref<128x128xf32, #tpu.memory_space<vmem>>, %arg11: memref<10008x128xf32, #tpu.memory_space<vmem_shared>>, %arg12: memref<!tpu.dma_semaphore, #tpu.memory_space<semaphore_mem>>, %arg13: memref<!tpu.dma_semaphore, #tpu.memory_space<semaphore_mem>>, %arg14: memref<!tpu.dma_semaphore, #tpu.memory_space<semaphore_mem>>, %arg15: memref<!tpu.dma_semaphore, #tpu.memory_space<semaphore_mem>>) attributes {dimension_semantics = [#tpu.dimension_semantics<core_parallel>, #tpu.dimension_semantics<subcore_parallel>], iteration_bounds = array<i64: 2, 16>, scalar_prefetch = 0 : i64, scratch_operands = 9 : i64, tpu.core_type = #tpu.core_type<sc_vector_subcore>, window_params = [{transform_indices = #map}, {transform_indices = #map}, {transform_indices = #map}, {transform_indices = #map}, {transform_indices = #map1}]} {
    %mul3A = arith.constant 16 : i32
    %mul3A_0 = arith.muli %arg0, %mul3A : i32
    %add3A = arith.addi %mul3A_0, %arg1 : i32
    %mul3A_1 = arith.constant 80 : i32
    %mul3A_2 = arith.muli %add3A, %mul3A_1 : i32
    %mul3A_3 = arith.constant 624 : i32
    %mul3A_4 = arith.muli %arg1, %mul3A_3 : i32
    %multiple_of3A = tpu.assume_multiple %mul3A_4, 8 : i32
    %dma_start3A = arith.constant 0 : i32
    %dma_start3A_5 = tpu.memref_slice %arg11[%multiple_of3A, %dma_start3A] : memref<10008x128xf32, #tpu.memory_space<vmem_shared>> -> memref<624x128xf32, #tpu.memory_space<vmem_shared>>
    %dma_start3A_6 = arith.constant 0 : i32
    %dma_start3A_7 = arith.constant 0 : i32
    %dma_start3A_8 = tpu.memref_slice %arg5[%dma_start3A_6, %dma_start3A_7] : memref<624x128xf32, #tpu.memory_space<hbm>> -> memref<624x128xf32, #tpu.memory_space<hbm>>
    tpu.enqueue_dma source(%dma_start3A_8 : memref<624x128xf32, #tpu.memory_space<hbm>>) target(%dma_start3A_5 : memref<624x128xf32, #tpu.memory_space<vmem_shared>>) target_semaphore(%arg14 : memref<!tpu.dma_semaphore, #tpu.memory_space<semaphore_mem>>)
    %eq3A = arith.constant 0 : i32
    %eq3A_9 = arith.cmpi eq, %arg1, %eq3A : i32
    %convert_element_type3A = arith.extui %eq3A_9 : i1 to i32
    %cond3A = arith.constant 0 : i32
    %cond3A_10 = arith.cmpi ne, %convert_element_type3A, %cond3A : i32
    scf.if %cond3A_10 {
      %dma_start3A_71 = arith.constant 9984 : i32
      %dma_start3A_72 = arith.constant 0 : i32
      %dma_start3A_73 = tpu.memref_slice %arg11[%dma_start3A_71, %dma_start3A_72] : memref<10008x128xf32, #tpu.memory_space<vmem_shared>> -> memref<24x128xf32, #tpu.memory_space<vmem_shared>>
      %dma_start3A_74 = arith.constant 0 : i32
      %dma_start3A_75 = arith.constant 0 : i32
      %dma_start3A_76 = tpu.memref_slice %arg5[%dma_start3A_74, %dma_start3A_75] : memref<624x128xf32, #tpu.memory_space<hbm>> -> memref<24x128xf32, #tpu.memory_space<hbm>>
      tpu.enqueue_dma source(%dma_start3A_76 : memref<24x128xf32, #tpu.memory_space<hbm>>) target(%dma_start3A_73 : memref<24x128xf32, #tpu.memory_space<vmem_shared>>) target_semaphore(%arg15 : memref<!tpu.dma_semaphore, #tpu.memory_space<semaphore_mem>>)
    } else {
    }
    %add3A_11 = arith.constant 0 : i32
    %add3A_12 = arith.addi %mul3A_2, %add3A_11 : i32
    %multiple_of3A_13 = tpu.assume_multiple %add3A_12, 8 : i32
    "tpu.region"() ({
      %run_scoped3A = tpu.sem_alloc : memref<!tpu.dma_semaphore, #tpu.memory_space<semaphore_mem>>
      %dma_start3A_71 = arith.constant 0 : i32
      %dma_start3A_72 = tpu.memref_slice %arg3[%multiple_of3A_13, %dma_start3A_71] : memref<2560x128xi32, #tpu.memory_space<hbm>> -> memref<40x128xi32, #tpu.memory_space<hbm>>
      %dma_start3A_73 = arith.constant 0 : i32
      %dma_start3A_74 = tpu.memref_slice %arg3[%multiple_of3A_13, %dma_start3A_73] : memref<2560x128xi32, #tpu.memory_space<hbm>> -> memref<40x128xi32, #tpu.memory_space<hbm>>
      tpu.enqueue_dma source(%dma_start3A_74 : memref<40x128xi32, #tpu.memory_space<hbm>>) target(%arg7 : memref<40x128xi32, #tpu.memory_space<vmem>>) target_semaphore(%run_scoped3A : memref<!tpu.dma_semaphore, #tpu.memory_space<semaphore_mem>>)
      %dma_wait3A_75 = arith.constant 0 : i32
      %dma_wait3A_76 = tpu.memref_slice %arg3[%multiple_of3A_13, %dma_wait3A_75] : memref<2560x128xi32, #tpu.memory_space<hbm>> -> memref<40x128xi32, #tpu.memory_space<hbm>>
      %dma_wait3A_77 = arith.constant 0 : i32
      %dma_wait3A_78 = tpu.memref_slice %arg3[%multiple_of3A_13, %dma_wait3A_77] : memref<2560x128xi32, #tpu.memory_space<hbm>> -> memref<40x128xi32, #tpu.memory_space<hbm>>
      tpu.wait_dma2 semaphore(%run_scoped3A : memref<!tpu.dma_semaphore, #tpu.memory_space<semaphore_mem>>) src(%dma_wait3A_78 : memref<40x128xi32, #tpu.memory_space<hbm>>) dst(%arg7 : memref<40x128xi32, #tpu.memory_space<vmem>>)
      tpu.yield
    }) : () -> ()
    "tpu.region"() ({
      %run_scoped3A = tpu.sem_alloc : memref<!tpu.dma_semaphore, #tpu.memory_space<semaphore_mem>>
      %dma_start3A_71 = arith.constant 0 : i32
      %dma_start3A_72 = tpu.memref_slice %arg4[%multiple_of3A_13, %dma_start3A_71] : memref<2560x128xi32, #tpu.memory_space<hbm>> -> memref<40x128xi32, #tpu.memory_space<hbm>>
      %dma_start3A_73 = arith.constant 0 : i32
      %dma_start3A_74 = tpu.memref_slice %arg4[%multiple_of3A_13, %dma_start3A_73] : memref<2560x128xi32, #tpu.memory_space<hbm>> -> memref<40x128xi32, #tpu.memory_space<hbm>>
      tpu.enqueue_dma source(%dma_start3A_74 : memref<40x128xi32, #tpu.memory_space<hbm>>) target(%arg8 : memref<40x128xi32, #tpu.memory_space<vmem>>) target_semaphore(%run_scoped3A : memref<!tpu.dma_semaphore, #tpu.memory_space<semaphore_mem>>)
      %dma_wait3A_75 = arith.constant 0 : i32
      %dma_wait3A_76 = tpu.memref_slice %arg4[%multiple_of3A_13, %dma_wait3A_75] : memref<2560x128xi32, #tpu.memory_space<hbm>> -> memref<40x128xi32, #tpu.memory_space<hbm>>
      %dma_wait3A_77 = arith.constant 0 : i32
      %dma_wait3A_78 = tpu.memref_slice %arg4[%multiple_of3A_13, %dma_wait3A_77] : memref<2560x128xi32, #tpu.memory_space<hbm>> -> memref<40x128xi32, #tpu.memory_space<hbm>>
      tpu.wait_dma2 semaphore(%run_scoped3A : memref<!tpu.dma_semaphore, #tpu.memory_space<semaphore_mem>>) src(%dma_wait3A_78 : memref<40x128xi32, #tpu.memory_space<hbm>>) dst(%arg8 : memref<40x128xi32, #tpu.memory_space<vmem>>)
      tpu.yield
    }) : () -> ()
    %dma_start3A_14 = arith.constant 0 : i32
    %dma_start3A_15 = arith.constant 0 : i32
    %dma_start3A_16 = tpu.memref_slice %arg7[%dma_start3A_14, %dma_start3A_15] : memref<40x128xi32, #tpu.memory_space<vmem>> -> memref<1x128xi32, #tpu.memory_space<vmem>>
    %dma_start3A_17 = tpu.memref_squeeze %dma_start3A_16 : memref<1x128xi32, #tpu.memory_space<vmem>> -> memref<128xi32, #tpu.memory_space<vmem>>
    %dma_start3A_18 = arith.constant 0 : i32
    %dma_start3A_19 = arith.constant 0 : i32
    %dma_start3A_20 = tpu.memref_slice %arg2[%dma_start3A_18, %dma_start3A_19] : memref<10000x128xf32, #tpu.memory_space<hbm>> -> memref<10000x128xf32, #tpu.memory_space<hbm>>
    tpu.enqueue_indirect_dma source(%dma_start3A_20 : memref<10000x128xf32, #tpu.memory_space<hbm>>) target(%arg9 : memref<128x128xf32, #tpu.memory_space<vmem>>) offsets(%dma_start3A_17 : memref<128xi32, #tpu.memory_space<vmem>>) semaphore(%arg12 : memref<!tpu.dma_semaphore, #tpu.memory_space<semaphore_mem>>)
    %dma_wait3A = arith.constant 0 : i32
    %dma_wait3A_21 = tpu.memref_slice %arg11[%multiple_of3A, %dma_wait3A] : memref<10008x128xf32, #tpu.memory_space<vmem_shared>> -> memref<624x128xf32, #tpu.memory_space<vmem_shared>>
    %dma_wait3A_22 = arith.constant 0 : i32
    %dma_wait3A_23 = arith.constant 0 : i32
    %dma_wait3A_24 = tpu.memref_slice %arg5[%dma_wait3A_22, %dma_wait3A_23] : memref<624x128xf32, #tpu.memory_space<hbm>> -> memref<624x128xf32, #tpu.memory_space<hbm>>
    tpu.wait_dma2 semaphore(%arg14 : memref<!tpu.dma_semaphore, #tpu.memory_space<semaphore_mem>>) src(%dma_wait3A_24 : memref<624x128xf32, #tpu.memory_space<hbm>>) dst(%dma_wait3A_21 : memref<624x128xf32, #tpu.memory_space<vmem_shared>>)
    %eq3A_25 = arith.constant 0 : i32
    %eq3A_26 = arith.cmpi eq, %arg1, %eq3A_25 : i32
    %convert_element_type3A_27 = arith.extui %eq3A_26 : i1 to i32
    %cond3A_28 = arith.constant 0 : i32
    %cond3A_29 = arith.cmpi ne, %convert_element_type3A_27, %cond3A_28 : i32
    scf.if %cond3A_29 {
      %dma_wait3A_71 = arith.constant 9984 : i32
      %dma_wait3A_72 = arith.constant 0 : i32
      %dma_wait3A_73 = tpu.memref_slice %arg11[%dma_wait3A_71, %dma_wait3A_72] : memref<10008x128xf32, #tpu.memory_space<vmem_shared>> -> memref<24x128xf32, #tpu.memory_space<vmem_shared>>
      %dma_wait3A_74 = arith.constant 0 : i32
      %dma_wait3A_75 = arith.constant 0 : i32
      %dma_wait3A_76 = tpu.memref_slice %arg5[%dma_wait3A_74, %dma_wait3A_75] : memref<624x128xf32, #tpu.memory_space<hbm>> -> memref<24x128xf32, #tpu.memory_space<hbm>>
      tpu.wait_dma2 semaphore(%arg15 : memref<!tpu.dma_semaphore, #tpu.memory_space<semaphore_mem>>) src(%dma_wait3A_76 : memref<24x128xf32, #tpu.memory_space<hbm>>) dst(%dma_wait3A_73 : memref<24x128xf32, #tpu.memory_space<vmem_shared>>)
    } else {
    }
    %barrier3A = arith.constant 0 : index
    tpu.barrier barrier_id(%barrier3A)
    %scan3A = arith.constant 0 : i32
    %scan3A_30 = arith.constant 0 : i32
    %scan3A_31 = arith.constant 20 : i32
    %scan3A_32 = arith.addi %scan3A_30, %scan3A_31 : i32
    %scan3A_33 = arith.constant 1 : i32
    scf.for %scan3A_71 = %scan3A_30 to %scan3A_32 step %scan3A_33  : i32 {
      %mul3A_72 = arith.constant 2 : i32
      %mul3A_73 = arith.muli %scan3A_71, %mul3A_72 : i32
      %add3A_74 = arith.constant 0 : i32
      %add3A_75 = arith.addi %mul3A_73, %add3A_74 : i32
      %ge3A = arith.constant 1 : i32
      %ge3A_76 = arith.cmpi sge, %add3A_75, %ge3A : i32
      %convert_element_type3A_77 = arith.extui %ge3A_76 : i1 to i32
      %cond3A_78 = arith.constant 0 : i32
      %cond3A_79 = arith.cmpi ne, %convert_element_type3A_77, %cond3A_78 : i32
      scf.if %cond3A_79 {
        %sub3A = arith.constant 1 : i32
        %sub3A_126 = arith.subi %add3A_75, %sub3A : i32
        %dma_wait3A_127 = arith.constant 0 : i32
        %dma_wait3A_128 = tpu.memref_slice %arg8[%sub3A_126, %dma_wait3A_127] : memref<40x128xi32, #tpu.memory_space<vmem>> -> memref<1x128xi32, #tpu.memory_space<vmem>>
        %dma_wait3A_129 = tpu.memref_squeeze %dma_wait3A_128 : memref<1x128xi32, #tpu.memory_space<vmem>> -> memref<128xi32, #tpu.memory_space<vmem>>
        %dma_wait3A_130 = arith.constant 0 : i32
        %dma_wait3A_131 = arith.constant 0 : i32
        %dma_wait3A_132 = tpu.memref_slice %arg11[%dma_wait3A_130, %dma_wait3A_131] : memref<10008x128xf32, #tpu.memory_space<vmem_shared>> -> memref<10008x128xf32, #tpu.memory_space<vmem_shared>>
        tpu.wait_indirect_dma semaphore(%arg15 : memref<!tpu.dma_semaphore, #tpu.memory_space<semaphore_mem>>) src(%arg10 : memref<128x128xf32, #tpu.memory_space<vmem>>) dst(%dma_wait3A_132 : memref<10008x128xf32, #tpu.memory_space<vmem_shared>>)
      } else {
      }
      %add3A_80 = arith.constant 1 : i32
      %add3A_81 = arith.addi %add3A_75, %add3A_80 : i32
      %lt3A = arith.constant 40 : i32
      %lt3A_82 = arith.cmpi slt, %add3A_81, %lt3A : i32
      %convert_element_type3A_83 = arith.extui %lt3A_82 : i1 to i32
      %cond3A_84 = arith.constant 0 : i32
      %cond3A_85 = arith.cmpi ne, %convert_element_type3A_83, %cond3A_84 : i32
      scf.if %cond3A_85 {
        %add3A_126 = arith.constant 1 : i32
        %add3A_127 = arith.addi %add3A_75, %add3A_126 : i32
        %dma_start3A_128 = arith.constant 0 : i32
        %dma_start3A_129 = tpu.memref_slice %arg7[%add3A_127, %dma_start3A_128] : memref<40x128xi32, #tpu.memory_space<vmem>> -> memref<1x128xi32, #tpu.memory_space<vmem>>
        %dma_start3A_130 = tpu.memref_squeeze %dma_start3A_129 : memref<1x128xi32, #tpu.memory_space<vmem>> -> memref<128xi32, #tpu.memory_space<vmem>>
        %dma_start3A_131 = arith.constant 0 : i32
        %dma_start3A_132 = arith.constant 0 : i32
        %dma_start3A_133 = tpu.memref_slice %arg2[%dma_start3A_131, %dma_start3A_132] : memref<10000x128xf32, #tpu.memory_space<hbm>> -> memref<10000x128xf32, #tpu.memory_space<hbm>>
        tpu.enqueue_indirect_dma source(%dma_start3A_133 : memref<10000x128xf32, #tpu.memory_space<hbm>>) target(%arg10 : memref<128x128xf32, #tpu.memory_space<vmem>>) offsets(%dma_start3A_130 : memref<128xi32, #tpu.memory_space<vmem>>) semaphore(%arg13 : memref<!tpu.dma_semaphore, #tpu.memory_space<semaphore_mem>>)
      } else {
      }
      %dma_wait3A_86 = arith.constant 0 : i32
      %dma_wait3A_87 = tpu.memref_slice %arg7[%add3A_75, %dma_wait3A_86] : memref<40x128xi32, #tpu.memory_space<vmem>> -> memref<1x128xi32, #tpu.memory_space<vmem>>
      %dma_wait3A_88 = tpu.memref_squeeze %dma_wait3A_87 : memref<1x128xi32, #tpu.memory_space<vmem>> -> memref<128xi32, #tpu.memory_space<vmem>>
      %dma_wait3A_89 = arith.constant 0 : i32
      %dma_wait3A_90 = arith.constant 0 : i32
      %dma_wait3A_91 = tpu.memref_slice %arg2[%dma_wait3A_89, %dma_wait3A_90] : memref<10000x128xf32, #tpu.memory_space<hbm>> -> memref<10000x128xf32, #tpu.memory_space<hbm>>
      tpu.wait_indirect_dma semaphore(%arg12 : memref<!tpu.dma_semaphore, #tpu.memory_space<semaphore_mem>>) src(%dma_wait3A_91 : memref<10000x128xf32, #tpu.memory_space<hbm>>) dst(%arg9 : memref<128x128xf32, #tpu.memory_space<vmem>>)
      %dma_start3A_92 = arith.constant 0 : i32
      %dma_start3A_93 = tpu.memref_slice %arg8[%add3A_75, %dma_start3A_92] : memref<40x128xi32, #tpu.memory_space<vmem>> -> memref<1x128xi32, #tpu.memory_space<vmem>>
      %dma_start3A_94 = tpu.memref_squeeze %dma_start3A_93 : memref<1x128xi32, #tpu.memory_space<vmem>> -> memref<128xi32, #tpu.memory_space<vmem>>
      %dma_start3A_95 = arith.constant 0 : i32
      %dma_start3A_96 = arith.constant 0 : i32
      %dma_start3A_97 = tpu.memref_slice %arg11[%dma_start3A_95, %dma_start3A_96] : memref<10008x128xf32, #tpu.memory_space<vmem_shared>> -> memref<10008x128xf32, #tpu.memory_space<vmem_shared>>
      tpu.enqueue_indirect_dma source(%arg9 : memref<128x128xf32, #tpu.memory_space<vmem>>) target(%dma_start3A_97 : memref<10008x128xf32, #tpu.memory_space<vmem_shared>>) offsets(%dma_start3A_94 : memref<128xi32, #tpu.memory_space<vmem>>) semaphore(%arg14 : memref<!tpu.dma_semaphore, #tpu.memory_space<semaphore_mem>>) {add = true}
      %mul3A_98 = arith.constant 2 : i32
      %mul3A_99 = arith.muli %scan3A_71, %mul3A_98 : i32
      %add3A_100 = arith.constant 1 : i32
      %add3A_101 = arith.addi %mul3A_99, %add3A_100 : i32
      %ge3A_102 = arith.constant 1 : i32
      %ge3A_103 = arith.cmpi sge, %add3A_101, %ge3A_102 : i32
      %convert_element_type3A_104 = arith.extui %ge3A_103 : i1 to i32
      %cond3A_105 = arith.constant 0 : i32
      %cond3A_106 = arith.cmpi ne, %convert_element_type3A_104, %cond3A_105 : i32
      scf.if %cond3A_106 {
        %sub3A = arith.constant 1 : i32
        %sub3A_126 = arith.subi %add3A_101, %sub3A : i32
        %dma_wait3A_127 = arith.constant 0 : i32
        %dma_wait3A_128 = tpu.memref_slice %arg8[%sub3A_126, %dma_wait3A_127] : memref<40x128xi32, #tpu.memory_space<vmem>> -> memref<1x128xi32, #tpu.memory_space<vmem>>
        %dma_wait3A_129 = tpu.memref_squeeze %dma_wait3A_128 : memref<1x128xi32, #tpu.memory_space<vmem>> -> memref<128xi32, #tpu.memory_space<vmem>>
        %dma_wait3A_130 = arith.constant 0 : i32
        %dma_wait3A_131 = arith.constant 0 : i32
        %dma_wait3A_132 = tpu.memref_slice %arg11[%dma_wait3A_130, %dma_wait3A_131] : memref<10008x128xf32, #tpu.memory_space<vmem_shared>> -> memref<10008x128xf32, #tpu.memory_space<vmem_shared>>
        tpu.wait_indirect_dma semaphore(%arg14 : memref<!tpu.dma_semaphore, #tpu.memory_space<semaphore_mem>>) src(%arg9 : memref<128x128xf32, #tpu.memory_space<vmem>>) dst(%dma_wait3A_132 : memref<10008x128xf32, #tpu.memory_space<vmem_shared>>)
      } else {
      }
      %add3A_107 = arith.constant 1 : i32
      %add3A_108 = arith.addi %add3A_101, %add3A_107 : i32
      %lt3A_109 = arith.constant 40 : i32
      %lt3A_110 = arith.cmpi slt, %add3A_108, %lt3A_109 : i32
      %convert_element_type3A_111 = arith.extui %lt3A_110 : i1 to i32
      %cond3A_112 = arith.constant 0 : i32
      %cond3A_113 = arith.cmpi ne, %convert_element_type3A_111, %cond3A_112 : i32
      scf.if %cond3A_113 {
        %add3A_126 = arith.constant 1 : i32
        %add3A_127 = arith.addi %add3A_101, %add3A_126 : i32
        %dma_start3A_128 = arith.constant 0 : i32
        %dma_start3A_129 = tpu.memref_slice %arg7[%add3A_127, %dma_start3A_128] : memref<40x128xi32, #tpu.memory_space<vmem>> -> memref<1x128xi32, #tpu.memory_space<vmem>>
        %dma_start3A_130 = tpu.memref_squeeze %dma_start3A_129 : memref<1x128xi32, #tpu.memory_space<vmem>> -> memref<128xi32, #tpu.memory_space<vmem>>
        %dma_start3A_131 = arith.constant 0 : i32
        %dma_start3A_132 = arith.constant 0 : i32
        %dma_start3A_133 = tpu.memref_slice %arg2[%dma_start3A_131, %dma_start3A_132] : memref<10000x128xf32, #tpu.memory_space<hbm>> -> memref<10000x128xf32, #tpu.memory_space<hbm>>
        tpu.enqueue_indirect_dma source(%dma_start3A_133 : memref<10000x128xf32, #tpu.memory_space<hbm>>) target(%arg9 : memref<128x128xf32, #tpu.memory_space<vmem>>) offsets(%dma_start3A_130 : memref<128xi32, #tpu.memory_space<vmem>>) semaphore(%arg12 : memref<!tpu.dma_semaphore, #tpu.memory_space<semaphore_mem>>)
      } else {
      }
      %dma_wait3A_114 = arith.constant 0 : i32
      %dma_wait3A_115 = tpu.memref_slice %arg7[%add3A_101, %dma_wait3A_114] : memref<40x128xi32, #tpu.memory_space<vmem>> -> memref<1x128xi32, #tpu.memory_space<vmem>>
      %dma_wait3A_116 = tpu.memref_squeeze %dma_wait3A_115 : memref<1x128xi32, #tpu.memory_space<vmem>> -> memref<128xi32, #tpu.memory_space<vmem>>
      %dma_wait3A_117 = arith.constant 0 : i32
      %dma_wait3A_118 = arith.constant 0 : i32
      %dma_wait3A_119 = tpu.memref_slice %arg2[%dma_wait3A_117, %dma_wait3A_118] : memref<10000x128xf32, #tpu.memory_space<hbm>> -> memref<10000x128xf32, #tpu.memory_space<hbm>>
      tpu.wait_indirect_dma semaphore(%arg13 : memref<!tpu.dma_semaphore, #tpu.memory_space<semaphore_mem>>) src(%dma_wait3A_119 : memref<10000x128xf32, #tpu.memory_space<hbm>>) dst(%arg10 : memref<128x128xf32, #tpu.memory_space<vmem>>)
      %dma_start3A_120 = arith.constant 0 : i32
      %dma_start3A_121 = tpu.memref_slice %arg8[%add3A_101, %dma_start3A_120] : memref<40x128xi32, #tpu.memory_space<vmem>> -> memref<1x128xi32, #tpu.memory_space<vmem>>
      %dma_start3A_122 = tpu.memref_squeeze %dma_start3A_121 : memref<1x128xi32, #tpu.memory_space<vmem>> -> memref<128xi32, #tpu.memory_space<vmem>>
      %dma_start3A_123 = arith.constant 0 : i32
      %dma_start3A_124 = arith.constant 0 : i32
      %dma_start3A_125 = tpu.memref_slice %arg11[%dma_start3A_123, %dma_start3A_124] : memref<10008x128xf32, #tpu.memory_space<vmem_shared>> -> memref<10008x128xf32, #tpu.memory_space<vmem_shared>>
      tpu.enqueue_indirect_dma source(%arg10 : memref<128x128xf32, #tpu.memory_space<vmem>>) target(%dma_start3A_125 : memref<10008x128xf32, #tpu.memory_space<vmem_shared>>) offsets(%dma_start3A_122 : memref<128xi32, #tpu.memory_space<vmem>>) semaphore(%arg15 : memref<!tpu.dma_semaphore, #tpu.memory_space<semaphore_mem>>) {add = true}
    }
    %scan3A_34 = arith.constant 20 : i32
    %dma_wait3A_35 = arith.constant 39 : i32
    %dma_wait3A_36 = arith.constant 0 : i32
    %dma_wait3A_37 = tpu.memref_slice %arg8[%dma_wait3A_35, %dma_wait3A_36] : memref<40x128xi32, #tpu.memory_space<vmem>> -> memref<1x128xi32, #tpu.memory_space<vmem>>
    %dma_wait3A_38 = tpu.memref_squeeze %dma_wait3A_37 : memref<1x128xi32, #tpu.memory_space<vmem>> -> memref<128xi32, #tpu.memory_space<vmem>>
    %dma_wait3A_39 = arith.constant 0 : i32
    %dma_wait3A_40 = arith.constant 0 : i32
    %dma_wait3A_41 = tpu.memref_slice %arg11[%dma_wait3A_39, %dma_wait3A_40] : memref<10008x128xf32, #tpu.memory_space<vmem_shared>> -> memref<10008x128xf32, #tpu.memory_space<vmem_shared>>
    tpu.wait_indirect_dma semaphore(%arg15 : memref<!tpu.dma_semaphore, #tpu.memory_space<semaphore_mem>>) src(%arg10 : memref<128x128xf32, #tpu.memory_space<vmem>>) dst(%dma_wait3A_41 : memref<10008x128xf32, #tpu.memory_space<vmem_shared>>)
    %add3A_42 = arith.constant 40 : i32
    %add3A_43 = arith.addi %mul3A_2, %add3A_42 : i32
    %multiple_of3A_44 = tpu.assume_multiple %add3A_43, 8 : i32
    "tpu.region"() ({
      %run_scoped3A = tpu.sem_alloc : memref<!tpu.dma_semaphore, #tpu.memory_space<semaphore_mem>>
      %dma_start3A_71 = arith.constant 0 : i32
      %dma_start3A_72 = tpu.memref_slice %arg3[%multiple_of3A_44, %dma_start3A_71] : memref<2560x128xi32, #tpu.memory_space<hbm>> -> memref<40x128xi32, #tpu.memory_space<hbm>>
      %dma_start3A_73 = arith.constant 0 : i32
      %dma_start3A_74 = tpu.memref_slice %arg3[%multiple_of3A_44, %dma_start3A_73] : memref<2560x128xi32, #tpu.memory_space<hbm>> -> memref<40x128xi32, #tpu.memory_space<hbm>>
      tpu.enqueue_dma source(%dma_start3A_74 : memref<40x128xi32, #tpu.memory_space<hbm>>) target(%arg7 : memref<40x128xi32, #tpu.memory_space<vmem>>) target_semaphore(%run_scoped3A : memref<!tpu.dma_semaphore, #tpu.memory_space<semaphore_mem>>)
      %dma_wait3A_75 = arith.constant 0 : i32
      %dma_wait3A_76 = tpu.memref_slice %arg3[%multiple_of3A_44, %dma_wait3A_75] : memref<2560x128xi32, #tpu.memory_space<hbm>> -> memref<40x128xi32, #tpu.memory_space<hbm>>
      %dma_wait3A_77 = arith.constant 0 : i32
      %dma_wait3A_78 = tpu.memref_slice %arg3[%multiple_of3A_44, %dma_wait3A_77] : memref<2560x128xi32, #tpu.memory_space<hbm>> -> memref<40x128xi32, #tpu.memory_space<hbm>>
      tpu.wait_dma2 semaphore(%run_scoped3A : memref<!tpu.dma_semaphore, #tpu.memory_space<semaphore_mem>>) src(%dma_wait3A_78 : memref<40x128xi32, #tpu.memory_space<hbm>>) dst(%arg7 : memref<40x128xi32, #tpu.memory_space<vmem>>)
      tpu.yield
    }) : () -> ()
    "tpu.region"() ({
      %run_scoped3A = tpu.sem_alloc : memref<!tpu.dma_semaphore, #tpu.memory_space<semaphore_mem>>
      %dma_start3A_71 = arith.constant 0 : i32
      %dma_start3A_72 = tpu.memref_slice %arg4[%multiple_of3A_44, %dma_start3A_71] : memref<2560x128xi32, #tpu.memory_space<hbm>> -> memref<40x128xi32, #tpu.memory_space<hbm>>
      %dma_start3A_73 = arith.constant 0 : i32
      %dma_start3A_74 = tpu.memref_slice %arg4[%multiple_of3A_44, %dma_start3A_73] : memref<2560x128xi32, #tpu.memory_space<hbm>> -> memref<40x128xi32, #tpu.memory_space<hbm>>
      tpu.enqueue_dma source(%dma_start3A_74 : memref<40x128xi32, #tpu.memory_space<hbm>>) target(%arg8 : memref<40x128xi32, #tpu.memory_space<vmem>>) target_semaphore(%run_scoped3A : memref<!tpu.dma_semaphore, #tpu.memory_space<semaphore_mem>>)
      %dma_wait3A_75 = arith.constant 0 : i32
      %dma_wait3A_76 = tpu.memref_slice %arg4[%multiple_of3A_44, %dma_wait3A_75] : memref<2560x128xi32, #tpu.memory_space<hbm>> -> memref<40x128xi32, #tpu.memory_space<hbm>>
      %dma_wait3A_77 = arith.constant 0 : i32
      %dma_wait3A_78 = tpu.memref_slice %arg4[%multiple_of3A_44, %dma_wait3A_77] : memref<2560x128xi32, #tpu.memory_space<hbm>> -> memref<40x128xi32, #tpu.memory_space<hbm>>
      tpu.wait_dma2 semaphore(%run_scoped3A : memref<!tpu.dma_semaphore, #tpu.memory_space<semaphore_mem>>) src(%dma_wait3A_78 : memref<40x128xi32, #tpu.memory_space<hbm>>) dst(%arg8 : memref<40x128xi32, #tpu.memory_space<vmem>>)
      tpu.yield
    }) : () -> ()
    %dma_start3A_45 = arith.constant 0 : i32
    %dma_start3A_46 = arith.constant 0 : i32
    %dma_start3A_47 = tpu.memref_slice %arg7[%dma_start3A_45, %dma_start3A_46] : memref<40x128xi32, #tpu.memory_space<vmem>> -> memref<1x128xi32, #tpu.memory_space<vmem>>
    %dma_start3A_48 = tpu.memref_squeeze %dma_start3A_47 : memref<1x128xi32, #tpu.memory_space<vmem>> -> memref<128xi32, #tpu.memory_space<vmem>>
    %dma_start3A_49 = arith.constant 0 : i32
    %dma_start3A_50 = arith.constant 0 : i32
    %dma_start3A_51 = tpu.memref_slice %arg2[%dma_start3A_49, %dma_start3A_50] : memref<10000x128xf32, #tpu.memory_space<hbm>> -> memref<10000x128xf32, #tpu.memory_space<hbm>>
    tpu.enqueue_indirect_dma source(%dma_start3A_51 : memref<10000x128xf32, #tpu.memory_space<hbm>>) target(%arg9 : memref<128x128xf32, #tpu.memory_space<vmem>>) offsets(%dma_start3A_48 : memref<128xi32, #tpu.memory_space<vmem>>) semaphore(%arg12 : memref<!tpu.dma_semaphore, #tpu.memory_space<semaphore_mem>>)
    %scan3A_52 = arith.constant 0 : i32
    %scan3A_53 = arith.constant 0 : i32
    %scan3A_54 = arith.constant 20 : i32
    %scan3A_55 = arith.addi %scan3A_53, %scan3A_54 : i32
    %scan3A_56 = arith.constant 1 : i32
    scf.for %scan3A_71 = %scan3A_53 to %scan3A_55 step %scan3A_56  : i32 {
      %mul3A_72 = arith.constant 2 : i32
      %mul3A_73 = arith.muli %scan3A_71, %mul3A_72 : i32
      %add3A_74 = arith.constant 0 : i32
      %add3A_75 = arith.addi %mul3A_73, %add3A_74 : i32
      %ge3A = arith.constant 1 : i32
      %ge3A_76 = arith.cmpi sge, %add3A_75, %ge3A : i32
      %convert_element_type3A_77 = arith.extui %ge3A_76 : i1 to i32
      %cond3A_78 = arith.constant 0 : i32
      %cond3A_79 = arith.cmpi ne, %convert_element_type3A_77, %cond3A_78 : i32
      scf.if %cond3A_79 {
        %sub3A = arith.constant 1 : i32
        %sub3A_126 = arith.subi %add3A_75, %sub3A : i32
        %dma_wait3A_127 = arith.constant 0 : i32
        %dma_wait3A_128 = tpu.memref_slice %arg8[%sub3A_126, %dma_wait3A_127] : memref<40x128xi32, #tpu.memory_space<vmem>> -> memref<1x128xi32, #tpu.memory_space<vmem>>
        %dma_wait3A_129 = tpu.memref_squeeze %dma_wait3A_128 : memref<1x128xi32, #tpu.memory_space<vmem>> -> memref<128xi32, #tpu.memory_space<vmem>>
        %dma_wait3A_130 = arith.constant 0 : i32
        %dma_wait3A_131 = arith.constant 0 : i32
        %dma_wait3A_132 = tpu.memref_slice %arg11[%dma_wait3A_130, %dma_wait3A_131] : memref<10008x128xf32, #tpu.memory_space<vmem_shared>> -> memref<10008x128xf32, #tpu.memory_space<vmem_shared>>
        tpu.wait_indirect_dma semaphore(%arg15 : memref<!tpu.dma_semaphore, #tpu.memory_space<semaphore_mem>>) src(%arg10 : memref<128x128xf32, #tpu.memory_space<vmem>>) dst(%dma_wait3A_132 : memref<10008x128xf32, #tpu.memory_space<vmem_shared>>)
      } else {
      }
      %add3A_80 = arith.constant 1 : i32
      %add3A_81 = arith.addi %add3A_75, %add3A_80 : i32
      %lt3A = arith.constant 40 : i32
      %lt3A_82 = arith.cmpi slt, %add3A_81, %lt3A : i32
      %convert_element_type3A_83 = arith.extui %lt3A_82 : i1 to i32
      %cond3A_84 = arith.constant 0 : i32
      %cond3A_85 = arith.cmpi ne, %convert_element_type3A_83, %cond3A_84 : i32
      scf.if %cond3A_85 {
        %add3A_126 = arith.constant 1 : i32
        %add3A_127 = arith.addi %add3A_75, %add3A_126 : i32
        %dma_start3A_128 = arith.constant 0 : i32
        %dma_start3A_129 = tpu.memref_slice %arg7[%add3A_127, %dma_start3A_128] : memref<40x128xi32, #tpu.memory_space<vmem>> -> memref<1x128xi32, #tpu.memory_space<vmem>>
        %dma_start3A_130 = tpu.memref_squeeze %dma_start3A_129 : memref<1x128xi32, #tpu.memory_space<vmem>> -> memref<128xi32, #tpu.memory_space<vmem>>
        %dma_start3A_131 = arith.constant 0 : i32
        %dma_start3A_132 = arith.constant 0 : i32
        %dma_start3A_133 = tpu.memref_slice %arg2[%dma_start3A_131, %dma_start3A_132] : memref<10000x128xf32, #tpu.memory_space<hbm>> -> memref<10000x128xf32, #tpu.memory_space<hbm>>
        tpu.enqueue_indirect_dma source(%dma_start3A_133 : memref<10000x128xf32, #tpu.memory_space<hbm>>) target(%arg10 : memref<128x128xf32, #tpu.memory_space<vmem>>) offsets(%dma_start3A_130 : memref<128xi32, #tpu.memory_space<vmem>>) semaphore(%arg13 : memref<!tpu.dma_semaphore, #tpu.memory_space<semaphore_mem>>)
      } else {
      }
      %dma_wait3A_86 = arith.constant 0 : i32
      %dma_wait3A_87 = tpu.memref_slice %arg7[%add3A_75, %dma_wait3A_86] : memref<40x128xi32, #tpu.memory_space<vmem>> -> memref<1x128xi32, #tpu.memory_space<vmem>>
      %dma_wait3A_88 = tpu.memref_squeeze %dma_wait3A_87 : memref<1x128xi32, #tpu.memory_space<vmem>> -> memref<128xi32, #tpu.memory_space<vmem>>
      %dma_wait3A_89 = arith.constant 0 : i32
      %dma_wait3A_90 = arith.constant 0 : i32
      %dma_wait3A_91 = tpu.memref_slice %arg2[%dma_wait3A_89, %dma_wait3A_90] : memref<10000x128xf32, #tpu.memory_space<hbm>> -> memref<10000x128xf32, #tpu.memory_space<hbm>>
      tpu.wait_indirect_dma semaphore(%arg12 : memref<!tpu.dma_semaphore, #tpu.memory_space<semaphore_mem>>) src(%dma_wait3A_91 : memref<10000x128xf32, #tpu.memory_space<hbm>>) dst(%arg9 : memref<128x128xf32, #tpu.memory_space<vmem>>)
      %dma_start3A_92 = arith.constant 0 : i32
      %dma_start3A_93 = tpu.memref_slice %arg8[%add3A_75, %dma_start3A_92] : memref<40x128xi32, #tpu.memory_space<vmem>> -> memref<1x128xi32, #tpu.memory_space<vmem>>
      %dma_start3A_94 = tpu.memref_squeeze %dma_start3A_93 : memref<1x128xi32, #tpu.memory_space<vmem>> -> memref<128xi32, #tpu.memory_space<vmem>>
      %dma_start3A_95 = arith.constant 0 : i32
      %dma_start3A_96 = arith.constant 0 : i32
      %dma_start3A_97 = tpu.memref_slice %arg11[%dma_start3A_95, %dma_start3A_96] : memref<10008x128xf32, #tpu.memory_space<vmem_shared>> -> memref<10008x128xf32, #tpu.memory_space<vmem_shared>>
      tpu.enqueue_indirect_dma source(%arg9 : memref<128x128xf32, #tpu.memory_space<vmem>>) target(%dma_start3A_97 : memref<10008x128xf32, #tpu.memory_space<vmem_shared>>) offsets(%dma_start3A_94 : memref<128xi32, #tpu.memory_space<vmem>>) semaphore(%arg14 : memref<!tpu.dma_semaphore, #tpu.memory_space<semaphore_mem>>) {add = true}
      %mul3A_98 = arith.constant 2 : i32
      %mul3A_99 = arith.muli %scan3A_71, %mul3A_98 : i32
      %add3A_100 = arith.constant 1 : i32
      %add3A_101 = arith.addi %mul3A_99, %add3A_100 : i32
      %ge3A_102 = arith.constant 1 : i32
      %ge3A_103 = arith.cmpi sge, %add3A_101, %ge3A_102 : i32
      %convert_element_type3A_104 = arith.extui %ge3A_103 : i1 to i32
      %cond3A_105 = arith.constant 0 : i32
      %cond3A_106 = arith.cmpi ne, %convert_element_type3A_104, %cond3A_105 : i32
      scf.if %cond3A_106 {
        %sub3A = arith.constant 1 : i32
        %sub3A_126 = arith.subi %add3A_101, %sub3A : i32
        %dma_wait3A_127 = arith.constant 0 : i32
        %dma_wait3A_128 = tpu.memref_slice %arg8[%sub3A_126, %dma_wait3A_127] : memref<40x128xi32, #tpu.memory_space<vmem>> -> memref<1x128xi32, #tpu.memory_space<vmem>>
        %dma_wait3A_129 = tpu.memref_squeeze %dma_wait3A_128 : memref<1x128xi32, #tpu.memory_space<vmem>> -> memref<128xi32, #tpu.memory_space<vmem>>
        %dma_wait3A_130 = arith.constant 0 : i32
        %dma_wait3A_131 = arith.constant 0 : i32
        %dma_wait3A_132 = tpu.memref_slice %arg11[%dma_wait3A_130, %dma_wait3A_131] : memref<10008x128xf32, #tpu.memory_space<vmem_shared>> -> memref<10008x128xf32, #tpu.memory_space<vmem_shared>>
        tpu.wait_indirect_dma semaphore(%arg14 : memref<!tpu.dma_semaphore, #tpu.memory_space<semaphore_mem>>) src(%arg9 : memref<128x128xf32, #tpu.memory_space<vmem>>) dst(%dma_wait3A_132 : memref<10008x128xf32, #tpu.memory_space<vmem_shared>>)
      } else {
      }
      %add3A_107 = arith.constant 1 : i32
      %add3A_108 = arith.addi %add3A_101, %add3A_107 : i32
      %lt3A_109 = arith.constant 40 : i32
      %lt3A_110 = arith.cmpi slt, %add3A_108, %lt3A_109 : i32
      %convert_element_type3A_111 = arith.extui %lt3A_110 : i1 to i32
      %cond3A_112 = arith.constant 0 : i32
      %cond3A_113 = arith.cmpi ne, %convert_element_type3A_111, %cond3A_112 : i32
      scf.if %cond3A_113 {
        %add3A_126 = arith.constant 1 : i32
        %add3A_127 = arith.addi %add3A_101, %add3A_126 : i32
        %dma_start3A_128 = arith.constant 0 : i32
        %dma_start3A_129 = tpu.memref_slice %arg7[%add3A_127, %dma_start3A_128] : memref<40x128xi32, #tpu.memory_space<vmem>> -> memref<1x128xi32, #tpu.memory_space<vmem>>
        %dma_start3A_130 = tpu.memref_squeeze %dma_start3A_129 : memref<1x128xi32, #tpu.memory_space<vmem>> -> memref<128xi32, #tpu.memory_space<vmem>>
        %dma_start3A_131 = arith.constant 0 : i32
        %dma_start3A_132 = arith.constant 0 : i32
        %dma_start3A_133 = tpu.memref_slice %arg2[%dma_start3A_131, %dma_start3A_132] : memref<10000x128xf32, #tpu.memory_space<hbm>> -> memref<10000x128xf32, #tpu.memory_space<hbm>>
        tpu.enqueue_indirect_dma source(%dma_start3A_133 : memref<10000x128xf32, #tpu.memory_space<hbm>>) target(%arg9 : memref<128x128xf32, #tpu.memory_space<vmem>>) offsets(%dma_start3A_130 : memref<128xi32, #tpu.memory_space<vmem>>) semaphore(%arg12 : memref<!tpu.dma_semaphore, #tpu.memory_space<semaphore_mem>>)
      } else {
      }
      %dma_wait3A_114 = arith.constant 0 : i32
      %dma_wait3A_115 = tpu.memref_slice %arg7[%add3A_101, %dma_wait3A_114] : memref<40x128xi32, #tpu.memory_space<vmem>> -> memref<1x128xi32, #tpu.memory_space<vmem>>
      %dma_wait3A_116 = tpu.memref_squeeze %dma_wait3A_115 : memref<1x128xi32, #tpu.memory_space<vmem>> -> memref<128xi32, #tpu.memory_space<vmem>>
      %dma_wait3A_117 = arith.constant 0 : i32
      %dma_wait3A_118 = arith.constant 0 : i32
      %dma_wait3A_119 = tpu.memref_slice %arg2[%dma_wait3A_117, %dma_wait3A_118] : memref<10000x128xf32, #tpu.memory_space<hbm>> -> memref<10000x128xf32, #tpu.memory_space<hbm>>
      tpu.wait_indirect_dma semaphore(%arg13 : memref<!tpu.dma_semaphore, #tpu.memory_space<semaphore_mem>>) src(%dma_wait3A_119 : memref<10000x128xf32, #tpu.memory_space<hbm>>) dst(%arg10 : memref<128x128xf32, #tpu.memory_space<vmem>>)
      %dma_start3A_120 = arith.constant 0 : i32
      %dma_start3A_121 = tpu.memref_slice %arg8[%add3A_101, %dma_start3A_120] : memref<40x128xi32, #tpu.memory_space<vmem>> -> memref<1x128xi32, #tpu.memory_space<vmem>>
      %dma_start3A_122 = tpu.memref_squeeze %dma_start3A_121 : memref<1x128xi32, #tpu.memory_space<vmem>> -> memref<128xi32, #tpu.memory_space<vmem>>
      %dma_start3A_123 = arith.constant 0 : i32
      %dma_start3A_124 = arith.constant 0 : i32
      %dma_start3A_125 = tpu.memref_slice %arg11[%dma_start3A_123, %dma_start3A_124] : memref<10008x128xf32, #tpu.memory_space<vmem_shared>> -> memref<10008x128xf32, #tpu.memory_space<vmem_shared>>
      tpu.enqueue_indirect_dma source(%arg10 : memref<128x128xf32, #tpu.memory_space<vmem>>) target(%dma_start3A_125 : memref<10008x128xf32, #tpu.memory_space<vmem_shared>>) offsets(%dma_start3A_122 : memref<128xi32, #tpu.memory_space<vmem>>) semaphore(%arg15 : memref<!tpu.dma_semaphore, #tpu.memory_space<semaphore_mem>>) {add = true}
    }
    %scan3A_57 = arith.constant 20 : i32
    %dma_wait3A_58 = arith.constant 39 : i32
    %dma_wait3A_59 = arith.constant 0 : i32
    %dma_wait3A_60 = tpu.memref_slice %arg8[%dma_wait3A_58, %dma_wait3A_59] : memref<40x128xi32, #tpu.memory_space<vmem>> -> memref<1x128xi32, #tpu.memory_space<vmem>>
    %dma_wait3A_61 = tpu.memref_squeeze %dma_wait3A_60 : memref<1x128xi32, #tpu.memory_space<vmem>> -> memref<128xi32, #tpu.memory_space<vmem>>
    %dma_wait3A_62 = arith.constant 0 : i32
    %dma_wait3A_63 = arith.constant 0 : i32
    %dma_wait3A_64 = tpu.memref_slice %arg11[%dma_wait3A_62, %dma_wait3A_63] : memref<10008x128xf32, #tpu.memory_space<vmem_shared>> -> memref<10008x128xf32, #tpu.memory_space<vmem_shared>>
    tpu.wait_indirect_dma semaphore(%arg15 : memref<!tpu.dma_semaphore, #tpu.memory_space<semaphore_mem>>) src(%arg10 : memref<128x128xf32, #tpu.memory_space<vmem>>) dst(%dma_wait3A_64 : memref<10008x128xf32, #tpu.memory_space<vmem_shared>>)
    %barrier3A_65 = arith.constant 0 : index
    tpu.barrier barrier_id(%barrier3A_65)
    "tpu.region"() ({
      %run_scoped3A = tpu.sem_alloc : memref<!tpu.dma_semaphore, #tpu.memory_space<semaphore_mem>>
      %dma_start3A_71 = arith.constant 0 : i32
      %dma_start3A_72 = tpu.memref_slice %arg6[%arg0, %multiple_of3A, %dma_start3A_71] : memref<2x10000x128xf32, #tpu.memory_space<hbm>> -> memref<1x624x128xf32, #tpu.memory_space<hbm>>
      %dma_start3A_73 = tpu.memref_squeeze %dma_start3A_72 : memref<1x624x128xf32, #tpu.memory_space<hbm>> -> memref<624x128xf32, #tpu.memory_space<hbm>>
      %dma_start3A_74 = arith.constant 0 : i32
      %dma_start3A_75 = tpu.memref_slice %arg11[%multiple_of3A, %dma_start3A_74] : memref<10008x128xf32, #tpu.memory_space<vmem_shared>> -> memref<624x128xf32, #tpu.memory_space<vmem_shared>>
      tpu.enqueue_dma source(%dma_start3A_75 : memref<624x128xf32, #tpu.memory_space<vmem_shared>>) target(%dma_start3A_73 : memref<624x128xf32, #tpu.memory_space<hbm>>) target_semaphore(%run_scoped3A : memref<!tpu.dma_semaphore, #tpu.memory_space<semaphore_mem>>)
      %dma_wait3A_76 = arith.constant 0 : i32
      %dma_wait3A_77 = tpu.memref_slice %arg6[%arg0, %multiple_of3A, %dma_wait3A_76] : memref<2x10000x128xf32, #tpu.memory_space<hbm>> -> memref<1x624x128xf32, #tpu.memory_space<hbm>>
      %dma_wait3A_78 = tpu.memref_squeeze %dma_wait3A_77 : memref<1x624x128xf32, #tpu.memory_space<hbm>> -> memref<624x128xf32, #tpu.memory_space<hbm>>
      %dma_wait3A_79 = arith.constant 0 : i32
      %dma_wait3A_80 = tpu.memref_slice %arg11[%multiple_of3A, %dma_wait3A_79] : memref<10008x128xf32, #tpu.memory_space<vmem_shared>> -> memref<624x128xf32, #tpu.memory_space<vmem_shared>>
      tpu.wait_dma2 semaphore(%run_scoped3A : memref<!tpu.dma_semaphore, #tpu.memory_space<semaphore_mem>>) src(%dma_wait3A_80 : memref<624x128xf32, #tpu.memory_space<vmem_shared>>) dst(%dma_wait3A_78 : memref<624x128xf32, #tpu.memory_space<hbm>>)
      tpu.yield
    }) : () -> ()
    %eq3A_66 = arith.constant 0 : i32
    %eq3A_67 = arith.cmpi eq, %arg1, %eq3A_66 : i32
    %convert_element_type3A_68 = arith.extui %eq3A_67 : i1 to i32
    %cond3A_69 = arith.constant 0 : i32
    %cond3A_70 = arith.cmpi ne, %convert_element_type3A_68, %cond3A_69 : i32
    scf.if %cond3A_70 {
      "tpu.region"() ({
        %run_scoped3A = tpu.sem_alloc : memref<!tpu.dma_semaphore, #tpu.memory_space<semaphore_mem>>
        %dma_start3A_71 = arith.constant 9984 : i32
        %dma_start3A_72 = arith.constant 0 : i32
        %dma_start3A_73 = tpu.memref_slice %arg6[%arg0, %dma_start3A_71, %dma_start3A_72] : memref<2x10000x128xf32, #tpu.memory_space<hbm>> -> memref<1x16x128xf32, #tpu.memory_space<hbm>>
        %dma_start3A_74 = tpu.memref_squeeze %dma_start3A_73 : memref<1x16x128xf32, #tpu.memory_space<hbm>> -> memref<16x128xf32, #tpu.memory_space<hbm>>
        %dma_start3A_75 = arith.constant 9984 : i32
        %dma_start3A_76 = arith.constant 0 : i32
        %dma_start3A_77 = tpu.memref_slice %arg11[%dma_start3A_75, %dma_start3A_76] : memref<10008x128xf32, #tpu.memory_space<vmem_shared>> -> memref<16x128xf32, #tpu.memory_space<vmem_shared>>
        tpu.enqueue_dma source(%dma_start3A_77 : memref<16x128xf32, #tpu.memory_space<vmem_shared>>) target(%dma_start3A_74 : memref<16x128xf32, #tpu.memory_space<hbm>>) target_semaphore(%run_scoped3A : memref<!tpu.dma_semaphore, #tpu.memory_space<semaphore_mem>>)
        %dma_wait3A_78 = arith.constant 9984 : i32
        %dma_wait3A_79 = arith.constant 0 : i32
        %dma_wait3A_80 = tpu.memref_slice %arg6[%arg0, %dma_wait3A_78, %dma_wait3A_79] : memref<2x10000x128xf32, #tpu.memory_space<hbm>> -> memref<1x16x128xf32, #tpu.memory_space<hbm>>
        %dma_wait3A_81 = tpu.memref_squeeze %dma_wait3A_80 : memref<1x16x128xf32, #tpu.memory_space<hbm>> -> memref<16x128xf32, #tpu.memory_space<hbm>>
        %dma_wait3A_82 = arith.constant 9984 : i32
        %dma_wait3A_83 = arith.constant 0 : i32
        %dma_wait3A_84 = tpu.memref_slice %arg11[%dma_wait3A_82, %dma_wait3A_83] : memref<10008x128xf32, #tpu.memory_space<vmem_shared>> -> memref<16x128xf32, #tpu.memory_space<vmem_shared>>
        tpu.wait_dma2 semaphore(%run_scoped3A : memref<!tpu.dma_semaphore, #tpu.memory_space<semaphore_mem>>) src(%dma_wait3A_84 : memref<16x128xf32, #tpu.memory_space<vmem_shared>>) dst(%dma_wait3A_81 : memref<16x128xf32, #tpu.memory_space<hbm>>)
        tpu.yield
      }) : () -> ()
    } else {
    }
    return
  }
}

module attributes {stable_mosaic.version = 14 : i64} {
  func.func @_tc1_body(%arg0: i32, %arg1: memref<5000x128xf32, #tpu.memory_space<vmem>>, %arg2: memref<2x5000x128xf32, #tpu.memory_space<vmem>>, %arg3: memref<128x128xf32, #tpu.memory_space<vmem>>, %arg4: memref<1x128xf32, #tpu.memory_space<vmem>>, %arg5: memref<128x128xf32, #tpu.memory_space<vmem>>, %arg6: memref<1x128xf32, #tpu.memory_space<vmem>>, %arg7: memref<128x128xf32, #tpu.memory_space<vmem>>, %arg8: memref<1x128xf32, #tpu.memory_space<vmem>>, %arg9: memref<128x128xf32, #tpu.memory_space<vmem>>, %arg10: memref<1x128xf32, #tpu.memory_space<vmem>>, %arg11: memref<128x128xf32, #tpu.memory_space<vmem>>, %arg12: memref<1x128xf32, #tpu.memory_space<vmem>>, %arg13: memref<128x128xf32, #tpu.memory_space<vmem>>, %arg14: memref<1x128xf32, #tpu.memory_space<vmem>>, %arg15: memref<5000x128xf32, #tpu.memory_space<vmem>>, %arg16: memref<2x5000x128xf32, #tpu.memory_space<vmem>>) attributes {dimension_semantics = [#tpu.dimension_semantics<arbitrary>], iteration_bounds = array<i64: 2>, scalar_prefetch = 0 : i64, scratch_operands = 0 : i64, tpu.core_type = #tpu.core_type<tc>, window_params = [{transform_indices = @transform_0, window_bounds = array<i64: 5000, 128>}, {transform_indices = @transform_1, window_bounds = array<i64: 2, 5000, 128>}, {pipeline_mode = #tpu.pipeline_mode<synchronous>, transform_indices = @transform_2, window_bounds = array<i64: 128, 128>}, {pipeline_mode = #tpu.pipeline_mode<synchronous>, transform_indices = @transform_3, window_bounds = array<i64: 1, 128>}, {pipeline_mode = #tpu.pipeline_mode<synchronous>, transform_indices = @transform_4, window_bounds = array<i64: 128, 128>}, {pipeline_mode = #tpu.pipeline_mode<synchronous>, transform_indices = @transform_5, window_bounds = array<i64: 1, 128>}, {pipeline_mode = #tpu.pipeline_mode<synchronous>, transform_indices = @transform_6, window_bounds = array<i64: 128, 128>}, {pipeline_mode = #tpu.pipeline_mode<synchronous>, transform_indices = @transform_7, window_bounds = array<i64: 1, 128>}, {pipeline_mode = #tpu.pipeline_mode<synchronous>, transform_indices = @transform_8, window_bounds = array<i64: 128, 128>}, {pipeline_mode = #tpu.pipeline_mode<synchronous>, transform_indices = @transform_9, window_bounds = array<i64: 1, 128>}, {pipeline_mode = #tpu.pipeline_mode<synchronous>, transform_indices = @transform_10, window_bounds = array<i64: 128, 128>}, {pipeline_mode = #tpu.pipeline_mode<synchronous>, transform_indices = @transform_11, window_bounds = array<i64: 1, 128>}, {pipeline_mode = #tpu.pipeline_mode<synchronous>, transform_indices = @transform_12, window_bounds = array<i64: 128, 128>}, {pipeline_mode = #tpu.pipeline_mode<synchronous>, transform_indices = @transform_13, window_bounds = array<i64: 1, 128>}, {transform_indices = @transform_14, window_bounds = array<i64: 5000, 128>}, {transform_indices = @transform_15, window_bounds = array<i64: 2, 5000, 128>}]} {
    %get3A = arith.constant 0 : index
    %get3A_0 = arith.constant 0 : index
    %get3A_1 = vector.load %arg1[%get3A, %get3A_0] : memref<5000x128xf32, #tpu.memory_space<vmem>>, vector<5000x128xf32>
    %get3A_2 = arith.constant 0 : index
    %get3A_3 = arith.constant 0 : index
    %get3A_4 = arith.constant 0 : index
    %get3A_5 = vector.load %arg2[%get3A_2, %get3A_3, %get3A_4] : memref<2x5000x128xf32, #tpu.memory_space<vmem>>, vector<1x5000x128xf32>
    %get3A_6 = vector.shape_cast %get3A_5 : vector<1x5000x128xf32> to vector<5000x128xf32>
    %add3A = arith.addf %get3A_1, %get3A_6 : vector<5000x128xf32>
    %get3A_7 = arith.constant 1 : index
    %get3A_8 = arith.constant 0 : index
    %get3A_9 = arith.constant 0 : index
    %get3A_10 = vector.load %arg2[%get3A_7, %get3A_8, %get3A_9] : memref<2x5000x128xf32, #tpu.memory_space<vmem>>, vector<1x5000x128xf32>
    %get3A_11 = vector.shape_cast %get3A_10 : vector<1x5000x128xf32> to vector<5000x128xf32>
    %add3A_12 = arith.addf %add3A, %get3A_11 : vector<5000x128xf32>
    %get3A_13 = arith.constant 0 : index
    %get3A_14 = arith.constant 0 : index
    %get3A_15 = vector.load %arg3[%get3A_13, %get3A_14] : memref<128x128xf32, #tpu.memory_space<vmem>>, vector<128x128xf32>
    %get3A_16 = arith.constant 0 : index
    %get3A_17 = arith.constant 0 : index
    %get3A_18 = vector.load %arg4[%get3A_16, %get3A_17] : memref<1x128xf32, #tpu.memory_space<vmem>>, vector<1x128xf32>
    %get3A_19 = arith.constant 0 : index
    %get3A_20 = arith.constant 0 : index
    %get3A_21 = vector.load %arg5[%get3A_19, %get3A_20] : memref<128x128xf32, #tpu.memory_space<vmem>>, vector<128x128xf32>
    %get3A_22 = arith.constant 0 : index
    %get3A_23 = arith.constant 0 : index
    %get3A_24 = vector.load %arg6[%get3A_22, %get3A_23] : memref<1x128xf32, #tpu.memory_space<vmem>>, vector<1x128xf32>
    %dot_general3A = arith.constant dense<0.000000e+00> : vector<5000x128xf32>
    %dot_general3A_25 = tpu.matmul %add3A_12, %get3A_15, %dot_general3A {dimension_numbers = #tpu.dot_dimension_numbers<[1], [0], [0], [1], [0, 0, 1, 1], [], []>, transpose_lhs_hint = false} : vector<5000x128xf32>, vector<128x128xf32>, vector<5000x128xf32> -> vector<5000x128xf32>
    %add3A_26 = vector.broadcast %get3A_18 : vector<1x128xf32> to vector<5000x128xf32>
    %add3A_27 = arith.addf %dot_general3A_25, %add3A_26 : vector<5000x128xf32>
    %max3A = arith.constant 0.000000e+00 : f32
    %max3A_28 = vector.broadcast %max3A : f32 to vector<5000x128xf32>
    %max3A_29 = arith.maximumf %add3A_27, %max3A_28 : vector<5000x128xf32>
    %dot_general3A_30 = arith.constant dense<0.000000e+00> : vector<5000x128xf32>
    %dot_general3A_31 = tpu.matmul %max3A_29, %get3A_21, %dot_general3A_30 {dimension_numbers = #tpu.dot_dimension_numbers<[1], [0], [0], [1], [0, 0, 1, 1], [], []>, transpose_lhs_hint = false} : vector<5000x128xf32>, vector<128x128xf32>, vector<5000x128xf32> -> vector<5000x128xf32>
    %add3A_32 = vector.broadcast %get3A_24 : vector<1x128xf32> to vector<5000x128xf32>
    %add3A_33 = arith.addf %dot_general3A_31, %add3A_32 : vector<5000x128xf32>
    %swap3A = arith.constant 0 : index
    %swap3A_34 = arith.constant 0 : index
    %swap3A_35 = vector.load %arg15[%swap3A, %swap3A_34] : memref<5000x128xf32, #tpu.memory_space<vmem>>, vector<5000x128xf32>
    tpu.vector_store %arg15[%swap3A, %swap3A_34], %add3A_33 {strides = array<i32>} : memref<5000x128xf32, #tpu.memory_space<vmem>>, vector<5000x128xf32>,
    %get3A_36 = arith.constant 0 : index
    %get3A_37 = arith.constant 0 : index
    %get3A_38 = vector.load %arg7[%get3A_36, %get3A_37] : memref<128x128xf32, #tpu.memory_space<vmem>>, vector<128x128xf32>
    %get3A_39 = arith.constant 0 : index
    %get3A_40 = arith.constant 0 : index
    %get3A_41 = vector.load %arg8[%get3A_39, %get3A_40] : memref<1x128xf32, #tpu.memory_space<vmem>>, vector<1x128xf32>
    %get3A_42 = arith.constant 0 : index
    %get3A_43 = arith.constant 0 : index
    %get3A_44 = vector.load %arg9[%get3A_42, %get3A_43] : memref<128x128xf32, #tpu.memory_space<vmem>>, vector<128x128xf32>
    %get3A_45 = arith.constant 0 : index
    %get3A_46 = arith.constant 0 : index
    %get3A_47 = vector.load %arg10[%get3A_45, %get3A_46] : memref<1x128xf32, #tpu.memory_space<vmem>>, vector<1x128xf32>
    %dot_general3A_48 = arith.constant dense<0.000000e+00> : vector<5000x128xf32>
    %dot_general3A_49 = tpu.matmul %add3A_12, %get3A_38, %dot_general3A_48 {dimension_numbers = #tpu.dot_dimension_numbers<[1], [0], [0], [1], [0, 0, 1, 1], [], []>, transpose_lhs_hint = false} : vector<5000x128xf32>, vector<128x128xf32>, vector<5000x128xf32> -> vector<5000x128xf32>
    %add3A_50 = vector.broadcast %get3A_41 : vector<1x128xf32> to vector<5000x128xf32>
    %add3A_51 = arith.addf %dot_general3A_49, %add3A_50 : vector<5000x128xf32>
    %max3A_52 = arith.constant 0.000000e+00 : f32
    %max3A_53 = vector.broadcast %max3A_52 : f32 to vector<5000x128xf32>
    %max3A_54 = arith.maximumf %add3A_51, %max3A_53 : vector<5000x128xf32>
    %dot_general3A_55 = arith.constant dense<0.000000e+00> : vector<5000x128xf32>
    %dot_general3A_56 = tpu.matmul %max3A_54, %get3A_44, %dot_general3A_55 {dimension_numbers = #tpu.dot_dimension_numbers<[1], [0], [0], [1], [0, 0, 1, 1], [], []>, transpose_lhs_hint = false} : vector<5000x128xf32>, vector<128x128xf32>, vector<5000x128xf32> -> vector<5000x128xf32>
    %add3A_57 = vector.broadcast %get3A_47 : vector<1x128xf32> to vector<5000x128xf32>
    %add3A_58 = arith.addf %dot_general3A_56, %add3A_57 : vector<5000x128xf32>
    %swap3A_59 = arith.constant 0 : index
    %swap3A_60 = arith.constant 0 : index
    %swap3A_61 = arith.constant 0 : index
    %swap3A_62 = vector.load %arg16[%swap3A_59, %swap3A_60, %swap3A_61] : memref<2x5000x128xf32, #tpu.memory_space<vmem>>, vector<1x5000x128xf32>
    %swap3A_63 = vector.shape_cast %swap3A_62 : vector<1x5000x128xf32> to vector<5000x128xf32>
    %swap3A_64 = vector.shape_cast %add3A_58 : vector<5000x128xf32> to vector<1x5000x128xf32>
    tpu.vector_store %arg16[%swap3A_59, %swap3A_60, %swap3A_61], %swap3A_64 {strides = array<i32>} : memref<2x5000x128xf32, #tpu.memory_space<vmem>>, vector<1x5000x128xf32>,
    %get3A_65 = arith.constant 0 : index
    %get3A_66 = arith.constant 0 : index
    %get3A_67 = vector.load %arg11[%get3A_65, %get3A_66] : memref<128x128xf32, #tpu.memory_space<vmem>>, vector<128x128xf32>
    %get3A_68 = arith.constant 0 : index
    %get3A_69 = arith.constant 0 : index
    %get3A_70 = vector.load %arg12[%get3A_68, %get3A_69] : memref<1x128xf32, #tpu.memory_space<vmem>>, vector<1x128xf32>
    %get3A_71 = arith.constant 0 : index
    %get3A_72 = arith.constant 0 : index
    %get3A_73 = vector.load %arg13[%get3A_71, %get3A_72] : memref<128x128xf32, #tpu.memory_space<vmem>>, vector<128x128xf32>
    %get3A_74 = arith.constant 0 : index
    %get3A_75 = arith.constant 0 : index
    %get3A_76 = vector.load %arg14[%get3A_74, %get3A_75] : memref<1x128xf32, #tpu.memory_space<vmem>>, vector<1x128xf32>
    %dot_general3A_77 = arith.constant dense<0.000000e+00> : vector<5000x128xf32>
    %dot_general3A_78 = tpu.matmul %add3A_12, %get3A_67, %dot_general3A_77 {dimension_numbers = #tpu.dot_dimension_numbers<[1], [0], [0], [1], [0, 0, 1, 1], [], []>, transpose_lhs_hint = false} : vector<5000x128xf32>, vector<128x128xf32>, vector<5000x128xf32> -> vector<5000x128xf32>
    %add3A_79 = vector.broadcast %get3A_70 : vector<1x128xf32> to vector<5000x128xf32>
    %add3A_80 = arith.addf %dot_general3A_78, %add3A_79 : vector<5000x128xf32>
    %max3A_81 = arith.constant 0.000000e+00 : f32
    %max3A_82 = vector.broadcast %max3A_81 : f32 to vector<5000x128xf32>
    %max3A_83 = arith.maximumf %add3A_80, %max3A_82 : vector<5000x128xf32>
    %dot_general3A_84 = arith.constant dense<0.000000e+00> : vector<5000x128xf32>
    %dot_general3A_85 = tpu.matmul %max3A_83, %get3A_73, %dot_general3A_84 {dimension_numbers = #tpu.dot_dimension_numbers<[1], [0], [0], [1], [0, 0, 1, 1], [], []>, transpose_lhs_hint = false} : vector<5000x128xf32>, vector<128x128xf32>, vector<5000x128xf32> -> vector<5000x128xf32>
    %add3A_86 = vector.broadcast %get3A_76 : vector<1x128xf32> to vector<5000x128xf32>
    %add3A_87 = arith.addf %dot_general3A_85, %add3A_86 : vector<5000x128xf32>
    %swap3A_88 = arith.constant 1 : index
    %swap3A_89 = arith.constant 0 : index
    %swap3A_90 = arith.constant 0 : index
    %swap3A_91 = vector.load %arg16[%swap3A_88, %swap3A_89, %swap3A_90] : memref<2x5000x128xf32, #tpu.memory_space<vmem>>, vector<1x5000x128xf32>
    %swap3A_92 = vector.shape_cast %swap3A_91 : vector<1x5000x128xf32> to vector<5000x128xf32>
    %swap3A_93 = vector.shape_cast %add3A_87 : vector<5000x128xf32> to vector<1x5000x128xf32>
    tpu.vector_store %arg16[%swap3A_88, %swap3A_89, %swap3A_90], %swap3A_93 {strides = array<i32>} : memref<2x5000x128xf32, #tpu.memory_space<vmem>>, vector<1x5000x128xf32>,
    return
  }
  func.func @transform_0(%arg0: i32) -> (i32, i32) {
    %c0_i32 = arith.constant 0 : i32
    %c0_i32_0 = arith.constant 0 : i32
    return %arg0, %c0_i32 : i32, i32
  }
  func.func @transform_1(%arg0: i32) -> (i32, i32, i32) {
    %c0_i32 = arith.constant 0 : i32
    %c0_i32_0 = arith.constant 0 : i32
    %c0_i32_1 = arith.constant 0 : i32
    return %c0_i32, %arg0, %c0_i32_0 : i32, i32, i32
  }
  func.func @transform_2(%arg0: i32) -> (i32, i32) {
    %c0_i32 = arith.constant 0 : i32
    %c0_i32_0 = arith.constant 0 : i32
    %c0_i32_1 = arith.constant 0 : i32
    return %c0_i32, %c0_i32_0 : i32, i32
  }
  func.func @transform_3(%arg0: i32) -> (i32, i32) {
    %c0_i32 = arith.constant 0 : i32
    %c0_i32_0 = arith.constant 0 : i32
    %c0_i32_1 = arith.constant 0 : i32
    return %c0_i32, %c0_i32_0 : i32, i32
  }
  func.func @transform_4(%arg0: i32) -> (i32, i32) {
    %c0_i32 = arith.constant 0 : i32
    %c0_i32_0 = arith.constant 0 : i32
    %c0_i32_1 = arith.constant 0 : i32
    return %c0_i32, %c0_i32_0 : i32, i32
  }
  func.func @transform_5(%arg0: i32) -> (i32, i32) {
    %c0_i32 = arith.constant 0 : i32
    %c0_i32_0 = arith.constant 0 : i32
    %c0_i32_1 = arith.constant 0 : i32
    return %c0_i32, %c0_i32_0 : i32, i32
  }
  func.func @transform_6(%arg0: i32) -> (i32, i32) {
    %c0_i32 = arith.constant 0 : i32
    %c0_i32_0 = arith.constant 0 : i32
    %c0_i32_1 = arith.constant 0 : i32
    return %c0_i32, %c0_i32_0 : i32, i32
  }
  func.func @transform_7(%arg0: i32) -> (i32, i32) {
    %c0_i32 = arith.constant 0 : i32
    %c0_i32_0 = arith.constant 0 : i32
    %c0_i32_1 = arith.constant 0 : i32
    return %c0_i32, %c0_i32_0 : i32, i32
  }
  func.func @transform_8(%arg0: i32) -> (i32, i32) {
    %c0_i32 = arith.constant 0 : i32
    %c0_i32_0 = arith.constant 0 : i32
    %c0_i32_1 = arith.constant 0 : i32
    return %c0_i32, %c0_i32_0 : i32, i32
  }
  func.func @transform_9(%arg0: i32) -> (i32, i32) {
    %c0_i32 = arith.constant 0 : i32
    %c0_i32_0 = arith.constant 0 : i32
    %c0_i32_1 = arith.constant 0 : i32
    return %c0_i32, %c0_i32_0 : i32, i32
  }
  func.func @transform_10(%arg0: i32) -> (i32, i32) {
    %c0_i32 = arith.constant 0 : i32
    %c0_i32_0 = arith.constant 0 : i32
    %c0_i32_1 = arith.constant 0 : i32
    return %c0_i32, %c0_i32_0 : i32, i32
  }
  func.func @transform_11(%arg0: i32) -> (i32, i32) {
    %c0_i32 = arith.constant 0 : i32
    %c0_i32_0 = arith.constant 0 : i32
    %c0_i32_1 = arith.constant 0 : i32
    return %c0_i32, %c0_i32_0 : i32, i32
  }
  func.func @transform_12(%arg0: i32) -> (i32, i32) {
    %c0_i32 = arith.constant 0 : i32
    %c0_i32_0 = arith.constant 0 : i32
    %c0_i32_1 = arith.constant 0 : i32
    return %c0_i32, %c0_i32_0 : i32, i32
  }
  func.func @transform_13(%arg0: i32) -> (i32, i32) {
    %c0_i32 = arith.constant 0 : i32
    %c0_i32_0 = arith.constant 0 : i32
    %c0_i32_1 = arith.constant 0 : i32
    return %c0_i32, %c0_i32_0 : i32, i32
  }
  func.func @transform_14(%arg0: i32) -> (i32, i32) {
    %c0_i32 = arith.constant 0 : i32
    %c0_i32_0 = arith.constant 0 : i32
    return %arg0, %c0_i32 : i32, i32
  }
  func.func @transform_15(%arg0: i32) -> (i32, i32, i32) {
    %c0_i32 = arith.constant 0 : i32
    %c0_i32_0 = arith.constant 0 : i32
    %c0_i32_1 = arith.constant 0 : i32
    return %c0_i32, %arg0, %c0_i32_0 : i32, i32, i32
  }
}

module attributes {stable_mosaic.version = 14 : i64} {
  func.func @_tc2_body(%arg0: i32, %arg1: memref<2x5000x128xf32, #tpu.memory_space<vmem>>, %arg2: memref<2x5000x128xf32, #tpu.memory_space<vmem>>, %arg3: memref<128x128xf32, #tpu.memory_space<vmem>>, %arg4: memref<1x128xf32, #tpu.memory_space<vmem>>, %arg5: memref<128x128xf32, #tpu.memory_space<vmem>>, %arg6: memref<1x128xf32, #tpu.memory_space<vmem>>, %arg7: memref<128x128xf32, #tpu.memory_space<vmem>>, %arg8: memref<1x128xf32, #tpu.memory_space<vmem>>, %arg9: memref<128x128xf32, #tpu.memory_space<vmem>>, %arg10: memref<1x128xf32, #tpu.memory_space<vmem>>, %arg11: memref<5000x128xf32, #tpu.memory_space<vmem>>, %arg12: memref<5000x128xf32, #tpu.memory_space<vmem>>) attributes {dimension_semantics = [#tpu.dimension_semantics<arbitrary>], iteration_bounds = array<i64: 2>, scalar_prefetch = 0 : i64, scratch_operands = 0 : i64, tpu.core_type = #tpu.core_type<tc>, window_params = [{transform_indices = @transform_0, window_bounds = array<i64: 2, 5000, 128>}, {transform_indices = @transform_1, window_bounds = array<i64: 2, 5000, 128>}, {pipeline_mode = #tpu.pipeline_mode<synchronous>, transform_indices = @transform_2, window_bounds = array<i64: 128, 128>}, {pipeline_mode = #tpu.pipeline_mode<synchronous>, transform_indices = @transform_3, window_bounds = array<i64: 1, 128>}, {pipeline_mode = #tpu.pipeline_mode<synchronous>, transform_indices = @transform_4, window_bounds = array<i64: 128, 128>}, {pipeline_mode = #tpu.pipeline_mode<synchronous>, transform_indices = @transform_5, window_bounds = array<i64: 1, 128>}, {pipeline_mode = #tpu.pipeline_mode<synchronous>, transform_indices = @transform_6, window_bounds = array<i64: 128, 128>}, {pipeline_mode = #tpu.pipeline_mode<synchronous>, transform_indices = @transform_7, window_bounds = array<i64: 1, 128>}, {pipeline_mode = #tpu.pipeline_mode<synchronous>, transform_indices = @transform_8, window_bounds = array<i64: 128, 128>}, {pipeline_mode = #tpu.pipeline_mode<synchronous>, transform_indices = @transform_9, window_bounds = array<i64: 1, 128>}, {transform_indices = @transform_10, window_bounds = array<i64: 5000, 128>}, {transform_indices = @transform_11, window_bounds = array<i64: 5000, 128>}]} {
    %get3A = arith.constant 0 : index
    %get3A_0 = arith.constant 0 : index
    %get3A_1 = arith.constant 0 : index
    %get3A_2 = vector.load %arg1[%get3A, %get3A_0, %get3A_1] : memref<2x5000x128xf32, #tpu.memory_space<vmem>>, vector<1x5000x128xf32>
    %get3A_3 = vector.shape_cast %get3A_2 : vector<1x5000x128xf32> to vector<5000x128xf32>
    %get3A_4 = arith.constant 0 : index
    %get3A_5 = arith.constant 0 : index
    %get3A_6 = arith.constant 0 : index
    %get3A_7 = vector.load %arg2[%get3A_4, %get3A_5, %get3A_6] : memref<2x5000x128xf32, #tpu.memory_space<vmem>>, vector<1x5000x128xf32>
    %get3A_8 = vector.shape_cast %get3A_7 : vector<1x5000x128xf32> to vector<5000x128xf32>
    %add3A = arith.addf %get3A_3, %get3A_8 : vector<5000x128xf32>
    %get3A_9 = arith.constant 0 : index
    %get3A_10 = arith.constant 0 : index
    %get3A_11 = vector.load %arg3[%get3A_9, %get3A_10] : memref<128x128xf32, #tpu.memory_space<vmem>>, vector<128x128xf32>
    %get3A_12 = arith.constant 0 : index
    %get3A_13 = arith.constant 0 : index
    %get3A_14 = vector.load %arg4[%get3A_12, %get3A_13] : memref<1x128xf32, #tpu.memory_space<vmem>>, vector<1x128xf32>
    %get3A_15 = arith.constant 0 : index
    %get3A_16 = arith.constant 0 : index
    %get3A_17 = vector.load %arg5[%get3A_15, %get3A_16] : memref<128x128xf32, #tpu.memory_space<vmem>>, vector<128x128xf32>
    %get3A_18 = arith.constant 0 : index
    %get3A_19 = arith.constant 0 : index
    %get3A_20 = vector.load %arg6[%get3A_18, %get3A_19] : memref<1x128xf32, #tpu.memory_space<vmem>>, vector<1x128xf32>
    %dot_general3A = arith.constant dense<0.000000e+00> : vector<5000x128xf32>
    %dot_general3A_21 = tpu.matmul %add3A, %get3A_11, %dot_general3A {dimension_numbers = #tpu.dot_dimension_numbers<[1], [0], [0], [1], [0, 0, 1, 1], [], []>, transpose_lhs_hint = false} : vector<5000x128xf32>, vector<128x128xf32>, vector<5000x128xf32> -> vector<5000x128xf32>
    %add3A_22 = vector.broadcast %get3A_14 : vector<1x128xf32> to vector<5000x128xf32>
    %add3A_23 = arith.addf %dot_general3A_21, %add3A_22 : vector<5000x128xf32>
    %max3A = arith.constant 0.000000e+00 : f32
    %max3A_24 = vector.broadcast %max3A : f32 to vector<5000x128xf32>
    %max3A_25 = arith.maximumf %add3A_23, %max3A_24 : vector<5000x128xf32>
    %dot_general3A_26 = arith.constant dense<0.000000e+00> : vector<5000x128xf32>
    %dot_general3A_27 = tpu.matmul %max3A_25, %get3A_17, %dot_general3A_26 {dimension_numbers = #tpu.dot_dimension_numbers<[1], [0], [0], [1], [0, 0, 1, 1], [], []>, transpose_lhs_hint = false} : vector<5000x128xf32>, vector<128x128xf32>, vector<5000x128xf32> -> vector<5000x128xf32>
    %add3A_28 = vector.broadcast %get3A_20 : vector<1x128xf32> to vector<5000x128xf32>
    %add3A_29 = arith.addf %dot_general3A_27, %add3A_28 : vector<5000x128xf32>
    %swap3A = arith.constant 0 : index
    %swap3A_30 = arith.constant 0 : index
    %swap3A_31 = vector.load %arg11[%swap3A, %swap3A_30] : memref<5000x128xf32, #tpu.memory_space<vmem>>, vector<5000x128xf32>
    tpu.vector_store %arg11[%swap3A, %swap3A_30], %add3A_29 {strides = array<i32>} : memref<5000x128xf32, #tpu.memory_space<vmem>>, vector<5000x128xf32>,
    %get3A_32 = arith.constant 1 : index
    %get3A_33 = arith.constant 0 : index
    %get3A_34 = arith.constant 0 : index
    %get3A_35 = vector.load %arg1[%get3A_32, %get3A_33, %get3A_34] : memref<2x5000x128xf32, #tpu.memory_space<vmem>>, vector<1x5000x128xf32>
    %get3A_36 = vector.shape_cast %get3A_35 : vector<1x5000x128xf32> to vector<5000x128xf32>
    %get3A_37 = arith.constant 1 : index
    %get3A_38 = arith.constant 0 : index
    %get3A_39 = arith.constant 0 : index
    %get3A_40 = vector.load %arg2[%get3A_37, %get3A_38, %get3A_39] : memref<2x5000x128xf32, #tpu.memory_space<vmem>>, vector<1x5000x128xf32>
    %get3A_41 = vector.shape_cast %get3A_40 : vector<1x5000x128xf32> to vector<5000x128xf32>
    %add3A_42 = arith.addf %get3A_36, %get3A_41 : vector<5000x128xf32>
    %get3A_43 = arith.constant 0 : index
    %get3A_44 = arith.constant 0 : index
    %get3A_45 = vector.load %arg7[%get3A_43, %get3A_44] : memref<128x128xf32, #tpu.memory_space<vmem>>, vector<128x128xf32>
    %get3A_46 = arith.constant 0 : index
    %get3A_47 = arith.constant 0 : index
    %get3A_48 = vector.load %arg8[%get3A_46, %get3A_47] : memref<1x128xf32, #tpu.memory_space<vmem>>, vector<1x128xf32>
    %get3A_49 = arith.constant 0 : index
    %get3A_50 = arith.constant 0 : index
    %get3A_51 = vector.load %arg9[%get3A_49, %get3A_50] : memref<128x128xf32, #tpu.memory_space<vmem>>, vector<128x128xf32>
    %get3A_52 = arith.constant 0 : index
    %get3A_53 = arith.constant 0 : index
    %get3A_54 = vector.load %arg10[%get3A_52, %get3A_53] : memref<1x128xf32, #tpu.memory_space<vmem>>, vector<1x128xf32>
    %dot_general3A_55 = arith.constant dense<0.000000e+00> : vector<5000x128xf32>
    %dot_general3A_56 = tpu.matmul %add3A_42, %get3A_45, %dot_general3A_55 {dimension_numbers = #tpu.dot_dimension_numbers<[1], [0], [0], [1], [0, 0, 1, 1], [], []>, transpose_lhs_hint = false} : vector<5000x128xf32>, vector<128x128xf32>, vector<5000x128xf32> -> vector<5000x128xf32>
    %add3A_57 = vector.broadcast %get3A_48 : vector<1x128xf32> to vector<5000x128xf32>
    %add3A_58 = arith.addf %dot_general3A_56, %add3A_57 : vector<5000x128xf32>
    %max3A_59 = arith.constant 0.000000e+00 : f32
    %max3A_60 = vector.broadcast %max3A_59 : f32 to vector<5000x128xf32>
    %max3A_61 = arith.maximumf %add3A_58, %max3A_60 : vector<5000x128xf32>
    %dot_general3A_62 = arith.constant dense<0.000000e+00> : vector<5000x128xf32>
    %dot_general3A_63 = tpu.matmul %max3A_61, %get3A_51, %dot_general3A_62 {dimension_numbers = #tpu.dot_dimension_numbers<[1], [0], [0], [1], [0, 0, 1, 1], [], []>, transpose_lhs_hint = false} : vector<5000x128xf32>, vector<128x128xf32>, vector<5000x128xf32> -> vector<5000x128xf32>
    %add3A_64 = vector.broadcast %get3A_54 : vector<1x128xf32> to vector<5000x128xf32>
    %add3A_65 = arith.addf %dot_general3A_63, %add3A_64 : vector<5000x128xf32>
    %swap3A_66 = arith.constant 0 : index
    %swap3A_67 = arith.constant 0 : index
    %swap3A_68 = vector.load %arg12[%swap3A_66, %swap3A_67] : memref<5000x128xf32, #tpu.memory_space<vmem>>, vector<5000x128xf32>
    tpu.vector_store %arg12[%swap3A_66, %swap3A_67], %add3A_65 {strides = array<i32>} : memref<5000x128xf32, #tpu.memory_space<vmem>>, vector<5000x128xf32>,
    return
  }
  func.func @transform_0(%arg0: i32) -> (i32, i32, i32) {
    %c0_i32 = arith.constant 0 : i32
    %c0_i32_0 = arith.constant 0 : i32
    %c0_i32_1 = arith.constant 0 : i32
    return %c0_i32, %arg0, %c0_i32_0 : i32, i32, i32
  }
  func.func @transform_1(%arg0: i32) -> (i32, i32, i32) {
    %c0_i32 = arith.constant 0 : i32
    %c0_i32_0 = arith.constant 0 : i32
    %c0_i32_1 = arith.constant 0 : i32
    return %c0_i32, %arg0, %c0_i32_0 : i32, i32, i32
  }
  func.func @transform_2(%arg0: i32) -> (i32, i32) {
    %c0_i32 = arith.constant 0 : i32
    %c0_i32_0 = arith.constant 0 : i32
    %c0_i32_1 = arith.constant 0 : i32
    return %c0_i32, %c0_i32_0 : i32, i32
  }
  func.func @transform_3(%arg0: i32) -> (i32, i32) {
    %c0_i32 = arith.constant 0 : i32
    %c0_i32_0 = arith.constant 0 : i32
    %c0_i32_1 = arith.constant 0 : i32
    return %c0_i32, %c0_i32_0 : i32, i32
  }
  func.func @transform_4(%arg0: i32) -> (i32, i32) {
    %c0_i32 = arith.constant 0 : i32
    %c0_i32_0 = arith.constant 0 : i32
    %c0_i32_1 = arith.constant 0 : i32
    return %c0_i32, %c0_i32_0 : i32, i32
  }
  func.func @transform_5(%arg0: i32) -> (i32, i32) {
    %c0_i32 = arith.constant 0 : i32
    %c0_i32_0 = arith.constant 0 : i32
    %c0_i32_1 = arith.constant 0 : i32
    return %c0_i32, %c0_i32_0 : i32, i32
  }
  func.func @transform_6(%arg0: i32) -> (i32, i32) {
    %c0_i32 = arith.constant 0 : i32
    %c0_i32_0 = arith.constant 0 : i32
    %c0_i32_1 = arith.constant 0 : i32
    return %c0_i32, %c0_i32_0 : i32, i32
  }
  func.func @transform_7(%arg0: i32) -> (i32, i32) {
    %c0_i32 = arith.constant 0 : i32
    %c0_i32_0 = arith.constant 0 : i32
    %c0_i32_1 = arith.constant 0 : i32
    return %c0_i32, %c0_i32_0 : i32, i32
  }
  func.func @transform_8(%arg0: i32) -> (i32, i32) {
    %c0_i32 = arith.constant 0 : i32
    %c0_i32_0 = arith.constant 0 : i32
    %c0_i32_1 = arith.constant 0 : i32
    return %c0_i32, %c0_i32_0 : i32, i32
  }
  func.func @transform_9(%arg0: i32) -> (i32, i32) {
    %c0_i32 = arith.constant 0 : i32
    %c0_i32_0 = arith.constant 0 : i32
    %c0_i32_1 = arith.constant 0 : i32
    return %c0_i32, %c0_i32_0 : i32, i32
  }
  func.func @transform_10(%arg0: i32) -> (i32, i32) {
    %c0_i32 = arith.constant 0 : i32
    %c0_i32_0 = arith.constant 0 : i32
    return %arg0, %c0_i32 : i32, i32
  }
  func.func @transform_11(%arg0: i32) -> (i32, i32) {
    %c0_i32 = arith.constant 0 : i32
    %c0_i32_0 = arith.constant 0 : i32
    return %arg0, %c0_i32 : i32, i32
  }
}

module attributes {stable_mosaic.version = 14 : i64} {
  func.func @_tc3_body(%arg0: i32, %arg1: memref<5000x128xf32, #tpu.memory_space<vmem>>, %arg2: memref<2x5000x128xf32, #tpu.memory_space<vmem>>, %arg3: memref<5000x128xf32, #tpu.memory_space<vmem>>, %arg4: memref<5000x128xf32, #tpu.memory_space<vmem>>, %arg5: memref<128x128xf32, #tpu.memory_space<vmem>>, %arg6: memref<1x128xf32, #tpu.memory_space<vmem>>, %arg7: memref<128x128xf32, #tpu.memory_space<vmem>>, %arg8: memref<1x128xf32, #tpu.memory_space<vmem>>, %arg9: memref<384x128xf32, #tpu.memory_space<vmem>>, %arg10: memref<1x128xf32, #tpu.memory_space<vmem>>, %arg11: memref<5000x128xf32, #tpu.memory_space<vmem>>) attributes {dimension_semantics = [#tpu.dimension_semantics<arbitrary>], iteration_bounds = array<i64: 2>, scalar_prefetch = 0 : i64, scratch_operands = 0 : i64, tpu.core_type = #tpu.core_type<tc>, window_params = [{transform_indices = @transform_0, window_bounds = array<i64: 5000, 128>}, {transform_indices = @transform_1, window_bounds = array<i64: 2, 5000, 128>}, {transform_indices = @transform_2, window_bounds = array<i64: 5000, 128>}, {transform_indices = @transform_3, window_bounds = array<i64: 5000, 128>}, {pipeline_mode = #tpu.pipeline_mode<synchronous>, transform_indices = @transform_4, window_bounds = array<i64: 128, 128>}, {pipeline_mode = #tpu.pipeline_mode<synchronous>, transform_indices = @transform_5, window_bounds = array<i64: 1, 128>}, {pipeline_mode = #tpu.pipeline_mode<synchronous>, transform_indices = @transform_6, window_bounds = array<i64: 128, 128>}, {pipeline_mode = #tpu.pipeline_mode<synchronous>, transform_indices = @transform_7, window_bounds = array<i64: 1, 128>}, {pipeline_mode = #tpu.pipeline_mode<synchronous>, transform_indices = @transform_8, window_bounds = array<i64: 384, 128>}, {pipeline_mode = #tpu.pipeline_mode<synchronous>, transform_indices = @transform_9, window_bounds = array<i64: 1, 128>}, {transform_indices = @transform_10, window_bounds = array<i64: 5000, 128>}]} {
    %get3A = arith.constant 0 : index
    %get3A_0 = arith.constant 0 : index
    %get3A_1 = vector.load %arg1[%get3A, %get3A_0] : memref<5000x128xf32, #tpu.memory_space<vmem>>, vector<5000x128xf32>
    %get3A_2 = arith.constant 0 : index
    %get3A_3 = arith.constant 0 : index
    %get3A_4 = arith.constant 0 : index
    %get3A_5 = vector.load %arg2[%get3A_2, %get3A_3, %get3A_4] : memref<2x5000x128xf32, #tpu.memory_space<vmem>>, vector<1x5000x128xf32>
    %get3A_6 = vector.shape_cast %get3A_5 : vector<1x5000x128xf32> to vector<5000x128xf32>
    %add3A = arith.addf %get3A_1, %get3A_6 : vector<5000x128xf32>
    %get3A_7 = arith.constant 1 : index
    %get3A_8 = arith.constant 0 : index
    %get3A_9 = arith.constant 0 : index
    %get3A_10 = vector.load %arg2[%get3A_7, %get3A_8, %get3A_9] : memref<2x5000x128xf32, #tpu.memory_space<vmem>>, vector<1x5000x128xf32>
    %get3A_11 = vector.shape_cast %get3A_10 : vector<1x5000x128xf32> to vector<5000x128xf32>
    %add3A_12 = arith.addf %add3A, %get3A_11 : vector<5000x128xf32>
    %get3A_13 = arith.constant 0 : index
    %get3A_14 = arith.constant 0 : index
    %get3A_15 = vector.load %arg5[%get3A_13, %get3A_14] : memref<128x128xf32, #tpu.memory_space<vmem>>, vector<128x128xf32>
    %get3A_16 = arith.constant 0 : index
    %get3A_17 = arith.constant 0 : index
    %get3A_18 = vector.load %arg6[%get3A_16, %get3A_17] : memref<1x128xf32, #tpu.memory_space<vmem>>, vector<1x128xf32>
    %get3A_19 = arith.constant 0 : index
    %get3A_20 = arith.constant 0 : index
    %get3A_21 = vector.load %arg7[%get3A_19, %get3A_20] : memref<128x128xf32, #tpu.memory_space<vmem>>, vector<128x128xf32>
    %get3A_22 = arith.constant 0 : index
    %get3A_23 = arith.constant 0 : index
    %get3A_24 = vector.load %arg8[%get3A_22, %get3A_23] : memref<1x128xf32, #tpu.memory_space<vmem>>, vector<1x128xf32>
    %dot_general3A = arith.constant dense<0.000000e+00> : vector<5000x128xf32>
    %dot_general3A_25 = tpu.matmul %add3A_12, %get3A_15, %dot_general3A {dimension_numbers = #tpu.dot_dimension_numbers<[1], [0], [0], [1], [0, 0, 1, 1], [], []>, transpose_lhs_hint = false} : vector<5000x128xf32>, vector<128x128xf32>, vector<5000x128xf32> -> vector<5000x128xf32>
    %add3A_26 = vector.broadcast %get3A_18 : vector<1x128xf32> to vector<5000x128xf32>
    %add3A_27 = arith.addf %dot_general3A_25, %add3A_26 : vector<5000x128xf32>
    %max3A = arith.constant 0.000000e+00 : f32
    %max3A_28 = vector.broadcast %max3A : f32 to vector<5000x128xf32>
    %max3A_29 = arith.maximumf %add3A_27, %max3A_28 : vector<5000x128xf32>
    %dot_general3A_30 = arith.constant dense<0.000000e+00> : vector<5000x128xf32>
    %dot_general3A_31 = tpu.matmul %max3A_29, %get3A_21, %dot_general3A_30 {dimension_numbers = #tpu.dot_dimension_numbers<[1], [0], [0], [1], [0, 0, 1, 1], [], []>, transpose_lhs_hint = false} : vector<5000x128xf32>, vector<128x128xf32>, vector<5000x128xf32> -> vector<5000x128xf32>
    %add3A_32 = vector.broadcast %get3A_24 : vector<1x128xf32> to vector<5000x128xf32>
    %add3A_33 = arith.addf %dot_general3A_31, %add3A_32 : vector<5000x128xf32>
    %get3A_34 = arith.constant 0 : index
    %get3A_35 = arith.constant 0 : index
    %get3A_36 = vector.load %arg9[%get3A_34, %get3A_35] : memref<384x128xf32, #tpu.memory_space<vmem>>, vector<384x128xf32>
    %get3A_37 = arith.constant 0 : index
    %get3A_38 = arith.constant 0 : index
    %get3A_39 = vector.load %arg3[%get3A_37, %get3A_38] : memref<5000x128xf32, #tpu.memory_space<vmem>>, vector<5000x128xf32>
    %slice3A = vector.extract_strided_slice %get3A_36 {offsets = [0, 0], sizes = [128, 128], strides = [1, 1]} : vector<384x128xf32> to vector<128x128xf32>
    %dot_general3A_40 = arith.constant dense<0.000000e+00> : vector<5000x128xf32>
    %dot_general3A_41 = tpu.matmul %get3A_39, %slice3A, %dot_general3A_40 {dimension_numbers = #tpu.dot_dimension_numbers<[1], [0], [0], [1], [0, 0, 1, 1], [], []>, transpose_lhs_hint = false} : vector<5000x128xf32>, vector<128x128xf32>, vector<5000x128xf32> -> vector<5000x128xf32>
    %get3A_42 = arith.constant 0 : index
    %get3A_43 = arith.constant 0 : index
    %get3A_44 = vector.load %arg4[%get3A_42, %get3A_43] : memref<5000x128xf32, #tpu.memory_space<vmem>>, vector<5000x128xf32>
    %slice3A_45 = vector.extract_strided_slice %get3A_36 {offsets = [128, 0], sizes = [128, 128], strides = [1, 1]} : vector<384x128xf32> to vector<128x128xf32>
    %dot_general3A_46 = arith.constant dense<0.000000e+00> : vector<5000x128xf32>
    %dot_general3A_47 = tpu.matmul %get3A_44, %slice3A_45, %dot_general3A_46 {dimension_numbers = #tpu.dot_dimension_numbers<[1], [0], [0], [1], [0, 0, 1, 1], [], []>, transpose_lhs_hint = false} : vector<5000x128xf32>, vector<128x128xf32>, vector<5000x128xf32> -> vector<5000x128xf32>
    %add3A_48 = arith.addf %dot_general3A_41, %dot_general3A_47 : vector<5000x128xf32>
    %slice3A_49 = vector.extract_strided_slice %get3A_36 {offsets = [256, 0], sizes = [128, 128], strides = [1, 1]} : vector<384x128xf32> to vector<128x128xf32>
    %dot_general3A_50 = arith.constant dense<0.000000e+00> : vector<5000x128xf32>
    %dot_general3A_51 = tpu.matmul %add3A_33, %slice3A_49, %dot_general3A_50 {dimension_numbers = #tpu.dot_dimension_numbers<[1], [0], [0], [1], [0, 0, 1, 1], [], []>, transpose_lhs_hint = false} : vector<5000x128xf32>, vector<128x128xf32>, vector<5000x128xf32> -> vector<5000x128xf32>
    %add3A_52 = arith.addf %add3A_48, %dot_general3A_51 : vector<5000x128xf32>
    %get3A_53 = arith.constant 0 : index
    %get3A_54 = arith.constant 0 : index
    %get3A_55 = vector.load %arg10[%get3A_53, %get3A_54] : memref<1x128xf32, #tpu.memory_space<vmem>>, vector<1x128xf32>
    %add3A_56 = vector.broadcast %get3A_55 : vector<1x128xf32> to vector<5000x128xf32>
    %add3A_57 = arith.addf %add3A_52, %add3A_56 : vector<5000x128xf32>
    %swap3A = arith.constant 0 : index
    %swap3A_58 = arith.constant 0 : index
    %swap3A_59 = vector.load %arg11[%swap3A, %swap3A_58] : memref<5000x128xf32, #tpu.memory_space<vmem>>, vector<5000x128xf32>
    tpu.vector_store %arg11[%swap3A, %swap3A_58], %add3A_57 {strides = array<i32>} : memref<5000x128xf32, #tpu.memory_space<vmem>>, vector<5000x128xf32>,
    return
  }
  func.func @transform_0(%arg0: i32) -> (i32, i32) {
    %c0_i32 = arith.constant 0 : i32
    %c0_i32_0 = arith.constant 0 : i32
    return %arg0, %c0_i32 : i32, i32
  }
  func.func @transform_1(%arg0: i32) -> (i32, i32, i32) {
    %c0_i32 = arith.constant 0 : i32
    %c0_i32_0 = arith.constant 0 : i32
    %c0_i32_1 = arith.constant 0 : i32
    return %c0_i32, %arg0, %c0_i32_0 : i32, i32, i32
  }
  func.func @transform_2(%arg0: i32) -> (i32, i32) {
    %c0_i32 = arith.constant 0 : i32
    %c0_i32_0 = arith.constant 0 : i32
    return %arg0, %c0_i32 : i32, i32
  }
  func.func @transform_3(%arg0: i32) -> (i32, i32) {
    %c0_i32 = arith.constant 0 : i32
    %c0_i32_0 = arith.constant 0 : i32
    return %arg0, %c0_i32 : i32, i32
  }
  func.func @transform_4(%arg0: i32) -> (i32, i32) {
    %c0_i32 = arith.constant 0 : i32
    %c0_i32_0 = arith.constant 0 : i32
    %c0_i32_1 = arith.constant 0 : i32
    return %c0_i32, %c0_i32_0 : i32, i32
  }
  func.func @transform_5(%arg0: i32) -> (i32, i32) {
    %c0_i32 = arith.constant 0 : i32
    %c0_i32_0 = arith.constant 0 : i32
    %c0_i32_1 = arith.constant 0 : i32
    return %c0_i32, %c0_i32_0 : i32, i32
  }
  func.func @transform_6(%arg0: i32) -> (i32, i32) {
    %c0_i32 = arith.constant 0 : i32
    %c0_i32_0 = arith.constant 0 : i32
    %c0_i32_1 = arith.constant 0 : i32
    return %c0_i32, %c0_i32_0 : i32, i32
  }
  func.func @transform_7(%arg0: i32) -> (i32, i32) {
    %c0_i32 = arith.constant 0 : i32
    %c0_i32_0 = arith.constant 0 : i32
    %c0_i32_1 = arith.constant 0 : i32
    return %c0_i32, %c0_i32_0 : i32, i32
  }
  func.func @transform_8(%arg0: i32) -> (i32, i32) {
    %c0_i32 = arith.constant 0 : i32
    %c0_i32_0 = arith.constant 0 : i32
    %c0_i32_1 = arith.constant 0 : i32
    return %c0_i32, %c0_i32_0 : i32, i32
  }
  func.func @transform_9(%arg0: i32) -> (i32, i32) {
    %c0_i32 = arith.constant 0 : i32
    %c0_i32_0 = arith.constant 0 : i32
    %c0_i32_1 = arith.constant 0 : i32
    return %c0_i32, %c0_i32_0 : i32, i32
  }
  func.func @transform_10(%arg0: i32) -> (i32, i32) {
    %c0_i32 = arith.constant 0 : i32
    %c0_i32_0 = arith.constant 0 : i32
    return %arg0, %c0_i32 : i32, i32
  }
}

</mosaic_0001>

<sc_bundles>
// kernel: kernel.11.cloned.1.call-start
scs
__scs_entry_jumppad:
0x0: {  	(pc) =	sbr.rel $0x88, $3  }
0x1: {  	(tag) =	ssettag $0x0;
	lr =	simm.s32 $0x1  }
0x2: {  	[smem:$0x3F91] =	sst lr;
	_ =	strace $0xD0000000  }
0x3: {  	_ = 	snop  }
0x4: {  	_ = 	snop  }
0x5: {  	_ = 	snop  }
0x6: {  	_ = 	snop  }
0x7: {  	_ = 	snop  }
__scs_overlays_trampoline_lowered:
0x8: {  	[smem:$0x3FA0] =	sst s0  }
0x9: {  	[smem:$0x3FA1] =	sst s1  }
0xa: {  	[smem:$0x3FA2] =	sst s2  }
0xb: {  	[smem:$0x3FA3] =	sst s3  }
0xc: {  	[smem:$0x3FA4] =	sst s4  }
0xd: {  	[smem:$0x3FA5] =	sst s5  }
0xe: {  	[smem:$0x3FA6] =	sst s6  }
0xf: {  	[smem:$0x3FA7] =	sst s7  }
0x10: {  	[smem:$0x3FA8] =	sst s8  }
0x11: {  	[smem:$0x3FA9] =	sst s9;
	s0 =	simm.s32 @!p0 $0x0  }
0x12: {  	s1 =	sld [smem:$0x3F8F];
	s0 =	simm.s32 @p0 $0x1  }
0x13: {  	[smem:$0x3FAA] =	sst s0;
	s0 =	simm.s32 @!p1 $0x0  }
0x14: {  	s2 =	sld [smem:$0x3F8E];
	s0 =	simm.s32 @p1 $0x1  }
0x15: {  	[smem:$0x3FAB] =	sst s0;
	s0 =	simm.s32 @!p2 $0x0  }
0x16: {  	s3 =	sld [smem:$0x3FDB];
	s0 =	simm.s32 @p2 $0x1  }
0x17: {  	s4 =	simm.s32 $0x1BF5;
	[smem:$0x3FAD] =	sst s0  }
0x18: {  	s0 =	sld [smem:$0x3F90];
	_ =	swait.ge [sflag:s4], $0x0  }
0x19: {  	s7 =	sld [smem:$0x3F91]  }
0x1a: {  	s8 =	sadd.s32 $0xFFFFE003, lr  }
0x1b: {  	s9 =	sadd.s32 $0xFFFFFEF7, lr;
	s5 =	simm.s32 $0xFFFFFFFF;
	p2 =	slt.u32 s8, $0xFFFFF086  }
0x1c: {  	p1 =	slt.u32 s9, $0xF7A;
	s5 =	simm.s32 @!p2 $0x0  }
0x1d: {  	s5 =	simm.s32 @p1 $0x1;
	p0 =	seq.s32 s7, s2  }
0x1e: {  	s7 =	smul.u32 @!p0 $0xF7A, s2;
	p2 =	seq.s32 @!p0 s5, $0x0  }
0x1f: {  	s9 =	smul.u32 $0xF7A, s1;
	s8 =	simm.s32 @!p0 $0x1BF5;
	p2 =	por !p2, p0  }
0x20: {  	[sflag:s8] =	ssyncset.s32 @!p0 $0xFFFFF086;
	s6 =	sadd.s32 @!p0 s3, s7;
	s7 =	simm.s32 @!p0 $0x108  }
0x21: {  	s3 =	sadd.s32 s3, s9;
	s6 =	sadd.s32 @!p0 $0x88, s6;
	s7 =	simm.s32 @p2 $0x1082  }
0x22: {  	[simem:s7], [sflag:s8] =	dma.local @!p0 [hbm:s6], $0xF7A  }
0x23: {  	s9 =	sor.u32 $0xD0000000, s2;
	s6 =	simm.s32 $0x108;
	_ =	swait.ge @!p0 [sflag:s8], $0x0  }
0x24: {  	s3 =	sadd.s32 $0x88, s3;
	s6 =	simm.s32 @!p1 $0x1082;
	[sflag:s4] =	ssyncset.s32 $0xFFFFF086  }
0x25: {  	[simem:s6], [sflag:s4] =	dma.local [hbm:s3], $0xF7A  }
0x26: {  	[smem:$0x3F91] =	sst s1;
	(tag) =	ssettag s2;
	_ =	strace s9  }
0x27: {  	s1 =	sld [smem:$0x3FA1]  }
0x28: {  	s2 =	sld [smem:$0x3FA2]  }
0x29: {  	s4 =	sld [smem:$0x3FA4]  }
0x2a: {  	p0 =	seq.s32 s5, $0x0;
	s5 =	sld [smem:$0x3FA5]  }
0x2b: {  	s6 =	sld [smem:$0x3FA6]  }
0x2c: {  	s7 =	sld [smem:$0x3FA7]  }
0x2d: {  	s3 =	simm.s32 $0x108;
	s8 =	sld [smem:$0x3FA8]  }
0x2e: {  	s3 =	simm.s32 @!p0 $0x1082;
	s9 =	sld [smem:$0x3FA9]  }
0x2f: {  	lr =	sadd.s32 s0, s3;
	s0 =	sld [smem:$0x3FA0]  }
0x30: {  	s3 =	sld [smem:$0x3FA3]  }
0x31: {  	[smem:$0x3FAC] =	sst s10  }
0x32: {  	s10 =	sld [smem:$0x3FAA];
	_ =	sdelay $0x3  }
0x33: {  	p0 =	seq.s32 s10, $0x1;
	s10 =	sld [smem:$0x3FAC];
	_ =	sdelay $0x3  }
0x34: {  	[smem:$0x3FAC] =	sst s10  }
0x35: {  	s10 =	sld [smem:$0x3FAB];
	_ =	sdelay $0x3  }
0x36: {  	p1 =	seq.s32 s10, $0x1;
	s10 =	sld [smem:$0x3FAC];
	_ =	sdelay $0x3  }
0x37: {  	[smem:$0x3FAC] =	sst s10  }
0x38: {  	s10 =	sld [smem:$0x3FAD]  }
0x39: {  	_ = 	snop;
	(pc) =	sbr.ind lr, $3  }
0x3a: {  	_ = 	snop  }
0x3b: {  	_ = 	snop  }
0x3c: {  	p2 =	seq.s32 s10, $0x1;
	s10 =	sld [smem:$0x3FAC]  }
0x3d: {  	_ =	shalt  }
0x3e: {  	_ =	shalt  }
0x3f: {  	_ =	shalt  }
0x40: {  	_ =	shalt  }
0x41: {  	_ =	shalt  }
0x42: {  	_ =	shalt  }
0x43: {  	_ =	shalt  }
0x44: {  	_ =	shalt  }
0x45: {  	_ =	shalt  }
0x46: {  	_ =	shalt  }
0x47: {  	_ =	shalt  }
0x48: {  	_ =	shalt  }
0x49: {  	_ =	shalt  }
0x4a: {  	_ =	shalt  }
0x4b: {  	_ =	shalt  }
0x4c: {  	_ =	shalt  }
0x4d: {  	_ =	shalt  }
0x4e: {  	_ =	shalt  }
0x4f: {  	_ =	shalt  }
0x50: {  	_ =	shalt  }
0x51: {  	_ =	shalt  }
0x52: {  	_ =	shalt  }
0x53: {  	_ =	shalt  }
0x54: {  	_ =	shalt  }
0x55: {  	_ =	shalt  }
0x56: {  	_ =	shalt  }
0x57: {  	_ =	shalt  }
0x58: {  	_ =	shalt  }
0x59: {  	_ =	shalt  }
0x5a: {  	_ =	shalt  }
0x5b: {  	_ =	shalt  }
0x5c: {  	_ =	shalt  }
0x5d: {  	_ =	shalt  }
0x5e: {  	_ =	shalt  }
0x5f: {  	_ =	shalt  }
0x60: {  	_ =	shalt  }
0x61: {  	_ =	shalt  }
0x62: {  	_ =	shalt  }
0x63: {  	_ =	shalt  }
0x64: {  	_ =	shalt  }
0x65: {  	_ =	shalt  }
0x66: {  	_ =	shalt  }
0x67: {  	_ =	shalt  }
0x68: {  	_ =	shalt  }
0x69: {  	_ =	shalt  }
0x6a: {  	_ =	shalt  }
0x6b: {  	_ =	shalt  }
0x6c: {  	_ =	shalt  }
0x6d: {  	_ =	shalt  }
0x6e: {  	_ =	shalt  }
0x6f: {  	_ =	shalt  }
0x70: {  	_ =	shalt  }
0x71: {  	_ =	shalt  }
0x72: {  	_ =	shalt  }
0x73: {  	_ =	shalt  }
0x74: {  	_ =	shalt  }
0x75: {  	_ =	shalt  }
0x76: {  	_ =	shalt  }
0x77: {  	_ =	shalt  }
0x78: {  	_ =	shalt  }
0x79: {  	_ =	shalt  }
0x7a: {  	_ =	shalt  }
0x7b: {  	_ =	shalt  }
0x7c: {  	_ =	shalt  }
0x7d: {  	_ =	shalt  }
0x7e: {  	_ =	shalt  }
0x7f: {  	_ =	shalt  }
0x80: {  	_ =	shalt  }
0x81: {  	_ =	shalt  }
0x82: {  	_ =	shalt  }
0x83: {  	_ =	shalt  }
0x84: {  	_ =	shalt  }
0x85: {  	_ =	shalt  }
0x86: {  	_ =	shalt  }
0x87: {  	_ =	shalt  }
.Lfunc_end0:
.L_simem_size_0:
called_computation.1_lowered:
.L_overlay_start_0:
0x88: {  	s2 =	sld [smem:$0x3FD9]  }
0x89: {  	s3 =	sld [smem:$0x3FFE];
	_ =	sdelay $0x1  }
0x8a: {  	s1 =	srdreg.scid  }
0x8b: {  	s0 =	sand.u32 $0x1, s1  }
0x8c: {  	s16 =	sshll.u32 s0, $0xA;
	s2 =	sadd.s32 s3, s2  }
0x8d: {  	s2 =	sadd.s32 s2, s16  }
0x8e: {  	[smem:$0x3FB8] =	sst s2  }
0x8f: {  	_ = 	snop  }
0x90: {  	(tm) =	ssettm $0x1  }
0x91: {  	s17 =	sld [smem:$0x3FFB];
	_ =	sdelay $0x3  }
0x92: {  	_ =	strace s17  }
0x93: {  	s2 =	sld [smem:$0x3FFC];
	_ =	sdelay $0x3  }
0x94: {  	_ =	strace s2  }
0x95: {  	s2 =	sld [smem:$0x3FFD];
	_ =	sdelay $0x3  }
0x96: {  	_ =	strace s2  }
0x97: {  	_ =	strace $0x8FFFFFFF  }
0x98: {  	s18 =	sld [smem:$0x3FDB];
	_ =	sdelay $0x1  }
0x99: {  	s19 =	simm.s32 $_scs_section_size  }
0x9a: {  	s4 =	simm.s32 $_size__tile_overlayer_lowered;
	s5 =	simm.s32 $_tile_overlayer_lowered  }
0x9b: {  	s22 =	simm.s32 $0x1BFF;
	s21 =	sshll.u32 s5, $0x1;
	s2 =	sadd.s32 s19, s18  }
0x9c: {  	s6 =	simm.s32 $0x0;
	s20 =	sshll.u32 s4, $0x1;
	s4 =	sadd.s32 s21, s2  }
0x9d: {  	[timem:s6], [sflag:s22] =	dma.local [hbm:s4], s20  }
0x9e: {  	_ =	swait.ge [sflag:s22], s20  }
0x9f: {  	s3 =	ssub.s32 $0x0, s20;
	[sflag:s22] =	ssyncset.done $0x0  }
0xa0: {  	[sflag:s22] =	ssyncadd.s32 s3;
	_ =	sdelay $0x1  }
0xa1: {  	s23 =	simm.s32 $0x1B8B  }
0xa2: {  	_ =	swait.ge [sflag:s23], $0x1  }
0xa3: {  	[sflag:s23] =	ssyncset.done $0x0  }
0xa4: {  	s25 =	simm.s32 $0x1B8E;
	s24 =	sld [smem:$0x3FFE];
	[sflag:s23] =	ssyncadd.s32 $0xFFFFFFFF  }
0xa5: {  	s26 =	simm.s32 $execute0_lowered;
	[smem:$0x3FD2] =	sst s25  }
0xa6: {  	s4 =	sshll.u32 s26, $0x1;
	_ =	strace $0x80000049;
	[dreg:$0x1] =	wrdreg $0xFFFFFFFF  }
0xa7: {  	s28 =	simm.s32 $_size_execute0_lowered;
	s2 =	sadd.s32 s2, s4;
	[dreg:$0x0] =	wrdreg $0x0  }
0xa8: {  	s4 =	sshll.u32 s28, $0x1;
	[dreg:$0x2] =	wrdreg s2  }
0xa9: {  	[dreg:$0x3] =	wrdreg s4  }
0xaa: {  	[dreg:$0x4] =	wrdreg $0xC0  }
0xab: {  	_ =	task [dreg:s6], $0x5FFFF  }
0xac: {  	[dreg:$0x1] =	wrdreg $0xFFFFFFFF  }
0xad: {  	[dreg:$0x0] =	wrdreg $0x60  }
0xae: {  	[dreg:$0x2] =	wrdreg s24  }
0xaf: {  	[dreg:$0x3] =	wrdreg $0xA8000  }
0xb0: {  	[dreg:$0x4] =	wrdreg $0x9  }
0xb1: {  	_ =	task.clear_ibuf [dreg:s6], $0x5FFFF;
	_ =	strace $0x90000049  }
0xb2: {  	s29 =	simm.s32 $0x9;
	_ =	strace $0x8000004B  }
0xb3: {  	_ =	swait.ge [sflag:s29], $0x1  }
0xb4: {  	[sflag:s29] =	ssyncadd.s32 $0xFFFFFFFF  }
0xb5: {  	_ =	strace $0x9000004B  }
0xb6: {  	_ =	sfence  }
0xb7: {  	s30 =	sld [smem:$0x0];
	_ =	sdelay $0x2  }
0xb8: {  	s31 =	sshll.u32 s1, $0xD;
	s1 =	sshrl.u32 s1, $0x2  }
0xb9: {  	s3 =	sand.u32 $0x4000, s31;
	s1 =	sadd.s32 s1, s30  }
0xba: {  	s0 =	sor.u32 s3, s0;
	s1 =	sshll.u32 s1, $0x11  }
0xbb: {  	s0 =	sor.u32 s1, s0  }
0xbc: {  	s0 =	sadd.s32 $0x8F2B, s0  }
0xbd: {  	[sflag:s0] =	ssyncadd.remote.s32 $0x1  }
0xbe: {  	_ =	sfence.sel $0xFFFF  }
0xbf: {  	[dreg:$0x0] =	wrdreg $0xFFFFFFFF;
	(pc) =	sbr.abs _section_cstart, $3  }
0xc0: {  	[dreg:$0x1] =	wrdreg $0xFFFFFFFF  }
0xc1: {  	_ =	task.clear_ibuf [dreg:s6], $0x2FFFF;
	_ =	strace $0x9FFFFFFF  }
0xc2: {  	(tm) =	ssettm $0x7FFFFFFF  }
0xc3: {  	_ =	shalt  }
tec
execute0_lowered:
.L_overlay_start_1:
0x0: {  	(tag) =	ssettag $0x1  }
0x1: {  	s4 =	rddreg [dreg:$0x0]  }
0x2: {  	s0 =	srdreg.scid;
	s1 =	rddreg [dreg:$0x1];
	s2 =	simm.s32 $0x0  }
0x3: {  	s11 =	stileid.u32;
	s28 =	simm.s32 $0x100;
	s29 =	simm.s32 $0x2  }
0x4: {  	s30 =	simm.s32 $0x1480;
	s31 =	simm.s32 $0x4;
	s12 =	smul.u32 $0x4E000, s11  }
0x5: {  	s0 =	sand.u32 $0x1, s0;
	[smem:$0x7FF] =	sst s2;
	s16 =	smul.u32 $0xA00, s11  }
0x6: {  	s8 =	sadd.s32 $0x4600, s4;
	s9 =	sadd.s32 $0xE600, s4;
	s13 =	smul.u32 $0x5000, s11  }
0x7: {  	s3 =	sadd.s32 $0x18600, s4;
	s18 =	sadd.s32 $0x69000, s4;
	s14 =	smul.u32 $0x13800, s11  }
0x8: {  	s19 =	sadd.s32 $0x138000, s1;
	p0 =	sne.s32 s11, $0x0;
	s5 =	smul.u32 $0x138800, s0  }
0x9: {  	_ =	strace $0x8000004A;
	s0 =	ssub.s32 $0x2, s0;
	[dreg:$0x5] =	wrdreg s19  }
0xa: {  	s10 =	sshrl.u32 s0, $0x1;
	s12 =	sshrl.u32 s12, $0x2;
	s20 =	sadd.s32 s8, s16  }
0xb: {  	s21 =	sshrl.u32 s13, $0x3;
	s6 =	sshrl.u32 s5, $0x3;
	s0 =	ssub.s32 s0, s10  }
0xc: {  	s12 =	sadd.s32 s12, s1;
	[dreg:$0x6] =	wrdreg s20;
	s10 =	sadd.s32 s9, s16  }
0xd: {  	s22 =	sadd.s32 $0x280, s21;
	s24 =	sadd.s32 $0x500, s21;
	s5 =	sadd.s32 s14, s5  }
0xe: {  	s20 =	simm.s32 $0x5;
	s7 =	sadd.s32 s6, s4;
	[dreg:$0x3] =	wrdreg s12  }
0xf: {  	s4 =	sshll.u32 s11, $0x6;
	[dreg:$0x7] =	wrdreg s10;
	s23 =	sadd.s32 s8, s22  }
0x10: {  	s25 =	sadd.s32 s8, s24;
	s12 =	sadd.s32 $0x780, s21;
	s14 =	sadd.s32 s9, s24  }
0x11: {  	s5 =	sshrl.u32 s5, $0x3;
	s26 =	sadd.s32 s18, s6;
	s19 =	smax.u32 s0, $0x1  }
0x12: {  	s21 =	simm.s32 $0x1400;
	s24 =	simm.s32 $0x3;
	s0 =	simm.s32 $0x1380  }
0x13: {  	s6 =	simm.s32 $0x2780;
	s17 =	sor.u32 $0x1C03, s4;
	[dreg:$0x8] =	wrdreg s23  }
0x14: {  	s10 =	sadd.s32 $0x1AE00, s7;
	s7 =	sadd.s32 s9, s22;
	[dreg:$0xa] =	wrdreg s25  }
0x15: {  	s15 =	sadd.s32 s8, s12;
	s16 =	sadd.s32 s9, s12;
	s22 =	simm.s32 $0x80  }
0x16: {  	s23 =	simm.s32 $0x2800;
	s25 =	simm.s32 $0x6800;
	[dreg:$0x4] =	wrdreg s17  }
0x17: {  	[dreg:$0x9] =	wrdreg s7;
	s17 =	sadd.s32 s18, s5;
	s18 =	sadd.s32 $0x27000, s26  }
0x18: {  	s26 =	simm.s32 $0x1;
	s5 =	simm.s32 $0x2700;
	s7 =	simm.s32 $0x0  }
.LBB2_1:
0x19: {  	s8 =	rddreg [dreg:$0x3]  }
0x1a: {  	s11 =	rddreg [dreg:$0x4];
	s9 =	sshrl.u32 s8, $0x3  }
0x1b: {  	[spmem:s9], [sflag:s11] =	dma.local [hbm:s3], $0x2700  }
0x1c: {  	s8 =	rddreg [dreg:$0x5]  }
0x1d: {  	s11 =	simm.s32 @!p0 $0x1C04;
	s8 =	sshrl.u32 @!p0 s8, $0x3  }
0x1e: {  	[spmem:s8], [sflag:s11] =	dma.local @!p0 [hbm:s3], $0x180  }
0x1f: {  	s11 =	rddreg [dreg:$0x6]  }
0x20: {  	[tilespmem:s2], [sflag:$0x5] =	stream.linear.gather [hbm4b:s11+s2], $0x1400, $0x38;
	[tilespmem:$0x1E0C0] =	vst v63  }
0x21: {  	_ =	swait.ge [sflag:s20], $0x1400  }
0x22: {  	[sflag:s20] =	ssyncset.done $0x0  }
0x23: {  	s12 =	rddreg [dreg:$0x7];
	[sflag:s20] =	ssyncadd.s32 $0xFFFFEC00  }
0x24: {  	[tilespmem:s21], [sflag:$0x5] =	stream.linear.gather [hbm4b:s12+s2], $0x1400, $0x38;
	[tilespmem:$0x1E0C0] =	vst v63  }
0x25: {  	_ =	swait.ge [sflag:s20], $0x1400  }
0x26: {  	[sflag:s20] =	ssyncset.done $0x0  }
0x27: {  	[sflag:s20] =	ssyncadd.s32 $0xFFFFEC00  }
0x28: {  	[tilespmem:s23], [sflag:$0x1] =	stream.indirect.gather [hbm4b:s10+s22], $0x80, s2, s22, $0xb8;
	[tilespmem:$0x1E0C0] =	vst v63  }
0x29: {  	_ =	swait.ge [sflag:s24], $0x2700  }
0x2a: {  	[sflag:s24] =	ssyncset.done $0x0  }
0x2b: {  	s11 =	simm.s32 @!p0 $0x4;
	[sflag:s24] =	ssyncadd.s32 $0xFFFFD900  }
0x2c: {  	_ =	swait.ge @!p0 [sflag:s11], $0x180  }
0x2d: {  	[sflag:s11] =	ssyncset.done @!p0 $0x0  }
0x2e: {  	[sflag:s11] =	ssyncadd.s32 @!p0 $0xFFFFFE80  }
0x2f: {  	[bflag:$0x0] =	sbarrier.arrive $0xFFFF  }
0x30: {  	[tilespmem:s25], [sflag:$0x2] =	stream.indirect.gather [hbm4b:s10+s22], $0x80, s22, s22, $0xb8;
	[tilespmem:$0x1E0C0] =	vst v63  }
0x31: {  	_ =	swait.ge [sflag:s26], $0x4000  }
0x32: {  	[sflag:s26] =	ssyncset.done $0x0  }
0x33: {  	[sflag:s26] =	ssyncadd.s32 $0xFFFFC000  }
0x34: {  	[spmem:s1] =	stream.indirect.scatter.add.f32 [tilespmem:s23], [sflag:$0x3], $0x80, s21, s22, $0xb8;
	[tilespmem:$0x1E0C0] =	vst v63  }
0x35: {  	_ =	swait.ge [sflag:s24], $0x4000  }
0x36: {  	[sflag:s24] =	ssyncset.done $0x0  }
0x37: {  	[sflag:s24] =	ssyncadd.s32 $0xFFFFC000  }
0x38: {  	[tilespmem:s23], [sflag:$0x1] =	stream.indirect.gather [hbm4b:s10+s22], $0x80, s28, s22, $0xb8;
	[tilespmem:$0x1E0C0] =	vst v63  }
0x39: {  	_ =	swait.ge [sflag:s29], $0x4000  }
0x3a: {  	[sflag:s29] =	ssyncset.done $0x0  }
0x3b: {  	[sflag:s29] =	ssyncadd.s32 $0xFFFFC000  }
0x3c: {  	[spmem:s1] =	stream.indirect.scatter.add.f32 [tilespmem:s25], [sflag:$0x4], $0x80, s30, s22, $0xb8;
	[tilespmem:$0x1E0C0] =	vst v63  }
0x3d: {  	_ =	swait.ge [sflag:s31], $0x4000  }
0x3e: {  	[sflag:s31] =	ssyncset.done $0x0  }
0x3f: {  	s13 =	simm.s32 $0x180;
	[sflag:s31] =	ssyncadd.s32 $0xFFFFC000  }
0x40: {  	[tilespmem:s25], [sflag:$0x2] =	stream.indirect.gather [hbm4b:s10+s22], $0x80, s13, s22, $0xb8;
	[tilespmem:$0x1E0C0] =	vst v63  }
0x41: {  	_ =	swait.ge [sflag:s26], $0x4000  }
0x42: {  	[sflag:s26] =	ssyncset.done $0x0  }
0x43: {  	s12 =	simm.s32 $0x1500;
	[sflag:s26] =	ssyncadd.s32 $0xFFFFC000  }
0x44: {  	[spmem:s1] =	stream.indirect.scatter.add.f32 [tilespmem:s23], [sflag:$0x3], $0x80, s12, s22, $0xb8;
	[tilespmem:$0x1E0C0] =	vst v63  }
0x45: {  	_ =	swait.ge [sflag:s24], $0x4000  }
0x46: {  	[sflag:s24] =	ssyncset.done $0x0  }
0x47: {  	s13 =	simm.s32 $0x200;
	[sflag:s24] =	ssyncadd.s32 $0xFFFFC000  }
0x48: {  	[tilespmem:s23], [sflag:$0x1] =	stream.indirect.gather [hbm4b:s10+s22], $0x80, s13, s22, $0xb8;
	[tilespmem:$0x1E0C0] =	vst v63  }
0x49: {  	_ =	swait.ge [sflag:s29], $0x4000  }
0x4a: {  	[sflag:s29] =	ssyncset.done $0x0  }
0x4b: {  	s11 =	simm.s32 $0xFFFFBC00;
	s12 =	simm.s32 $0x1580;
	[sflag:s29] =	ssyncadd.s32 $0xFFFFC000  }
.LBB2_2:
0x4c: {  	[spmem:s1] =	stream.indirect.scatter.add.f32 [tilespmem:s25], [sflag:$0x4], $0x80, s12, s22, $0xb8;
	[tilespmem:$0x1E0C0] =	vst v63  }
0x4d: {  	s12 =	smov.u32 s11  }
0x4e: {  	p1 =	sne.s32 s11, $0xFFFFFC00;
	s11 =	sadd.s32 $0x400, s11;
	_ =	swait.ge [sflag:s31], $0x4000  }
0x4f: {  	s12 =	sshra.s32 s12, $0x2;
	[sflag:s31] =	ssyncset.done $0x0  }
0x50: {  	s13 =	sadd.s32 $0x1380, s12;
	[sflag:s31] =	ssyncadd.s32 $0xFFFFC000  }
0x51: {  	[tilespmem:s25], [sflag:$0x2] =	stream.indirect.gather [hbm4b:s10+s22], $0x80, s13, s22, $0xb8;
	[tilespmem:$0x1E0C0] =	vst v63  }
0x52: {  	_ =	swait.ge [sflag:s26], $0x4000  }
0x53: {  	[sflag:s26] =	ssyncset.done $0x0  }
0x54: {  	s13 =	sadd.s32 $0x2700, s12;
	[sflag:s26] =	ssyncadd.s32 $0xFFFFC000  }
0x55: {  	[spmem:s1] =	stream.indirect.scatter.add.f32 [tilespmem:s23], [sflag:$0x3], $0x80, s13, s22, $0xb8;
	[tilespmem:$0x1E0C0] =	vst v63  }
0x56: {  	_ =	swait.ge [sflag:s24], $0x4000  }
0x57: {  	[sflag:s24] =	ssyncset.done $0x0  }
.Ltmp0:
0x58: {  	s13 =	sadd.s32 $0x1400, s12;
	[sflag:s24] =	ssyncadd.s32 $0xFFFFC000;
	(pc) =	sbr.rel @p1 .LBB2_2-.Ltmp0, $4  }
0x59: {  	[tilespmem:s23], [sflag:$0x1] =	stream.indirect.gather [hbm4b:s10+s22], $0x80, s13, s22, $0xb8;
	[tilespmem:$0x1E0C0] =	vst v63  }
0x5a: {  	_ =	swait.ge [sflag:s29], $0x4000  }
0x5b: {  	[sflag:s29] =	ssyncset.done $0x0  }
0x5c: {  	s12 =	sadd.s32 $0x2780, s12;
	[sflag:s29] =	ssyncadd.s32 $0xFFFFC000  }
0x5d: {  	[spmem:s1] =	stream.indirect.scatter.add.f32 [tilespmem:s25], [sflag:$0x4], $0x80, s12, s22, $0xb8;
	[tilespmem:$0x1E0C0] =	vst v63  }
0x5e: {  	_ =	swait.ge [sflag:s31], $0x4000  }
0x5f: {  	[sflag:s31] =	ssyncset.done $0x0  }
0x60: {  	[sflag:s31] =	ssyncadd.s32 $0xFFFFC000  }
0x61: {  	[tilespmem:s25], [sflag:$0x2] =	stream.indirect.gather [hbm4b:s10+s22], $0x80, s0, s22, $0xb8;
	[tilespmem:$0x1E0C0] =	vst v63  }
0x62: {  	_ =	swait.ge [sflag:s26], $0x4000  }
0x63: {  	[sflag:s26] =	ssyncset.done $0x0  }
0x64: {  	[sflag:s26] =	ssyncadd.s32 $0xFFFFC000  }
0x65: {  	[spmem:s1] =	stream.indirect.scatter.add.f32 [tilespmem:s23], [sflag:$0x3], $0x80, s5, s22, $0xb8;
	[tilespmem:$0x1E0C0] =	vst v63  }
0x66: {  	_ =	swait.ge [sflag:s24], $0x4000  }
0x67: {  	[sflag:s24] =	ssyncset.done $0x0  }
0x68: {  	[sflag:s24] =	ssyncadd.s32 $0xFFFFC000  }
0x69: {  	_ =	swait.ge [sflag:s29], $0x4000  }
0x6a: {  	[sflag:s29] =	ssyncset.done $0x0  }
0x6b: {  	[sflag:s29] =	ssyncadd.s32 $0xFFFFC000  }
0x6c: {  	[spmem:s1] =	stream.indirect.scatter.add.f32 [tilespmem:s25], [sflag:$0x4], $0x80, s6, s22, $0xb8;
	[tilespmem:$0x1E0C0] =	vst v63  }
0x6d: {  	_ =	swait.ge [sflag:s31], $0x4000  }
0x6e: {  	[sflag:s31] =	ssyncset.done $0x0  }
0x6f: {  	s11 =	rddreg [dreg:$0x8];
	[sflag:s31] =	ssyncadd.s32 $0xFFFFC000  }
0x70: {  	[tilespmem:s2], [sflag:$0x5] =	stream.linear.gather [hbm4b:s11+s2], $0x1400, $0x38;
	[tilespmem:$0x1E0C0] =	vst v63  }
0x71: {  	_ =	swait.ge [sflag:s20], $0x1400  }
0x72: {  	[sflag:s20] =	ssyncset.done $0x0  }
0x73: {  	s12 =	rddreg [dreg:$0x9];
	[sflag:s20] =	ssyncadd.s32 $0xFFFFEC00  }
0x74: {  	[tilespmem:s21], [sflag:$0x5] =	stream.linear.gather [hbm4b:s12+s2], $0x1400, $0x38;
	[tilespmem:$0x1E0C0] =	vst v63  }
0x75: {  	_ =	swait.ge [sflag:s20], $0x1400  }
0x76: {  	[sflag:s20] =	ssyncset.done $0x0  }
0x77: {  	[sflag:s20] =	ssyncadd.s32 $0xFFFFEC00  }
0x78: {  	[tilespmem:s23], [sflag:$0x1] =	stream.indirect.gather [hbm4b:s10+s22], $0x80, s2, s22, $0xb8;
	[tilespmem:$0x1E0C0] =	vst v63  }
0x79: {  	_ = 	snop  }
0x7a: {  	[tilespmem:s25], [sflag:$0x2] =	stream.indirect.gather [hbm4b:s10+s22], $0x80, s22, s22, $0xb8;
	[tilespmem:$0x1E0C0] =	vst v63  }
0x7b: {  	_ =	swait.ge [sflag:s26], $0x4000  }
0x7c: {  	[sflag:s26] =	ssyncset.done $0x0  }
0x7d: {  	[sflag:s26] =	ssyncadd.s32 $0xFFFFC000  }
0x7e: {  	[spmem:s1] =	stream.indirect.scatter.add.f32 [tilespmem:s23], [sflag:$0x3], $0x80, s21, s22, $0xb8;
	[tilespmem:$0x1E0C0] =	vst v63  }
0x7f: {  	_ =	swait.ge [sflag:s24], $0x4000  }
0x80: {  	[sflag:s24] =	ssyncset.done $0x0  }
0x81: {  	[sflag:s24] =	ssyncadd.s32 $0xFFFFC000  }
0x82: {  	[tilespmem:s23], [sflag:$0x1] =	stream.indirect.gather [hbm4b:s10+s22], $0x80, s28, s22, $0xb8;
	[tilespmem:$0x1E0C0] =	vst v63  }
0x83: {  	_ =	swait.ge [sflag:s29], $0x4000  }
0x84: {  	[sflag:s29] =	ssyncset.done $0x0  }
0x85: {  	[sflag:s29] =	ssyncadd.s32 $0xFFFFC000  }
0x86: {  	[spmem:s1] =	stream.indirect.scatter.add.f32 [tilespmem:s25], [sflag:$0x4], $0x80, s30, s22, $0xb8;
	[tilespmem:$0x1E0C0] =	vst v63  }
0x87: {  	_ =	swait.ge [sflag:s31], $0x4000  }
0x88: {  	[sflag:s31] =	ssyncset.done $0x0  }
0x89: {  	s13 =	simm.s32 $0x180;
	[sflag:s31] =	ssyncadd.s32 $0xFFFFC000  }
0x8a: {  	[tilespmem:s25], [sflag:$0x2] =	stream.indirect.gather [hbm4b:s10+s22], $0x80, s13, s22, $0xb8;
	[tilespmem:$0x1E0C0] =	vst v63  }
0x8b: {  	_ =	swait.ge [sflag:s26], $0x4000  }
0x8c: {  	[sflag:s26] =	ssyncset.done $0x0  }
0x8d: {  	s12 =	simm.s32 $0x1500;
	[sflag:s26] =	ssyncadd.s32 $0xFFFFC000  }
0x8e: {  	[spmem:s1] =	stream.indirect.scatter.add.f32 [tilespmem:s23], [sflag:$0x3], $0x80, s12, s22, $0xb8;
	[tilespmem:$0x1E0C0] =	vst v63  }
0x8f: {  	_ =	swait.ge [sflag:s24], $0x4000  }
0x90: {  	[sflag:s24] =	ssyncset.done $0x0  }
0x91: {  	s13 =	simm.s32 $0x200;
	[sflag:s24] =	ssyncadd.s32 $0xFFFFC000  }
0x92: {  	[tilespmem:s23], [sflag:$0x1] =	stream.indirect.gather [hbm4b:s10+s22], $0x80, s13, s22, $0xb8;
	[tilespmem:$0x1E0C0] =	vst v63  }
0x93: {  	_ =	swait.ge [sflag:s29], $0x4000  }
0x94: {  	[sflag:s29] =	ssyncset.done $0x0  }
0x95: {  	s11 =	simm.s32 $0xFFFFBC00;
	s12 =	simm.s32 $0x1580;
	[sflag:s29] =	ssyncadd.s32 $0xFFFFC000  }
.LBB2_4:
0x96: {  	[spmem:s1] =	stream.indirect.scatter.add.f32 [tilespmem:s25], [sflag:$0x4], $0x80, s12, s22, $0xb8;
	[tilespmem:$0x1E0C0] =	vst v63  }
0x97: {  	s12 =	smov.u32 s11  }
0x98: {  	p1 =	sne.s32 s11, $0xFFFFFC00;
	s11 =	sadd.s32 $0x400, s11;
	_ =	swait.ge [sflag:s31], $0x4000  }
0x99: {  	s12 =	sshra.s32 s12, $0x2;
	[sflag:s31] =	ssyncset.done $0x0  }
0x9a: {  	s13 =	sadd.s32 $0x1380, s12;
	[sflag:s31] =	ssyncadd.s32 $0xFFFFC000  }
0x9b: {  	[tilespmem:s25], [sflag:$0x2] =	stream.indirect.gather [hbm4b:s10+s22], $0x80, s13, s22, $0xb8;
	[tilespmem:$0x1E0C0] =	vst v63  }
0x9c: {  	_ =	swait.ge [sflag:s26], $0x4000  }
0x9d: {  	[sflag:s26] =	ssyncset.done $0x0  }
0x9e: {  	s13 =	sadd.s32 $0x2700, s12;
	[sflag:s26] =	ssyncadd.s32 $0xFFFFC000  }
0x9f: {  	[spmem:s1] =	stream.indirect.scatter.add.f32 [tilespmem:s23], [sflag:$0x3], $0x80, s13, s22, $0xb8;
	[tilespmem:$0x1E0C0] =	vst v63  }
0xa0: {  	_ =	swait.ge [sflag:s24], $0x4000  }
0xa1: {  	[sflag:s24] =	ssyncset.done $0x0  }
.Ltmp1:
0xa2: {  	s13 =	sadd.s32 $0x1400, s12;
	[sflag:s24] =	ssyncadd.s32 $0xFFFFC000;
	(pc) =	sbr.rel @p1 .LBB2_4-.Ltmp1, $4  }
0xa3: {  	[tilespmem:s23], [sflag:$0x1] =	stream.indirect.gather [hbm4b:s10+s22], $0x80, s13, s22, $0xb8;
	[tilespmem:$0x1E0C0] =	vst v63  }
0xa4: {  	_ =	swait.ge [sflag:s29], $0x4000  }
0xa5: {  	[sflag:s29] =	ssyncset.done $0x0  }
0xa6: {  	s12 =	sadd.s32 $0x2780, s12;
	[sflag:s29] =	ssyncadd.s32 $0xFFFFC000  }
0xa7: {  	[spmem:s1] =	stream.indirect.scatter.add.f32 [tilespmem:s25], [sflag:$0x4], $0x80, s12, s22, $0xb8;
	[tilespmem:$0x1E0C0] =	vst v63  }
0xa8: {  	_ =	swait.ge [sflag:s31], $0x4000  }
0xa9: {  	[sflag:s31] =	ssyncset.done $0x0  }
0xaa: {  	[sflag:s31] =	ssyncadd.s32 $0xFFFFC000  }
0xab: {  	[tilespmem:s25], [sflag:$0x2] =	stream.indirect.gather [hbm4b:s10+s22], $0x80, s0, s22, $0xb8;
	[tilespmem:$0x1E0C0] =	vst v63  }
0xac: {  	_ =	swait.ge [sflag:s26], $0x4000  }
0xad: {  	[sflag:s26] =	ssyncset.done $0x0  }
0xae: {  	[sflag:s26] =	ssyncadd.s32 $0xFFFFC000  }
0xaf: {  	[spmem:s1] =	stream.indirect.scatter.add.f32 [tilespmem:s23], [sflag:$0x3], $0x80, s5, s22, $0xb8;
	[tilespmem:$0x1E0C0] =	vst v63  }
0xb0: {  	_ =	swait.ge [sflag:s24], $0x4000  }
0xb1: {  	[sflag:s24] =	ssyncset.done $0x0  }
0xb2: {  	[sflag:s24] =	ssyncadd.s32 $0xFFFFC000  }
0xb3: {  	_ =	swait.ge [sflag:s29], $0x4000  }
0xb4: {  	[sflag:s29] =	ssyncset.done $0x0  }
0xb5: {  	[sflag:s29] =	ssyncadd.s32 $0xFFFFC000  }
0xb6: {  	[spmem:s1] =	stream.indirect.scatter.add.f32 [tilespmem:s25], [sflag:$0x4], $0x80, s6, s22, $0xb8;
	[tilespmem:$0x1E0C0] =	vst v63  }
0xb7: {  	_ =	swait.ge [sflag:s31], $0x4000  }
0xb8: {  	[sflag:s31] =	ssyncset.done $0x0  }
0xb9: {  	s11 =	rddreg [dreg:$0xa];
	[sflag:s31] =	ssyncadd.s32 $0xFFFFC000  }
0xba: {  	[tilespmem:s2], [sflag:$0x5] =	stream.linear.gather [hbm4b:s11+s2], $0x1400, $0x38;
	[tilespmem:$0x1E0C0] =	vst v63  }
0xbb: {  	_ =	swait.ge [sflag:s20], $0x1400  }
0xbc: {  	[sflag:s20] =	ssyncset.done $0x0  }
0xbd: {  	[sflag:s20] =	ssyncadd.s32 $0xFFFFEC00  }
0xbe: {  	[tilespmem:s21], [sflag:$0x5] =	stream.linear.gather [hbm4b:s14+s2], $0x1400, $0x38;
	[tilespmem:$0x1E0C0] =	vst v63  }
0xbf: {  	_ =	swait.ge [sflag:s20], $0x1400  }
0xc0: {  	[sflag:s20] =	ssyncset.done $0x0  }
0xc1: {  	[sflag:s20] =	ssyncadd.s32 $0xFFFFEC00  }
0xc2: {  	[tilespmem:s23], [sflag:$0x1] =	stream.indirect.gather [hbm4b:s10+s22], $0x80, s2, s22, $0xb8;
	[tilespmem:$0x1E0C0] =	vst v63  }
0xc3: {  	_ = 	snop  }
0xc4: {  	[tilespmem:s25], [sflag:$0x2] =	stream.indirect.gather [hbm4b:s10+s22], $0x80, s22, s22, $0xb8;
	[tilespmem:$0x1E0C0] =	vst v63  }
0xc5: {  	_ =	swait.ge [sflag:s26], $0x4000  }
0xc6: {  	[sflag:s26] =	ssyncset.done $0x0  }
0xc7: {  	[sflag:s26] =	ssyncadd.s32 $0xFFFFC000  }
0xc8: {  	[spmem:s1] =	stream.indirect.scatter.add.f32 [tilespmem:s23], [sflag:$0x3], $0x80, s21, s22, $0xb8;
	[tilespmem:$0x1E0C0] =	vst v63  }
0xc9: {  	_ =	swait.ge [sflag:s24], $0x4000  }
0xca: {  	[sflag:s24] =	ssyncset.done $0x0  }
0xcb: {  	[sflag:s24] =	ssyncadd.s32 $0xFFFFC000  }
0xcc: {  	[tilespmem:s23], [sflag:$0x1] =	stream.indirect.gather [hbm4b:s10+s22], $0x80, s28, s22, $0xb8;
	[tilespmem:$0x1E0C0] =	vst v63  }
0xcd: {  	_ =	swait.ge [sflag:s29], $0x4000  }
0xce: {  	[sflag:s29] =	ssyncset.done $0x0  }
0xcf: {  	[sflag:s29] =	ssyncadd.s32 $0xFFFFC000  }
0xd0: {  	[spmem:s1] =	stream.indirect.scatter.add.f32 [tilespmem:s25], [sflag:$0x4], $0x80, s30, s22, $0xb8;
	[tilespmem:$0x1E0C0] =	vst v63  }
0xd1: {  	_ =	swait.ge [sflag:s31], $0x4000  }
0xd2: {  	[sflag:s31] =	ssyncset.done $0x0  }
0xd3: {  	s13 =	simm.s32 $0x180;
	[sflag:s31] =	ssyncadd.s32 $0xFFFFC000  }
0xd4: {  	[tilespmem:s25], [sflag:$0x2] =	stream.indirect.gather [hbm4b:s10+s22], $0x80, s13, s22, $0xb8;
	[tilespmem:$0x1E0C0] =	vst v63  }
0xd5: {  	_ =	swait.ge [sflag:s26], $0x4000  }
0xd6: {  	[sflag:s26] =	ssyncset.done $0x0  }
0xd7: {  	s12 =	simm.s32 $0x1500;
	[sflag:s26] =	ssyncadd.s32 $0xFFFFC000  }
0xd8: {  	[spmem:s1] =	stream.indirect.scatter.add.f32 [tilespmem:s23], [sflag:$0x3], $0x80, s12, s22, $0xb8;
	[tilespmem:$0x1E0C0] =	vst v63  }
0xd9: {  	_ =	swait.ge [sflag:s24], $0x4000  }
0xda: {  	[sflag:s24] =	ssyncset.done $0x0  }
0xdb: {  	s13 =	simm.s32 $0x200;
	[sflag:s24] =	ssyncadd.s32 $0xFFFFC000  }
0xdc: {  	[tilespmem:s23], [sflag:$0x1] =	stream.indirect.gather [hbm4b:s10+s22], $0x80, s13, s22, $0xb8;
	[tilespmem:$0x1E0C0] =	vst v63  }
0xdd: {  	_ =	swait.ge [sflag:s29], $0x4000  }
0xde: {  	[sflag:s29] =	ssyncset.done $0x0  }
0xdf: {  	s11 =	simm.s32 $0xFFFFBC00;
	s12 =	simm.s32 $0x1580;
	[sflag:s29] =	ssyncadd.s32 $0xFFFFC000  }
.LBB2_6:
0xe0: {  	[spmem:s1] =	stream.indirect.scatter.add.f32 [tilespmem:s25], [sflag:$0x4], $0x80, s12, s22, $0xb8;
	[tilespmem:$0x1E0C0] =	vst v63  }
0xe1: {  	s12 =	smov.u32 s11  }
0xe2: {  	p1 =	sne.s32 s11, $0xFFFFFC00;
	s11 =	sadd.s32 $0x400, s11;
	_ =	swait.ge [sflag:s31], $0x4000  }
0xe3: {  	s12 =	sshra.s32 s12, $0x2;
	[sflag:s31] =	ssyncset.done $0x0  }
0xe4: {  	s13 =	sadd.s32 $0x1380, s12;
	[sflag:s31] =	ssyncadd.s32 $0xFFFFC000  }
0xe5: {  	[tilespmem:s25], [sflag:$0x2] =	stream.indirect.gather [hbm4b:s10+s22], $0x80, s13, s22, $0xb8;
	[tilespmem:$0x1E0C0] =	vst v63  }
0xe6: {  	_ =	swait.ge [sflag:s26], $0x4000  }
0xe7: {  	[sflag:s26] =	ssyncset.done $0x0  }
0xe8: {  	s13 =	sadd.s32 $0x2700, s12;
	[sflag:s26] =	ssyncadd.s32 $0xFFFFC000  }
0xe9: {  	[spmem:s1] =	stream.indirect.scatter.add.f32 [tilespmem:s23], [sflag:$0x3], $0x80, s13, s22, $0xb8;
	[tilespmem:$0x1E0C0] =	vst v63  }
0xea: {  	_ =	swait.ge [sflag:s24], $0x4000  }
0xeb: {  	[sflag:s24] =	ssyncset.done $0x0  }
.Ltmp2:
0xec: {  	s13 =	sadd.s32 $0x1400, s12;
	[sflag:s24] =	ssyncadd.s32 $0xFFFFC000;
	(pc) =	sbr.rel @p1 .LBB2_6-.Ltmp2, $4  }
0xed: {  	[tilespmem:s23], [sflag:$0x1] =	stream.indirect.gather [hbm4b:s10+s22], $0x80, s13, s22, $0xb8;
	[tilespmem:$0x1E0C0] =	vst v63  }
0xee: {  	_ =	swait.ge [sflag:s29], $0x4000  }
0xef: {  	[sflag:s29] =	ssyncset.done $0x0  }
0xf0: {  	s12 =	sadd.s32 $0x2780, s12;
	[sflag:s29] =	ssyncadd.s32 $0xFFFFC000  }
0xf1: {  	[spmem:s1] =	stream.indirect.scatter.add.f32 [tilespmem:s25], [sflag:$0x4], $0x80, s12, s22, $0xb8;
	[tilespmem:$0x1E0C0] =	vst v63  }
0xf2: {  	_ =	swait.ge [sflag:s31], $0x4000  }
0xf3: {  	[sflag:s31] =	ssyncset.done $0x0  }
0xf4: {  	[sflag:s31] =	ssyncadd.s32 $0xFFFFC000  }
0xf5: {  	[tilespmem:s25], [sflag:$0x2] =	stream.indirect.gather [hbm4b:s10+s22], $0x80, s0, s22, $0xb8;
	[tilespmem:$0x1E0C0] =	vst v63  }
0xf6: {  	_ =	swait.ge [sflag:s26], $0x4000  }
0xf7: {  	[sflag:s26] =	ssyncset.done $0x0  }
0xf8: {  	[sflag:s26] =	ssyncadd.s32 $0xFFFFC000  }
0xf9: {  	[spmem:s1] =	stream.indirect.scatter.add.f32 [tilespmem:s23], [sflag:$0x3], $0x80, s5, s22, $0xb8;
	[tilespmem:$0x1E0C0] =	vst v63  }
0xfa: {  	_ =	swait.ge [sflag:s24], $0x4000  }
0xfb: {  	[sflag:s24] =	ssyncset.done $0x0  }
0xfc: {  	[sflag:s24] =	ssyncadd.s32 $0xFFFFC000  }
0xfd: {  	_ =	swait.ge [sflag:s29], $0x4000  }
0xfe: {  	[sflag:s29] =	ssyncset.done $0x0  }
0xff: {  	[sflag:s29] =	ssyncadd.s32 $0xFFFFC000  }
0x100: {  	[spmem:s1] =	stream.indirect.scatter.add.f32 [tilespmem:s25], [sflag:$0x4], $0x80, s6, s22, $0xb8;
	[tilespmem:$0x1E0C0] =	vst v63  }
0x101: {  	_ =	swait.ge [sflag:s31], $0x4000  }
0x102: {  	[sflag:s31] =	ssyncset.done $0x0  }
0x103: {  	[sflag:s31] =	ssyncadd.s32 $0xFFFFC000  }
0x104: {  	[tilespmem:s2], [sflag:$0x5] =	stream.linear.gather [hbm4b:s15+s2], $0x1400, $0x38;
	[tilespmem:$0x1E0C0] =	vst v63  }
0x105: {  	_ =	swait.ge [sflag:s20], $0x1400  }
0x106: {  	[sflag:s20] =	ssyncset.done $0x0  }
0x107: {  	[sflag:s20] =	ssyncadd.s32 $0xFFFFEC00  }
0x108: {  	[tilespmem:s21], [sflag:$0x5] =	stream.linear.gather [hbm4b:s16+s2], $0x1400, $0x38;
	[tilespmem:$0x1E0C0] =	vst v63  }
0x109: {  	_ =	swait.ge [sflag:s20], $0x1400  }
0x10a: {  	[sflag:s20] =	ssyncset.done $0x0  }
0x10b: {  	[sflag:s20] =	ssyncadd.s32 $0xFFFFEC00  }
0x10c: {  	[tilespmem:s23], [sflag:$0x1] =	stream.indirect.gather [hbm4b:s10+s22], $0x80, s2, s22, $0xb8;
	[tilespmem:$0x1E0C0] =	vst v63  }
0x10d: {  	_ = 	snop  }
0x10e: {  	[tilespmem:s25], [sflag:$0x2] =	stream.indirect.gather [hbm4b:s10+s22], $0x80, s22, s22, $0xb8;
	[tilespmem:$0x1E0C0] =	vst v63  }
0x10f: {  	_ =	swait.ge [sflag:s26], $0x4000  }
0x110: {  	[sflag:s26] =	ssyncset.done $0x0  }
0x111: {  	[sflag:s26] =	ssyncadd.s32 $0xFFFFC000  }
0x112: {  	[spmem:s1] =	stream.indirect.scatter.add.f32 [tilespmem:s23], [sflag:$0x3], $0x80, s21, s22, $0xb8;
	[tilespmem:$0x1E0C0] =	vst v63  }
0x113: {  	_ =	swait.ge [sflag:s24], $0x4000  }
0x114: {  	[sflag:s24] =	ssyncset.done $0x0  }
0x115: {  	[sflag:s24] =	ssyncadd.s32 $0xFFFFC000  }
0x116: {  	[tilespmem:s23], [sflag:$0x1] =	stream.indirect.gather [hbm4b:s10+s22], $0x80, s28, s22, $0xb8;
	[tilespmem:$0x1E0C0] =	vst v63  }
0x117: {  	_ =	swait.ge [sflag:s29], $0x4000  }
0x118: {  	[sflag:s29] =	ssyncset.done $0x0  }
0x119: {  	[sflag:s29] =	ssyncadd.s32 $0xFFFFC000  }
0x11a: {  	[spmem:s1] =	stream.indirect.scatter.add.f32 [tilespmem:s25], [sflag:$0x4], $0x80, s30, s22, $0xb8;
	[tilespmem:$0x1E0C0] =	vst v63  }
0x11b: {  	_ =	swait.ge [sflag:s31], $0x4000  }
0x11c: {  	[sflag:s31] =	ssyncset.done $0x0  }
0x11d: {  	s11 =	simm.s32 $0x180;
	[sflag:s31] =	ssyncadd.s32 $0xFFFFC000  }
0x11e: {  	[tilespmem:s25], [sflag:$0x2] =	stream.indirect.gather [hbm4b:s10+s22], $0x80, s11, s22, $0xb8;
	[tilespmem:$0x1E0C0] =	vst v63  }
0x11f: {  	_ =	swait.ge [sflag:s26], $0x4000  }
0x120: {  	[sflag:s26] =	ssyncset.done $0x0  }
0x121: {  	s12 =	simm.s32 $0x1500;
	[sflag:s26] =	ssyncadd.s32 $0xFFFFC000  }
0x122: {  	[spmem:s1] =	stream.indirect.scatter.add.f32 [tilespmem:s23], [sflag:$0x3], $0x80, s12, s22, $0xb8;
	[tilespmem:$0x1E0C0] =	vst v63  }
0x123: {  	_ =	swait.ge [sflag:s24], $0x4000  }
0x124: {  	[sflag:s24] =	ssyncset.done $0x0  }
0x125: {  	s13 =	simm.s32 $0x200;
	[sflag:s24] =	ssyncadd.s32 $0xFFFFC000  }
0x126: {  	[tilespmem:s23], [sflag:$0x1] =	stream.indirect.gather [hbm4b:s10+s22], $0x80, s13, s22, $0xb8;
	[tilespmem:$0x1E0C0] =	vst v63  }
0x127: {  	_ =	swait.ge [sflag:s29], $0x4000  }
0x128: {  	[sflag:s29] =	ssyncset.done $0x0  }
0x129: {  	s11 =	simm.s32 $0xFFFFBC00;
	s12 =	simm.s32 $0x1580;
	[sflag:s29] =	ssyncadd.s32 $0xFFFFC000  }
.LBB2_8:
0x12a: {  	[spmem:s1] =	stream.indirect.scatter.add.f32 [tilespmem:s25], [sflag:$0x4], $0x80, s12, s22, $0xb8;
	[tilespmem:$0x1E0C0] =	vst v63  }
0x12b: {  	s12 =	smov.u32 s11  }
0x12c: {  	p1 =	sne.s32 s11, $0xFFFFFC00;
	s11 =	sadd.s32 $0x400, s11;
	_ =	swait.ge [sflag:s31], $0x4000  }
0x12d: {  	s12 =	sshra.s32 s12, $0x2;
	[sflag:s31] =	ssyncset.done $0x0  }
0x12e: {  	s13 =	sadd.s32 $0x1380, s12;
	[sflag:s31] =	ssyncadd.s32 $0xFFFFC000  }
0x12f: {  	[tilespmem:s25], [sflag:$0x2] =	stream.indirect.gather [hbm4b:s10+s22], $0x80, s13, s22, $0xb8;
	[tilespmem:$0x1E0C0] =	vst v63  }
0x130: {  	_ =	swait.ge [sflag:s26], $0x4000  }
0x131: {  	[sflag:s26] =	ssyncset.done $0x0  }
0x132: {  	s13 =	sadd.s32 $0x2700, s12;
	[sflag:s26] =	ssyncadd.s32 $0xFFFFC000  }
0x133: {  	[spmem:s1] =	stream.indirect.scatter.add.f32 [tilespmem:s23], [sflag:$0x3], $0x80, s13, s22, $0xb8;
	[tilespmem:$0x1E0C0] =	vst v63  }
0x134: {  	_ =	swait.ge [sflag:s24], $0x4000  }
0x135: {  	[sflag:s24] =	ssyncset.done $0x0  }
.Ltmp3:
0x136: {  	s13 =	sadd.s32 $0x1400, s12;
	[sflag:s24] =	ssyncadd.s32 $0xFFFFC000;
	(pc) =	sbr.rel @p1 .LBB2_8-.Ltmp3, $4  }
0x137: {  	[tilespmem:s23], [sflag:$0x1] =	stream.indirect.gather [hbm4b:s10+s22], $0x80, s13, s22, $0xb8;
	[tilespmem:$0x1E0C0] =	vst v63  }
0x138: {  	_ =	swait.ge [sflag:s29], $0x4000  }
0x139: {  	[sflag:s29] =	ssyncset.done $0x0  }
0x13a: {  	s12 =	sadd.s32 $0x2780, s12;
	[sflag:s29] =	ssyncadd.s32 $0xFFFFC000  }
0x13b: {  	[spmem:s1] =	stream.indirect.scatter.add.f32 [tilespmem:s25], [sflag:$0x4], $0x80, s12, s22, $0xb8;
	[tilespmem:$0x1E0C0] =	vst v63  }
0x13c: {  	_ =	swait.ge [sflag:s31], $0x4000  }
0x13d: {  	[sflag:s31] =	ssyncset.done $0x0  }
0x13e: {  	[sflag:s31] =	ssyncadd.s32 $0xFFFFC000  }
0x13f: {  	[tilespmem:s25], [sflag:$0x2] =	stream.indirect.gather [hbm4b:s10+s22], $0x80, s0, s22, $0xb8;
	[tilespmem:$0x1E0C0] =	vst v63  }
0x140: {  	_ =	swait.ge [sflag:s26], $0x4000  }
0x141: {  	[sflag:s26] =	ssyncset.done $0x0  }
0x142: {  	[sflag:s26] =	ssyncadd.s32 $0xFFFFC000  }
0x143: {  	[spmem:s1] =	stream.indirect.scatter.add.f32 [tilespmem:s23], [sflag:$0x3], $0x80, s5, s22, $0xb8;
	[tilespmem:$0x1E0C0] =	vst v63  }
0x144: {  	_ =	swait.ge [sflag:s24], $0x4000  }
0x145: {  	[sflag:s24] =	ssyncset.done $0x0  }
0x146: {  	[sflag:s24] =	ssyncadd.s32 $0xFFFFC000  }
0x147: {  	_ =	swait.ge [sflag:s29], $0x4000  }
0x148: {  	[sflag:s29] =	ssyncset.done $0x0  }
0x149: {  	[sflag:s29] =	ssyncadd.s32 $0xFFFFC000  }
0x14a: {  	[spmem:s1] =	stream.indirect.scatter.add.f32 [tilespmem:s25], [sflag:$0x4], $0x80, s6, s22, $0xb8;
	[tilespmem:$0x1E0C0] =	vst v63  }
0x14b: {  	_ =	swait.ge [sflag:s31], $0x4000  }
0x14c: {  	[sflag:s31] =	ssyncset.done $0x0  }
0x14d: {  	[sflag:s31] =	ssyncadd.s32 $0xFFFFC000  }
0x14e: {  	s11 =	sor.u32 $0x1C05, s4;
	[bflag:$0x0] =	sbarrier.arrive $0xFFFF  }
0x14f: {  	[hbm:s17], [sflag:s11] =	dma.local [spmem:s9], $0x2700  }
0x150: {  	_ =	swait.ge [sflag:s20], $0x2700  }
0x151: {  	s7 =	sadd.s32 $0x1, s7;
	[sflag:s20] =	ssyncset.done $0x0  }
0x152: {  	p1 =	sne.s32 s7, s19;
	[sflag:s20] =	ssyncadd.s32 $0xFFFFD900  }
0x153: {  	[hbm:s18], [sflag:s11] =	dma.local @!p0 [spmem:s8], $0x100  }
.Ltmp4:
0x154: {  	_ = 	snop;
	(pc) =	sbr.rel @p1 .LBB2_1-.Ltmp4, $4  }
0x155: {  	s8 =	simm.s32 @!p0 $0x5  }
0x156: {  	_ =	swait.ge @!p0 [sflag:s8], $0x100  }
0x157: {  	[sflag:s8] =	ssyncset.done @!p0 $0x0  }
0x158: {  	[sflag:s8] =	ssyncadd.s32 @!p0 $0xFFFFFF00  }
0x159: {  	_ =	sfence.sel $0x180000  }
0x15a: {  	[bflag:$0x0] =	sbarrier.arrive $0xFFFF  }
0x15b: {  	_ =	strace $0x9000004A  }
0x15c: {  	[bflag:$0x2] =	sbarrier.arrive $0xFFFF  }
0x15d: {  	s0 =	rddreg [dreg:$0x2]  }
0x15e: {  	s0 =	sadd.s32 @!p0 $0x100000, s0  }
0x15f: {  	[sflag:s0] =	ssyncadd.tile.s32 @!p0 $0x1;
	_ =	shalt  }
.Lfunc_end2:
_tile_overlayer_lowered:
.L_overlay_start_2:
0x160: {  	(tag) =	ssettag $0x2  }
0x161: {  	s0 =	rddreg [dreg:$0x0];
	s2 =	stileid.u32  }
0x162: {  	s1 =	rddreg [dreg:$0x1];
	p0 =	sne.s32 s2, $0x0  }
0x163: {  	s3 =	rddreg [dreg:$0x2];
	[bflag:$0x3] =	sbarrier.arrive $0xFFFF;
	s2 =	simm.s32 @!p0 $0x1C05  }
0x164: {  	[timem:s3], [sflag:s2] =	dma.local @!p0 [hbm:s0], s1  }
0x165: {  	s0 =	simm.s32 @!p0 $0x5  }
0x166: {  	_ =	swait.ge @!p0 [sflag:s0], s1  }
0x167: {  	s1 =	ssub.s32 @!p0 $0x0, s1;
	[sflag:s0] =	ssyncset.done @!p0 $0x0  }
0x168: {  	[sflag:s0] =	ssyncadd.s32 @!p0 s1  }
0x169: {  	[bflag:$0x3] =	sbarrier.arrive $0xFFFF  }
0x16a: {  	_ =	shalt  }

// kernel: kernel.14.cloned.1.call-start
scs
__scs_entry_jumppad:
0x0: {  	(pc) =	sbr.rel $0x88, $3  }
0x1: {  	(tag) =	ssettag $0x0;
	lr =	simm.s32 $0x1  }
0x2: {  	[smem:$0x3F91] =	sst lr;
	_ =	strace $0xD0000000  }
0x3: {  	_ = 	snop  }
0x4: {  	_ = 	snop  }
0x5: {  	_ = 	snop  }
0x6: {  	_ = 	snop  }
0x7: {  	_ = 	snop  }
__scs_overlays_trampoline_lowered:
0x8: {  	[smem:$0x3FA0] =	sst s0  }
0x9: {  	[smem:$0x3FA1] =	sst s1  }
0xa: {  	[smem:$0x3FA2] =	sst s2  }
0xb: {  	[smem:$0x3FA3] =	sst s3  }
0xc: {  	[smem:$0x3FA4] =	sst s4  }
0xd: {  	[smem:$0x3FA5] =	sst s5  }
0xe: {  	[smem:$0x3FA6] =	sst s6  }
0xf: {  	[smem:$0x3FA7] =	sst s7  }
0x10: {  	[smem:$0x3FA8] =	sst s8  }
0x11: {  	[smem:$0x3FA9] =	sst s9;
	s0 =	simm.s32 @!p0 $0x0  }
0x12: {  	s1 =	sld [smem:$0x3F8F];
	s0 =	simm.s32 @p0 $0x1  }
0x13: {  	[smem:$0x3FAA] =	sst s0;
	s0 =	simm.s32 @!p1 $0x0  }
0x14: {  	s2 =	sld [smem:$0x3F8E];
	s0 =	simm.s32 @p1 $0x1  }
0x15: {  	[smem:$0x3FAB] =	sst s0;
	s0 =	simm.s32 @!p2 $0x0  }
0x16: {  	s3 =	sld [smem:$0x3FDB];
	s0 =	simm.s32 @p2 $0x1  }
0x17: {  	s4 =	simm.s32 $0x1BF5;
	[smem:$0x3FAD] =	sst s0  }
0x18: {  	s0 =	sld [smem:$0x3F90];
	_ =	swait.ge [sflag:s4], $0x0  }
0x19: {  	s7 =	sld [smem:$0x3F91]  }
0x1a: {  	s8 =	sadd.s32 $0xFFFFE003, lr  }
0x1b: {  	s9 =	sadd.s32 $0xFFFFFEF7, lr;
	s5 =	simm.s32 $0xFFFFFFFF;
	p2 =	slt.u32 s8, $0xFFFFF086  }
0x1c: {  	p1 =	slt.u32 s9, $0xF7A;
	s5 =	simm.s32 @!p2 $0x0  }
0x1d: {  	s5 =	simm.s32 @p1 $0x1;
	p0 =	seq.s32 s7, s2  }
0x1e: {  	s7 =	smul.u32 @!p0 $0xF7A, s2;
	p2 =	seq.s32 @!p0 s5, $0x0  }
0x1f: {  	s9 =	smul.u32 $0xF7A, s1;
	s8 =	simm.s32 @!p0 $0x1BF5;
	p2 =	por !p2, p0  }
0x20: {  	[sflag:s8] =	ssyncset.s32 @!p0 $0xFFFFF086;
	s6 =	sadd.s32 @!p0 s3, s7;
	s7 =	simm.s32 @!p0 $0x108  }
0x21: {  	s3 =	sadd.s32 s3, s9;
	s6 =	sadd.s32 @!p0 $0x88, s6;
	s7 =	simm.s32 @p2 $0x1082  }
0x22: {  	[simem:s7], [sflag:s8] =	dma.local @!p0 [hbm:s6], $0xF7A  }
0x23: {  	s9 =	sor.u32 $0xD0000000, s2;
	s6 =	simm.s32 $0x108;
	_ =	swait.ge @!p0 [sflag:s8], $0x0  }
0x24: {  	s3 =	sadd.s32 $0x88, s3;
	s6 =	simm.s32 @!p1 $0x1082;
	[sflag:s4] =	ssyncset.s32 $0xFFFFF086  }
0x25: {  	[simem:s6], [sflag:s4] =	dma.local [hbm:s3], $0xF7A  }
0x26: {  	[smem:$0x3F91] =	sst s1;
	(tag) =	ssettag s2;
	_ =	strace s9  }
0x27: {  	s1 =	sld [smem:$0x3FA1]  }
0x28: {  	s2 =	sld [smem:$0x3FA2]  }
0x29: {  	s4 =	sld [smem:$0x3FA4]  }
0x2a: {  	p0 =	seq.s32 s5, $0x0;
	s5 =	sld [smem:$0x3FA5]  }
0x2b: {  	s6 =	sld [smem:$0x3FA6]  }
0x2c: {  	s7 =	sld [smem:$0x3FA7]  }
0x2d: {  	s3 =	simm.s32 $0x108;
	s8 =	sld [smem:$0x3FA8]  }
0x2e: {  	s3 =	simm.s32 @!p0 $0x1082;
	s9 =	sld [smem:$0x3FA9]  }
0x2f: {  	lr =	sadd.s32 s0, s3;
	s0 =	sld [smem:$0x3FA0]  }
0x30: {  	s3 =	sld [smem:$0x3FA3]  }
0x31: {  	[smem:$0x3FAC] =	sst s10  }
0x32: {  	s10 =	sld [smem:$0x3FAA];
	_ =	sdelay $0x3  }
0x33: {  	p0 =	seq.s32 s10, $0x1;
	s10 =	sld [smem:$0x3FAC];
	_ =	sdelay $0x3  }
0x34: {  	[smem:$0x3FAC] =	sst s10  }
0x35: {  	s10 =	sld [smem:$0x3FAB];
	_ =	sdelay $0x3  }
0x36: {  	p1 =	seq.s32 s10, $0x1;
	s10 =	sld [smem:$0x3FAC];
	_ =	sdelay $0x3  }
0x37: {  	[smem:$0x3FAC] =	sst s10  }
0x38: {  	s10 =	sld [smem:$0x3FAD]  }
0x39: {  	_ = 	snop;
	(pc) =	sbr.ind lr, $3  }
0x3a: {  	_ = 	snop  }
0x3b: {  	_ = 	snop  }
0x3c: {  	p2 =	seq.s32 s10, $0x1;
	s10 =	sld [smem:$0x3FAC]  }
0x3d: {  	_ =	shalt  }
0x3e: {  	_ =	shalt  }
0x3f: {  	_ =	shalt  }
0x40: {  	_ =	shalt  }
0x41: {  	_ =	shalt  }
0x42: {  	_ =	shalt  }
0x43: {  	_ =	shalt  }
0x44: {  	_ =	shalt  }
0x45: {  	_ =	shalt  }
0x46: {  	_ =	shalt  }
0x47: {  	_ =	shalt  }
0x48: {  	_ =	shalt  }
0x49: {  	_ =	shalt  }
0x4a: {  	_ =	shalt  }
0x4b: {  	_ =	shalt  }
0x4c: {  	_ =	shalt  }
0x4d: {  	_ =	shalt  }
0x4e: {  	_ =	shalt  }
0x4f: {  	_ =	shalt  }
0x50: {  	_ =	shalt  }
0x51: {  	_ =	shalt  }
0x52: {  	_ =	shalt  }
0x53: {  	_ =	shalt  }
0x54: {  	_ =	shalt  }
0x55: {  	_ =	shalt  }
0x56: {  	_ =	shalt  }
0x57: {  	_ =	shalt  }
0x58: {  	_ =	shalt  }
0x59: {  	_ =	shalt  }
0x5a: {  	_ =	shalt  }
0x5b: {  	_ =	shalt  }
0x5c: {  	_ =	shalt  }
0x5d: {  	_ =	shalt  }
0x5e: {  	_ =	shalt  }
0x5f: {  	_ =	shalt  }
0x60: {  	_ =	shalt  }
0x61: {  	_ =	shalt  }
0x62: {  	_ =	shalt  }
0x63: {  	_ =	shalt  }
0x64: {  	_ =	shalt  }
0x65: {  	_ =	shalt  }
0x66: {  	_ =	shalt  }
0x67: {  	_ =	shalt  }
0x68: {  	_ =	shalt  }
0x69: {  	_ =	shalt  }
0x6a: {  	_ =	shalt  }
0x6b: {  	_ =	shalt  }
0x6c: {  	_ =	shalt  }
0x6d: {  	_ =	shalt  }
0x6e: {  	_ =	shalt  }
0x6f: {  	_ =	shalt  }
0x70: {  	_ =	shalt  }
0x71: {  	_ =	shalt  }
0x72: {  	_ =	shalt  }
0x73: {  	_ =	shalt  }
0x74: {  	_ =	shalt  }
0x75: {  	_ =	shalt  }
0x76: {  	_ =	shalt  }
0x77: {  	_ =	shalt  }
0x78: {  	_ =	shalt  }
0x79: {  	_ =	shalt  }
0x7a: {  	_ =	shalt  }
0x7b: {  	_ =	shalt  }
0x7c: {  	_ =	shalt  }
0x7d: {  	_ =	shalt  }
0x7e: {  	_ =	shalt  }
0x7f: {  	_ =	shalt  }
0x80: {  	_ =	shalt  }
0x81: {  	_ =	shalt  }
0x82: {  	_ =	shalt  }
0x83: {  	_ =	shalt  }
0x84: {  	_ =	shalt  }
0x85: {  	_ =	shalt  }
0x86: {  	_ =	shalt  }
0x87: {  	_ =	shalt  }
.Lfunc_end0:
.L_simem_size_0:
called_computation.2_lowered:
.L_overlay_start_0:
0x88: {  	s2 =	sld [smem:$0x3FD9]  }
0x89: {  	s3 =	sld [smem:$0x3FFE];
	_ =	sdelay $0x1  }
0x8a: {  	s1 =	srdreg.scid  }
0x8b: {  	s0 =	sand.u32 $0x1, s1  }
0x8c: {  	s17 =	sshll.u32 s0, $0xA;
	s2 =	sadd.s32 s3, s2  }
0x8d: {  	s2 =	sadd.s32 s2, s17  }
0x8e: {  	[smem:$0x3FB8] =	sst s2  }
0x8f: {  	_ = 	snop  }
0x90: {  	s2 =	sld [smem:$0x3FD0];
	(tm) =	ssettm $0x1  }
0x91: {  	s18 =	sld [smem:$0x3FFB];
	_ =	sdelay $0x3  }
0x92: {  	_ =	strace s18  }
0x93: {  	s3 =	sld [smem:$0x3FFC];
	_ =	sdelay $0x3  }
0x94: {  	_ =	strace s3  }
0x95: {  	s3 =	sld [smem:$0x3FFD];
	_ =	sdelay $0x3  }
0x96: {  	_ =	strace s3  }
0x97: {  	_ =	strace $0x8FFFFFFF  }
0x98: {  	s19 =	sld [smem:$0x3FDB];
	_ =	sdelay $0x1  }
0x99: {  	s4 =	simm.s32 $_scs_section_size  }
0x9a: {  	s5 =	simm.s32 $_size__tile_overlayer_lowered;
	s6 =	simm.s32 $_tile_overlayer_lowered  }
0x9b: {  	s22 =	simm.s32 $0x1BFF;
	s21 =	sshll.u32 s6, $0x1;
	s3 =	sadd.s32 s4, s19  }
0x9c: {  	s7 =	simm.s32 $0x0;
	s20 =	sshll.u32 s5, $0x1;
	s5 =	sadd.s32 s21, s3  }
0x9d: {  	[timem:s7], [sflag:s22] =	dma.local [hbm:s5], s20  }
0x9e: {  	_ =	swait.ge [sflag:s22], s20  }
0x9f: {  	s4 =	ssub.s32 $0x0, s20;
	[sflag:s22] =	ssyncset.done $0x0  }
0xa0: {  	[sflag:s22] =	ssyncadd.s32 s4;
	_ =	sdelay $0x1  }
0xa1: {  	s23 =	simm.s32 $0x1B8B  }
0xa2: {  	_ =	swait.ge [sflag:s23], $0x1  }
0xa3: {  	[sflag:s23] =	ssyncset.done $0x0  }
0xa4: {  	s25 =	simm.s32 $0x1B8E;
	s24 =	sld [smem:$0x3FFE];
	[sflag:s23] =	ssyncadd.s32 $0xFFFFFFFF  }
0xa5: {  	s26 =	simm.s32 $execute0_lowered;
	[smem:$0x3FD2] =	sst s25  }
0xa6: {  	s5 =	sshll.u32 s26, $0x1;
	_ =	strace $0x8000004C;
	[dreg:$0x1] =	wrdreg $0xFFFFFFFF  }
0xa7: {  	s28 =	simm.s32 $_size_execute0_lowered;
	s3 =	sadd.s32 s3, s5;
	[dreg:$0x0] =	wrdreg $0x0  }
0xa8: {  	s5 =	sshll.u32 s28, $0x1;
	[dreg:$0x2] =	wrdreg s3  }
0xa9: {  	[dreg:$0x3] =	wrdreg s5  }
0xaa: {  	[dreg:$0x4] =	wrdreg $0xC0  }
0xab: {  	_ =	task [dreg:s7], $0x5FFFF  }
0xac: {  	[dreg:$0x1] =	wrdreg $0xFFFFFFFF  }
0xad: {  	[dreg:$0x0] =	wrdreg $0x60  }
0xae: {  	[dreg:$0x2] =	wrdreg s2  }
0xaf: {  	[dreg:$0x3] =	wrdreg s24  }
0xb0: {  	[dreg:$0x4] =	wrdreg $0xA8000  }
0xb1: {  	[dreg:$0x5] =	wrdreg $0x9  }
0xb2: {  	_ =	task.clear_ibuf [dreg:s7], $0x6FFFF;
	_ =	strace $0x9000004C  }
0xb3: {  	s29 =	simm.s32 $0x9;
	_ =	strace $0x8000004E  }
0xb4: {  	_ =	swait.ge [sflag:s29], $0x1  }
0xb5: {  	[sflag:s29] =	ssyncadd.s32 $0xFFFFFFFF  }
0xb6: {  	_ =	strace $0x9000004E  }
0xb7: {  	_ =	sfence  }
0xb8: {  	s30 =	sld [smem:$0x0];
	_ =	sdelay $0x2  }
0xb9: {  	s31 =	sshll.u32 s1, $0xD;
	s1 =	sshrl.u32 s1, $0x2  }
0xba: {  	s3 =	sand.u32 $0x4000, s31;
	s1 =	sadd.s32 s1, s30  }
0xbb: {  	s0 =	sor.u32 s3, s0;
	s1 =	sshll.u32 s1, $0x11  }
0xbc: {  	s0 =	sor.u32 s1, s0  }
0xbd: {  	s0 =	sadd.s32 $0x8F2B, s0  }
0xbe: {  	[sflag:s0] =	ssyncadd.remote.s32 $0x1  }
0xbf: {  	_ =	sfence.sel $0xFFFF  }
0xc0: {  	[dreg:$0x0] =	wrdreg $0xFFFFFFFF;
	(pc) =	sbr.abs _section_cstart, $3  }
0xc1: {  	[dreg:$0x1] =	wrdreg $0xFFFFFFFF  }
0xc2: {  	_ =	task.clear_ibuf [dreg:s7], $0x2FFFF;
	_ =	strace $0x9FFFFFFF  }
0xc3: {  	(tm) =	ssettm $0x7FFFFFFF  }
tec
execute0_lowered:
.L_overlay_start_1:
0x0: {  	(tag) =	ssettag $0x1  }
0x1: {  	s1 =	rddreg [dreg:$0x0]  }
0x2: {  	s0 =	rddreg [dreg:$0x1]  }
0x3: {  	s2 =	rddreg [dreg:$0x2];
	s3 =	simm.s32 $0x0  }
0x4: {  	s5 =	srdreg.scid;
	s13 =	stileid.u32;
	s18 =	simm.s32 $0x80  }
0x5: {  	s19 =	simm.s32 $0x2800;
	s20 =	simm.s32 $0x3;
	s28 =	simm.s32 $0x1380  }
0x6: {  	s29 =	simm.s32 $0x2700;
	s30 =	simm.s32 $0x2780;
	s31 =	simm.s32 $0x0  }
0x7: {  	[smem:$0x7FF] =	sst s3;
	s6 =	sadd.s32 $0x4600, s0;
	s10 =	sadd.s32 $0xE600, s0  }
0x8: {  	s4 =	sadd.s32 $0x18600, s0;
	s7 =	sand.u32 $0x1, s5;
	s11 =	smul.u32 $0x4E000, s13  }
0x9: {  	s0 =	sadd.s32 $0x1AE00, s0;
	s16 =	sadd.s32 $0x138000, s2;
	s17 =	smul.u32 $0x13800, s13  }
0xa: {  	p0 =	sne.s32 s13, $0x0;
	_ =	strace $0x8000004D;
	s8 =	sshll.u32 s7, $0x4  }
0xb: {  	s5 =	ssub.s32 $0x2, s7;
	s23 =	smul.u32 $0x138800, s7;
	s8 =	sor.u32 s13, s8  }
0xc: {  	s9 =	sshrl.u32 s5, $0x1;
	s11 =	sshrl.u32 s11, $0x2;
	s21 =	smul.u32 $0x500, s8  }
0xd: {  	s14 =	ssub.s32 s5, s9;
	s5 =	sshll.u32 s13, $0x6;
	s8 =	smul.u32 $0x2800, s8  }
0xe: {  	s15 =	sadd.s32 s11, s2;
	s25 =	sadd.s32 s17, s23;
	s11 =	sshrl.u32 s23, $0x3  }
0xf: {  	s17 =	simm.s32 $0x1400;
	s23 =	simm.s32 $0x100;
	s22 =	sor.u32 $0x1C03, s5  }
0x10: {  	s26 =	sadd.s32 s0, s11;
	s13 =	smax.u32 s14, $0x1;
	s14 =	sshrl.u32 s15, $0x3  }
0x11: {  	s15 =	sshrl.u32 @!p0 s16, $0x3;
	s16 =	simm.s32 $0x5;
	[dreg:$0x4] =	wrdreg s22  }
0x12: {  	s12 =	sshrl.u32 s8, $0x3;
	s24 =	sadd.s32 s6, s21;
	s8 =	sadd.s32 s10, s21  }
0x13: {  	s21 =	simm.s32 $0x6800;
	s22 =	simm.s32 $0x1;
	s12 =	sadd.s32 $0x280, s12  }
0x14: {  	[dreg:$0x5] =	wrdreg s24;
	s24 =	simm.s32 $0x2;
	s9 =	sadd.s32 s6, s12  }
0x15: {  	s10 =	sadd.s32 s10, s12;
	s6 =	sshrl.u32 s25, $0x3;
	s12 =	sadd.s32 $0x27000, s26  }
0x16: {  	s25 =	simm.s32 $0x1480;
	s26 =	simm.s32 $0x4;
	s11 =	sadd.s32 s0, s6  }
.LBB2_1:
0x17: {  	s0 =	rddreg [dreg:$0x4]  }
0x18: {  	[spmem:s14], [sflag:s0] =	dma.local [hbm:s4], $0x2700  }
0x19: {  	s0 =	simm.s32 @!p0 $0x1C04  }
0x1a: {  	[spmem:s15], [sflag:s0] =	dma.local @!p0 [hbm:s4], $0x180  }
0x1b: {  	s0 =	rddreg [dreg:$0x5]  }
0x1c: {  	[tilespmem:s3], [sflag:$0x5] =	stream.linear.gather [hbm4b:s0+s3], $0x1400, $0x38;
	[tilespmem:$0x1E0C0] =	vst v63  }
0x1d: {  	_ =	swait.ge [sflag:s16], $0x1400  }
0x1e: {  	[sflag:s16] =	ssyncset.done $0x0  }
0x1f: {  	[sflag:s16] =	ssyncadd.s32 $0xFFFFEC00  }
0x20: {  	[tilespmem:s17], [sflag:$0x5] =	stream.linear.gather [hbm4b:s8+s3], $0x1400, $0x38;
	[tilespmem:$0x1E0C0] =	vst v63  }
0x21: {  	_ =	swait.ge [sflag:s16], $0x1400  }
0x22: {  	[sflag:s16] =	ssyncset.done $0x0  }
0x23: {  	[sflag:s16] =	ssyncadd.s32 $0xFFFFEC00  }
0x24: {  	[tilespmem:s19], [sflag:$0x1] =	stream.indirect.gather [hbm4b:s1+s18], $0x80, s3, s18, $0xb8;
	[tilespmem:$0x1E0C0] =	vst v63  }
0x25: {  	_ =	swait.ge [sflag:s20], $0x2700  }
0x26: {  	[sflag:s20] =	ssyncset.done $0x0  }
0x27: {  	s0 =	simm.s32 @!p0 $0x4;
	[sflag:s20] =	ssyncadd.s32 $0xFFFFD900  }
0x28: {  	_ =	swait.ge @!p0 [sflag:s0], $0x180  }
0x29: {  	[sflag:s0] =	ssyncset.done @!p0 $0x0  }
0x2a: {  	[sflag:s0] =	ssyncadd.s32 @!p0 $0xFFFFFE80  }
0x2b: {  	[bflag:$0x0] =	sbarrier.arrive $0xFFFF  }
0x2c: {  	[tilespmem:s21], [sflag:$0x2] =	stream.indirect.gather [hbm4b:s1+s18], $0x80, s18, s18, $0xb8;
	[tilespmem:$0x1E0C0] =	vst v63  }
0x2d: {  	_ =	swait.ge [sflag:s22], $0x4000  }
0x2e: {  	[sflag:s22] =	ssyncset.done $0x0  }
0x2f: {  	[sflag:s22] =	ssyncadd.s32 $0xFFFFC000  }
0x30: {  	[spmem:s2] =	stream.indirect.scatter.add.f32 [tilespmem:s19], [sflag:$0x3], $0x80, s17, s18, $0xb8;
	[tilespmem:$0x1E0C0] =	vst v63  }
0x31: {  	_ =	swait.ge [sflag:s20], $0x4000  }
0x32: {  	[sflag:s20] =	ssyncset.done $0x0  }
0x33: {  	[sflag:s20] =	ssyncadd.s32 $0xFFFFC000  }
0x34: {  	[tilespmem:s19], [sflag:$0x1] =	stream.indirect.gather [hbm4b:s1+s18], $0x80, s23, s18, $0xb8;
	[tilespmem:$0x1E0C0] =	vst v63  }
0x35: {  	_ =	swait.ge [sflag:s24], $0x4000  }
0x36: {  	[sflag:s24] =	ssyncset.done $0x0  }
0x37: {  	[sflag:s24] =	ssyncadd.s32 $0xFFFFC000  }
0x38: {  	[spmem:s2] =	stream.indirect.scatter.add.f32 [tilespmem:s21], [sflag:$0x4], $0x80, s25, s18, $0xb8;
	[tilespmem:$0x1E0C0] =	vst v63  }
0x39: {  	_ =	swait.ge [sflag:s26], $0x4000  }
0x3a: {  	[sflag:s26] =	ssyncset.done $0x0  }
0x3b: {  	s7 =	simm.s32 $0x180;
	[sflag:s26] =	ssyncadd.s32 $0xFFFFC000  }
0x3c: {  	[tilespmem:s21], [sflag:$0x2] =	stream.indirect.gather [hbm4b:s1+s18], $0x80, s7, s18, $0xb8;
	[tilespmem:$0x1E0C0] =	vst v63  }
0x3d: {  	_ =	swait.ge [sflag:s22], $0x4000  }
0x3e: {  	[sflag:s22] =	ssyncset.done $0x0  }
0x3f: {  	s6 =	simm.s32 $0x1500;
	[sflag:s22] =	ssyncadd.s32 $0xFFFFC000  }
0x40: {  	[spmem:s2] =	stream.indirect.scatter.add.f32 [tilespmem:s19], [sflag:$0x3], $0x80, s6, s18, $0xb8;
	[tilespmem:$0x1E0C0] =	vst v63  }
0x41: {  	_ =	swait.ge [sflag:s20], $0x4000  }
0x42: {  	[sflag:s20] =	ssyncset.done $0x0  }
0x43: {  	s7 =	simm.s32 $0x200;
	[sflag:s20] =	ssyncadd.s32 $0xFFFFC000  }
0x44: {  	[tilespmem:s19], [sflag:$0x1] =	stream.indirect.gather [hbm4b:s1+s18], $0x80, s7, s18, $0xb8;
	[tilespmem:$0x1E0C0] =	vst v63  }
0x45: {  	_ =	swait.ge [sflag:s24], $0x4000  }
0x46: {  	[sflag:s24] =	ssyncset.done $0x0  }
0x47: {  	s0 =	simm.s32 $0xFFFFBC00;
	s6 =	simm.s32 $0x1580;
	[sflag:s24] =	ssyncadd.s32 $0xFFFFC000  }
.LBB2_2:
0x48: {  	[spmem:s2] =	stream.indirect.scatter.add.f32 [tilespmem:s21], [sflag:$0x4], $0x80, s6, s18, $0xb8;
	[tilespmem:$0x1E0C0] =	vst v63  }
0x49: {  	s6 =	smov.u32 s0  }
0x4a: {  	p1 =	sne.s32 s0, $0xFFFFFC00;
	s0 =	sadd.s32 $0x400, s0;
	_ =	swait.ge [sflag:s26], $0x4000  }
0x4b: {  	s6 =	sshra.s32 s6, $0x2;
	[sflag:s26] =	ssyncset.done $0x0  }
0x4c: {  	s7 =	sadd.s32 $0x1380, s6;
	[sflag:s26] =	ssyncadd.s32 $0xFFFFC000  }
0x4d: {  	[tilespmem:s21], [sflag:$0x2] =	stream.indirect.gather [hbm4b:s1+s18], $0x80, s7, s18, $0xb8;
	[tilespmem:$0x1E0C0] =	vst v63  }
0x4e: {  	_ =	swait.ge [sflag:s22], $0x4000  }
0x4f: {  	[sflag:s22] =	ssyncset.done $0x0  }
0x50: {  	s7 =	sadd.s32 $0x2700, s6;
	[sflag:s22] =	ssyncadd.s32 $0xFFFFC000  }
0x51: {  	[spmem:s2] =	stream.indirect.scatter.add.f32 [tilespmem:s19], [sflag:$0x3], $0x80, s7, s18, $0xb8;
	[tilespmem:$0x1E0C0] =	vst v63  }
0x52: {  	_ =	swait.ge [sflag:s20], $0x4000  }
0x53: {  	[sflag:s20] =	ssyncset.done $0x0  }
.Ltmp0:
0x54: {  	s7 =	sadd.s32 $0x1400, s6;
	[sflag:s20] =	ssyncadd.s32 $0xFFFFC000;
	(pc) =	sbr.rel @p1 .LBB2_2-.Ltmp0, $4  }
0x55: {  	[tilespmem:s19], [sflag:$0x1] =	stream.indirect.gather [hbm4b:s1+s18], $0x80, s7, s18, $0xb8;
	[tilespmem:$0x1E0C0] =	vst v63  }
0x56: {  	_ =	swait.ge [sflag:s24], $0x4000  }
0x57: {  	[sflag:s24] =	ssyncset.done $0x0  }
0x58: {  	s6 =	sadd.s32 $0x2780, s6;
	[sflag:s24] =	ssyncadd.s32 $0xFFFFC000  }
0x59: {  	[spmem:s2] =	stream.indirect.scatter.add.f32 [tilespmem:s21], [sflag:$0x4], $0x80, s6, s18, $0xb8;
	[tilespmem:$0x1E0C0] =	vst v63  }
0x5a: {  	_ =	swait.ge [sflag:s26], $0x4000  }
0x5b: {  	[sflag:s26] =	ssyncset.done $0x0  }
0x5c: {  	[sflag:s26] =	ssyncadd.s32 $0xFFFFC000  }
0x5d: {  	[tilespmem:s21], [sflag:$0x2] =	stream.indirect.gather [hbm4b:s1+s18], $0x80, s28, s18, $0xb8;
	[tilespmem:$0x1E0C0] =	vst v63  }
0x5e: {  	_ =	swait.ge [sflag:s22], $0x4000  }
0x5f: {  	[sflag:s22] =	ssyncset.done $0x0  }
0x60: {  	[sflag:s22] =	ssyncadd.s32 $0xFFFFC000  }
0x61: {  	[spmem:s2] =	stream.indirect.scatter.add.f32 [tilespmem:s19], [sflag:$0x3], $0x80, s29, s18, $0xb8;
	[tilespmem:$0x1E0C0] =	vst v63  }
0x62: {  	_ =	swait.ge [sflag:s20], $0x4000  }
0x63: {  	[sflag:s20] =	ssyncset.done $0x0  }
0x64: {  	[sflag:s20] =	ssyncadd.s32 $0xFFFFC000  }
0x65: {  	_ =	swait.ge [sflag:s24], $0x4000  }
0x66: {  	[sflag:s24] =	ssyncset.done $0x0  }
0x67: {  	[sflag:s24] =	ssyncadd.s32 $0xFFFFC000  }
0x68: {  	[spmem:s2] =	stream.indirect.scatter.add.f32 [tilespmem:s21], [sflag:$0x4], $0x80, s30, s18, $0xb8;
	[tilespmem:$0x1E0C0] =	vst v63  }
0x69: {  	_ =	swait.ge [sflag:s26], $0x4000  }
0x6a: {  	[sflag:s26] =	ssyncset.done $0x0  }
0x6b: {  	[sflag:s26] =	ssyncadd.s32 $0xFFFFC000  }
0x6c: {  	[tilespmem:s3], [sflag:$0x5] =	stream.linear.gather [hbm4b:s9+s3], $0x1400, $0x38;
	[tilespmem:$0x1E0C0] =	vst v63  }
0x6d: {  	_ =	swait.ge [sflag:s16], $0x1400  }
0x6e: {  	[sflag:s16] =	ssyncset.done $0x0  }
0x6f: {  	[sflag:s16] =	ssyncadd.s32 $0xFFFFEC00  }
0x70: {  	[tilespmem:s17], [sflag:$0x5] =	stream.linear.gather [hbm4b:s10+s3], $0x1400, $0x38;
	[tilespmem:$0x1E0C0] =	vst v63  }
0x71: {  	_ =	swait.ge [sflag:s16], $0x1400  }
0x72: {  	[sflag:s16] =	ssyncset.done $0x0  }
0x73: {  	[sflag:s16] =	ssyncadd.s32 $0xFFFFEC00  }
0x74: {  	[tilespmem:s19], [sflag:$0x1] =	stream.indirect.gather [hbm4b:s1+s18], $0x80, s3, s18, $0xb8;
	[tilespmem:$0x1E0C0] =	vst v63  }
0x75: {  	_ = 	snop  }
0x76: {  	[tilespmem:s21], [sflag:$0x2] =	stream.indirect.gather [hbm4b:s1+s18], $0x80, s18, s18, $0xb8;
	[tilespmem:$0x1E0C0] =	vst v63  }
0x77: {  	_ =	swait.ge [sflag:s22], $0x4000  }
0x78: {  	[sflag:s22] =	ssyncset.done $0x0  }
0x79: {  	[sflag:s22] =	ssyncadd.s32 $0xFFFFC000  }
0x7a: {  	[spmem:s2] =	stream.indirect.scatter.add.f32 [tilespmem:s19], [sflag:$0x3], $0x80, s17, s18, $0xb8;
	[tilespmem:$0x1E0C0] =	vst v63  }
0x7b: {  	_ =	swait.ge [sflag:s20], $0x4000  }
0x7c: {  	[sflag:s20] =	ssyncset.done $0x0  }
0x7d: {  	[sflag:s20] =	ssyncadd.s32 $0xFFFFC000  }
0x7e: {  	[tilespmem:s19], [sflag:$0x1] =	stream.indirect.gather [hbm4b:s1+s18], $0x80, s23, s18, $0xb8;
	[tilespmem:$0x1E0C0] =	vst v63  }
0x7f: {  	_ =	swait.ge [sflag:s24], $0x4000  }
0x80: {  	[sflag:s24] =	ssyncset.done $0x0  }
0x81: {  	[sflag:s24] =	ssyncadd.s32 $0xFFFFC000  }
0x82: {  	[spmem:s2] =	stream.indirect.scatter.add.f32 [tilespmem:s21], [sflag:$0x4], $0x80, s25, s18, $0xb8;
	[tilespmem:$0x1E0C0] =	vst v63  }
0x83: {  	_ =	swait.ge [sflag:s26], $0x4000  }
0x84: {  	[sflag:s26] =	ssyncset.done $0x0  }
0x85: {  	s0 =	simm.s32 $0x180;
	[sflag:s26] =	ssyncadd.s32 $0xFFFFC000  }
0x86: {  	[tilespmem:s21], [sflag:$0x2] =	stream.indirect.gather [hbm4b:s1+s18], $0x80, s0, s18, $0xb8;
	[tilespmem:$0x1E0C0] =	vst v63  }
0x87: {  	_ =	swait.ge [sflag:s22], $0x4000  }
0x88: {  	[sflag:s22] =	ssyncset.done $0x0  }
0x89: {  	s6 =	simm.s32 $0x1500;
	[sflag:s22] =	ssyncadd.s32 $0xFFFFC000  }
0x8a: {  	[spmem:s2] =	stream.indirect.scatter.add.f32 [tilespmem:s19], [sflag:$0x3], $0x80, s6, s18, $0xb8;
	[tilespmem:$0x1E0C0] =	vst v63  }
0x8b: {  	_ =	swait.ge [sflag:s20], $0x4000  }
0x8c: {  	[sflag:s20] =	ssyncset.done $0x0  }
0x8d: {  	s7 =	simm.s32 $0x200;
	[sflag:s20] =	ssyncadd.s32 $0xFFFFC000  }
0x8e: {  	[tilespmem:s19], [sflag:$0x1] =	stream.indirect.gather [hbm4b:s1+s18], $0x80, s7, s18, $0xb8;
	[tilespmem:$0x1E0C0] =	vst v63  }
0x8f: {  	_ =	swait.ge [sflag:s24], $0x4000  }
0x90: {  	[sflag:s24] =	ssyncset.done $0x0  }
0x91: {  	s0 =	simm.s32 $0xFFFFBC00;
	s6 =	simm.s32 $0x1580;
	[sflag:s24] =	ssyncadd.s32 $0xFFFFC000  }
.LBB2_4:
0x92: {  	[spmem:s2] =	stream.indirect.scatter.add.f32 [tilespmem:s21], [sflag:$0x4], $0x80, s6, s18, $0xb8;
	[tilespmem:$0x1E0C0] =	vst v63  }
0x93: {  	s6 =	smov.u32 s0  }
0x94: {  	p1 =	sne.s32 s0, $0xFFFFFC00;
	s0 =	sadd.s32 $0x400, s0;
	_ =	swait.ge [sflag:s26], $0x4000  }
0x95: {  	s6 =	sshra.s32 s6, $0x2;
	[sflag:s26] =	ssyncset.done $0x0  }
0x96: {  	s7 =	sadd.s32 $0x1380, s6;
	[sflag:s26] =	ssyncadd.s32 $0xFFFFC000  }
0x97: {  	[tilespmem:s21], [sflag:$0x2] =	stream.indirect.gather [hbm4b:s1+s18], $0x80, s7, s18, $0xb8;
	[tilespmem:$0x1E0C0] =	vst v63  }
0x98: {  	_ =	swait.ge [sflag:s22], $0x4000  }
0x99: {  	[sflag:s22] =	ssyncset.done $0x0  }
0x9a: {  	s7 =	sadd.s32 $0x2700, s6;
	[sflag:s22] =	ssyncadd.s32 $0xFFFFC000  }
0x9b: {  	[spmem:s2] =	stream.indirect.scatter.add.f32 [tilespmem:s19], [sflag:$0x3], $0x80, s7, s18, $0xb8;
	[tilespmem:$0x1E0C0] =	vst v63  }
0x9c: {  	_ =	swait.ge [sflag:s20], $0x4000  }
0x9d: {  	[sflag:s20] =	ssyncset.done $0x0  }
.Ltmp1:
0x9e: {  	s7 =	sadd.s32 $0x1400, s6;
	[sflag:s20] =	ssyncadd.s32 $0xFFFFC000;
	(pc) =	sbr.rel @p1 .LBB2_4-.Ltmp1, $4  }
0x9f: {  	[tilespmem:s19], [sflag:$0x1] =	stream.indirect.gather [hbm4b:s1+s18], $0x80, s7, s18, $0xb8;
	[tilespmem:$0x1E0C0] =	vst v63  }
0xa0: {  	_ =	swait.ge [sflag:s24], $0x4000  }
0xa1: {  	[sflag:s24] =	ssyncset.done $0x0  }
0xa2: {  	s6 =	sadd.s32 $0x2780, s6;
	[sflag:s24] =	ssyncadd.s32 $0xFFFFC000  }
0xa3: {  	[spmem:s2] =	stream.indirect.scatter.add.f32 [tilespmem:s21], [sflag:$0x4], $0x80, s6, s18, $0xb8;
	[tilespmem:$0x1E0C0] =	vst v63  }
0xa4: {  	_ =	swait.ge [sflag:s26], $0x4000  }
0xa5: {  	[sflag:s26] =	ssyncset.done $0x0  }
0xa6: {  	[sflag:s26] =	ssyncadd.s32 $0xFFFFC000  }
0xa7: {  	[tilespmem:s21], [sflag:$0x2] =	stream.indirect.gather [hbm4b:s1+s18], $0x80, s28, s18, $0xb8;
	[tilespmem:$0x1E0C0] =	vst v63  }
0xa8: {  	_ =	swait.ge [sflag:s22], $0x4000  }
0xa9: {  	[sflag:s22] =	ssyncset.done $0x0  }
0xaa: {  	[sflag:s22] =	ssyncadd.s32 $0xFFFFC000  }
0xab: {  	[spmem:s2] =	stream.indirect.scatter.add.f32 [tilespmem:s19], [sflag:$0x3], $0x80, s29, s18, $0xb8;
	[tilespmem:$0x1E0C0] =	vst v63  }
0xac: {  	_ =	swait.ge [sflag:s20], $0x4000  }
0xad: {  	[sflag:s20] =	ssyncset.done $0x0  }
0xae: {  	[sflag:s20] =	ssyncadd.s32 $0xFFFFC000  }
0xaf: {  	_ =	swait.ge [sflag:s24], $0x4000  }
0xb0: {  	[sflag:s24] =	ssyncset.done $0x0  }
0xb1: {  	[sflag:s24] =	ssyncadd.s32 $0xFFFFC000  }
0xb2: {  	[spmem:s2] =	stream.indirect.scatter.add.f32 [tilespmem:s21], [sflag:$0x4], $0x80, s30, s18, $0xb8;
	[tilespmem:$0x1E0C0] =	vst v63  }
0xb3: {  	_ =	swait.ge [sflag:s26], $0x4000  }
0xb4: {  	[sflag:s26] =	ssyncset.done $0x0  }
0xb5: {  	[sflag:s26] =	ssyncadd.s32 $0xFFFFC000  }
0xb6: {  	s0 =	sor.u32 $0x1C05, s5;
	[bflag:$0x0] =	sbarrier.arrive $0xFFFF  }
0xb7: {  	[hbm:s11], [sflag:s0] =	dma.local [spmem:s14], $0x2700  }
0xb8: {  	_ =	swait.ge [sflag:s16], $0x2700  }
0xb9: {  	s31 =	sadd.s32 $0x1, s31;
	[sflag:s16] =	ssyncset.done $0x0  }
0xba: {  	p1 =	sne.s32 s31, s13;
	[sflag:s16] =	ssyncadd.s32 $0xFFFFD900  }
0xbb: {  	[hbm:s12], [sflag:s0] =	dma.local @!p0 [spmem:s15], $0x100  }
.Ltmp2:
0xbc: {  	_ = 	snop;
	(pc) =	sbr.rel @p1 .LBB2_1-.Ltmp2, $4  }
0xbd: {  	s0 =	simm.s32 @!p0 $0x5  }
0xbe: {  	_ =	swait.ge @!p0 [sflag:s0], $0x100  }
0xbf: {  	[sflag:s0] =	ssyncset.done @!p0 $0x0  }
0xc0: {  	[sflag:s0] =	ssyncadd.s32 @!p0 $0xFFFFFF00  }
0xc1: {  	_ =	sfence.sel $0x180000  }
0xc2: {  	[bflag:$0x0] =	sbarrier.arrive $0xFFFF  }
0xc3: {  	_ =	strace $0x9000004D  }
0xc4: {  	[bflag:$0x2] =	sbarrier.arrive $0xFFFF  }
0xc5: {  	s0 =	rddreg [dreg:$0x3]  }
0xc6: {  	s0 =	sadd.s32 @!p0 $0x100000, s0  }
0xc7: {  	[sflag:s0] =	ssyncadd.tile.s32 @!p0 $0x1;
	_ =	shalt  }
.Lfunc_end2:
_tile_overlayer_lowered:
.L_overlay_start_2:
0xc8: {  	(tag) =	ssettag $0x2  }
0xc9: {  	s0 =	rddreg [dreg:$0x0];
	s2 =	stileid.u32  }
0xca: {  	s1 =	rddreg [dreg:$0x1];
	p0 =	sne.s32 s2, $0x0  }
0xcb: {  	s3 =	rddreg [dreg:$0x2];
	[bflag:$0x3] =	sbarrier.arrive $0xFFFF;
	s2 =	simm.s32 @!p0 $0x1C05  }
0xcc: {  	[timem:s3], [sflag:s2] =	dma.local @!p0 [hbm:s0], s1  }
0xcd: {  	s0 =	simm.s32 @!p0 $0x5  }
0xce: {  	_ =	swait.ge @!p0 [sflag:s0], s1  }
0xcf: {  	s1 =	ssub.s32 @!p0 $0x0, s1;
	[sflag:s0] =	ssyncset.done @!p0 $0x0  }
0xd0: {  	[sflag:s0] =	ssyncadd.s32 @!p0 s1  }
0xd1: {  	[bflag:$0x3] =	sbarrier.arrive $0xFFFF  }
0xd2: {  	_ =	shalt  }

// kernel: kernel.8.cloned.1.call-start
scs
__scs_entry_jumppad:
0x0: {  	(pc) =	sbr.rel $0x88, $3  }
0x1: {  	(tag) =	ssettag $0x0;
	lr =	simm.s32 $0x1  }
0x2: {  	[smem:$0x3F91] =	sst lr;
	_ =	strace $0xD0000000  }
0x3: {  	_ = 	snop  }
0x4: {  	_ = 	snop  }
0x5: {  	_ = 	snop  }
0x6: {  	_ = 	snop  }
0x7: {  	_ = 	snop  }
__scs_overlays_trampoline_lowered:
0x8: {  	[smem:$0x3FA0] =	sst s0  }
0x9: {  	[smem:$0x3FA1] =	sst s1  }
0xa: {  	[smem:$0x3FA2] =	sst s2  }
0xb: {  	[smem:$0x3FA3] =	sst s3  }
0xc: {  	[smem:$0x3FA4] =	sst s4  }
0xd: {  	[smem:$0x3FA5] =	sst s5  }
0xe: {  	[smem:$0x3FA6] =	sst s6  }
0xf: {  	[smem:$0x3FA7] =	sst s7  }
0x10: {  	[smem:$0x3FA8] =	sst s8  }
0x11: {  	[smem:$0x3FA9] =	sst s9;
	s0 =	simm.s32 @!p0 $0x0  }
0x12: {  	s1 =	sld [smem:$0x3F8F];
	s0 =	simm.s32 @p0 $0x1  }
0x13: {  	[smem:$0x3FAA] =	sst s0;
	s0 =	simm.s32 @!p1 $0x0  }
0x14: {  	s2 =	sld [smem:$0x3F8E];
	s0 =	simm.s32 @p1 $0x1  }
0x15: {  	[smem:$0x3FAB] =	sst s0;
	s0 =	simm.s32 @!p2 $0x0  }
0x16: {  	s3 =	sld [smem:$0x3FDB];
	s0 =	simm.s32 @p2 $0x1  }
0x17: {  	s4 =	simm.s32 $0x1BF5;
	[smem:$0x3FAD] =	sst s0  }
0x18: {  	s0 =	sld [smem:$0x3F90];
	_ =	swait.ge [sflag:s4], $0x0  }
0x19: {  	s7 =	sld [smem:$0x3F91]  }
0x1a: {  	s8 =	sadd.s32 $0xFFFFE003, lr  }
0x1b: {  	s9 =	sadd.s32 $0xFFFFFEF7, lr;
	s5 =	simm.s32 $0xFFFFFFFF;
	p2 =	slt.u32 s8, $0xFFFFF086  }
0x1c: {  	p1 =	slt.u32 s9, $0xF7A;
	s5 =	simm.s32 @!p2 $0x0  }
0x1d: {  	s5 =	simm.s32 @p1 $0x1;
	p0 =	seq.s32 s7, s2  }
0x1e: {  	s7 =	smul.u32 @!p0 $0xF7A, s2;
	p2 =	seq.s32 @!p0 s5, $0x0  }
0x1f: {  	s9 =	smul.u32 $0xF7A, s1;
	s8 =	simm.s32 @!p0 $0x1BF5;
	p2 =	por !p2, p0  }
0x20: {  	[sflag:s8] =	ssyncset.s32 @!p0 $0xFFFFF086;
	s6 =	sadd.s32 @!p0 s3, s7;
	s7 =	simm.s32 @!p0 $0x108  }
0x21: {  	s3 =	sadd.s32 s3, s9;
	s6 =	sadd.s32 @!p0 $0x88, s6;
	s7 =	simm.s32 @p2 $0x1082  }
0x22: {  	[simem:s7], [sflag:s8] =	dma.local @!p0 [hbm:s6], $0xF7A  }
0x23: {  	s9 =	sor.u32 $0xD0000000, s2;
	s6 =	simm.s32 $0x108;
	_ =	swait.ge @!p0 [sflag:s8], $0x0  }
0x24: {  	s3 =	sadd.s32 $0x88, s3;
	s6 =	simm.s32 @!p1 $0x1082;
	[sflag:s4] =	ssyncset.s32 $0xFFFFF086  }
0x25: {  	[simem:s6], [sflag:s4] =	dma.local [hbm:s3], $0xF7A  }
0x26: {  	[smem:$0x3F91] =	sst s1;
	(tag) =	ssettag s2;
	_ =	strace s9  }
0x27: {  	s1 =	sld [smem:$0x3FA1]  }
0x28: {  	s2 =	sld [smem:$0x3FA2]  }
0x29: {  	s4 =	sld [smem:$0x3FA4]  }
0x2a: {  	p0 =	seq.s32 s5, $0x0;
	s5 =	sld [smem:$0x3FA5]  }
0x2b: {  	s6 =	sld [smem:$0x3FA6]  }
0x2c: {  	s7 =	sld [smem:$0x3FA7]  }
0x2d: {  	s3 =	simm.s32 $0x108;
	s8 =	sld [smem:$0x3FA8]  }
0x2e: {  	s3 =	simm.s32 @!p0 $0x1082;
	s9 =	sld [smem:$0x3FA9]  }
0x2f: {  	lr =	sadd.s32 s0, s3;
	s0 =	sld [smem:$0x3FA0]  }
0x30: {  	s3 =	sld [smem:$0x3FA3]  }
0x31: {  	[smem:$0x3FAC] =	sst s10  }
0x32: {  	s10 =	sld [smem:$0x3FAA];
	_ =	sdelay $0x3  }
0x33: {  	p0 =	seq.s32 s10, $0x1;
	s10 =	sld [smem:$0x3FAC];
	_ =	sdelay $0x3  }
0x34: {  	[smem:$0x3FAC] =	sst s10  }
0x35: {  	s10 =	sld [smem:$0x3FAB];
	_ =	sdelay $0x3  }
0x36: {  	p1 =	seq.s32 s10, $0x1;
	s10 =	sld [smem:$0x3FAC];
	_ =	sdelay $0x3  }
0x37: {  	[smem:$0x3FAC] =	sst s10  }
0x38: {  	s10 =	sld [smem:$0x3FAD]  }
0x39: {  	_ = 	snop;
	(pc) =	sbr.ind lr, $3  }
0x3a: {  	_ = 	snop  }
0x3b: {  	_ = 	snop  }
0x3c: {  	p2 =	seq.s32 s10, $0x1;
	s10 =	sld [smem:$0x3FAC]  }
0x3d: {  	_ =	shalt  }
0x3e: {  	_ =	shalt  }
0x3f: {  	_ =	shalt  }
0x40: {  	_ =	shalt  }
0x41: {  	_ =	shalt  }
0x42: {  	_ =	shalt  }
0x43: {  	_ =	shalt  }
0x44: {  	_ =	shalt  }
0x45: {  	_ =	shalt  }
0x46: {  	_ =	shalt  }
0x47: {  	_ =	shalt  }
0x48: {  	_ =	shalt  }
0x49: {  	_ =	shalt  }
0x4a: {  	_ =	shalt  }
0x4b: {  	_ =	shalt  }
0x4c: {  	_ =	shalt  }
0x4d: {  	_ =	shalt  }
0x4e: {  	_ =	shalt  }
0x4f: {  	_ =	shalt  }
0x50: {  	_ =	shalt  }
0x51: {  	_ =	shalt  }
0x52: {  	_ =	shalt  }
0x53: {  	_ =	shalt  }
0x54: {  	_ =	shalt  }
0x55: {  	_ =	shalt  }
0x56: {  	_ =	shalt  }
0x57: {  	_ =	shalt  }
0x58: {  	_ =	shalt  }
0x59: {  	_ =	shalt  }
0x5a: {  	_ =	shalt  }
0x5b: {  	_ =	shalt  }
0x5c: {  	_ =	shalt  }
0x5d: {  	_ =	shalt  }
0x5e: {  	_ =	shalt  }
0x5f: {  	_ =	shalt  }
0x60: {  	_ =	shalt  }
0x61: {  	_ =	shalt  }
0x62: {  	_ =	shalt  }
0x63: {  	_ =	shalt  }
0x64: {  	_ =	shalt  }
0x65: {  	_ =	shalt  }
0x66: {  	_ =	shalt  }
0x67: {  	_ =	shalt  }
0x68: {  	_ =	shalt  }
0x69: {  	_ =	shalt  }
0x6a: {  	_ =	shalt  }
0x6b: {  	_ =	shalt  }
0x6c: {  	_ =	shalt  }
0x6d: {  	_ =	shalt  }
0x6e: {  	_ =	shalt  }
0x6f: {  	_ =	shalt  }
0x70: {  	_ =	shalt  }
0x71: {  	_ =	shalt  }
0x72: {  	_ =	shalt  }
0x73: {  	_ =	shalt  }
0x74: {  	_ =	shalt  }
0x75: {  	_ =	shalt  }
0x76: {  	_ =	shalt  }
0x77: {  	_ =	shalt  }
0x78: {  	_ =	shalt  }
0x79: {  	_ =	shalt  }
0x7a: {  	_ =	shalt  }
0x7b: {  	_ =	shalt  }
0x7c: {  	_ =	shalt  }
0x7d: {  	_ =	shalt  }
0x7e: {  	_ =	shalt  }
0x7f: {  	_ =	shalt  }
0x80: {  	_ =	shalt  }
0x81: {  	_ =	shalt  }
0x82: {  	_ =	shalt  }
0x83: {  	_ =	shalt  }
0x84: {  	_ =	shalt  }
0x85: {  	_ =	shalt  }
0x86: {  	_ =	shalt  }
0x87: {  	_ =	shalt  }
.Lfunc_end0:
.L_simem_size_0:
called_computation_lowered:
.L_overlay_start_0:
0x88: {  	s2 =	sld [smem:$0x3FD9]  }
0x89: {  	s3 =	sld [smem:$0x3FFE];
	_ =	sdelay $0x1  }
0x8a: {  	s1 =	srdreg.scid  }
0x8b: {  	s0 =	sand.u32 $0x1, s1  }
0x8c: {  	s17 =	sshll.u32 s0, $0xA;
	s2 =	sadd.s32 s3, s2  }
0x8d: {  	s2 =	sadd.s32 s2, s17  }
0x8e: {  	[smem:$0x3FB8] =	sst s2  }
0x8f: {  	_ = 	snop  }
0x90: {  	s2 =	sld [smem:$0x3FC9];
	(tm) =	ssettm $0x1  }
0x91: {  	s18 =	sld [smem:$0x3FFB];
	_ =	sdelay $0x3  }
0x92: {  	_ =	strace s18  }
0x93: {  	s3 =	sld [smem:$0x3FFC];
	_ =	sdelay $0x3  }
0x94: {  	_ =	strace s3  }
0x95: {  	s3 =	sld [smem:$0x3FFD];
	_ =	sdelay $0x3  }
0x96: {  	_ =	strace s3  }
0x97: {  	_ =	strace $0x8FFFFFFF  }
0x98: {  	s19 =	sld [smem:$0x3FDB];
	_ =	sdelay $0x1  }
0x99: {  	s4 =	simm.s32 $_scs_section_size  }
0x9a: {  	s5 =	simm.s32 $_size__tile_overlayer_lowered;
	s6 =	simm.s32 $_tile_overlayer_lowered  }
0x9b: {  	s22 =	simm.s32 $0x1BFF;
	s21 =	sshll.u32 s6, $0x1;
	s3 =	sadd.s32 s4, s19  }
0x9c: {  	s7 =	simm.s32 $0x0;
	s20 =	sshll.u32 s5, $0x1;
	s5 =	sadd.s32 s21, s3  }
0x9d: {  	[timem:s7], [sflag:s22] =	dma.local [hbm:s5], s20  }
0x9e: {  	_ =	swait.ge [sflag:s22], s20  }
0x9f: {  	s4 =	ssub.s32 $0x0, s20;
	[sflag:s22] =	ssyncset.done $0x0  }
0xa0: {  	[sflag:s22] =	ssyncadd.s32 s4;
	_ =	sdelay $0x1  }
0xa1: {  	s23 =	simm.s32 $0x1B8B  }
0xa2: {  	_ =	swait.ge [sflag:s23], $0x1  }
0xa3: {  	[sflag:s23] =	ssyncset.done $0x0  }
0xa4: {  	s25 =	simm.s32 $0x1B8E;
	s24 =	sld [smem:$0x3FFE];
	[sflag:s23] =	ssyncadd.s32 $0xFFFFFFFF  }
0xa5: {  	s26 =	simm.s32 $execute0_lowered;
	[smem:$0x3FD2] =	sst s25  }
0xa6: {  	s5 =	sshll.u32 s26, $0x1;
	_ =	strace $0x80000046;
	[dreg:$0x1] =	wrdreg $0xFFFFFFFF  }
0xa7: {  	s28 =	simm.s32 $_size_execute0_lowered;
	s3 =	sadd.s32 s3, s5;
	[dreg:$0x0] =	wrdreg $0x0  }
0xa8: {  	s5 =	sshll.u32 s28, $0x1;
	[dreg:$0x2] =	wrdreg s3  }
0xa9: {  	[dreg:$0x3] =	wrdreg s5  }
0xaa: {  	[dreg:$0x4] =	wrdreg $0xC0  }
0xab: {  	_ =	task [dreg:s7], $0x5FFFF  }
0xac: {  	[dreg:$0x1] =	wrdreg $0xFFFFFFFF  }
0xad: {  	[dreg:$0x0] =	wrdreg $0x60  }
0xae: {  	[dreg:$0x2] =	wrdreg s2  }
0xaf: {  	[dreg:$0x3] =	wrdreg s24  }
0xb0: {  	[dreg:$0x4] =	wrdreg $0xA8000  }
0xb1: {  	[dreg:$0x5] =	wrdreg $0x9  }
0xb2: {  	_ =	task.clear_ibuf [dreg:s7], $0x6FFFF;
	_ =	strace $0x90000046  }
0xb3: {  	s29 =	simm.s32 $0x9;
	_ =	strace $0x80000048  }
0xb4: {  	_ =	swait.ge [sflag:s29], $0x1  }
0xb5: {  	[sflag:s29] =	ssyncadd.s32 $0xFFFFFFFF  }
0xb6: {  	_ =	strace $0x90000048  }
0xb7: {  	_ =	sfence  }
0xb8: {  	s30 =	sld [smem:$0x0];
	_ =	sdelay $0x2  }
0xb9: {  	s31 =	sshll.u32 s1, $0xD;
	s1 =	sshrl.u32 s1, $0x2  }
0xba: {  	s3 =	sand.u32 $0x4000, s31;
	s1 =	sadd.s32 s1, s30  }
0xbb: {  	s0 =	sor.u32 s3, s0;
	s1 =	sshll.u32 s1, $0x11  }
0xbc: {  	s0 =	sor.u32 s1, s0  }
0xbd: {  	s0 =	sadd.s32 $0x8F2B, s0  }
0xbe: {  	[sflag:s0] =	ssyncadd.remote.s32 $0x1  }
0xbf: {  	_ =	sfence.sel $0xFFFF  }
0xc0: {  	[dreg:$0x0] =	wrdreg $0xFFFFFFFF;
	(pc) =	sbr.abs _section_cstart, $3  }
0xc1: {  	[dreg:$0x1] =	wrdreg $0xFFFFFFFF  }
0xc2: {  	_ =	task.clear_ibuf [dreg:s7], $0x2FFFF;
	_ =	strace $0x9FFFFFFF  }
0xc3: {  	(tm) =	ssettm $0x7FFFFFFF  }
tec
execute0_lowered:
.L_overlay_start_1:
0x0: {  	(tag) =	ssettag $0x1  }
0x1: {  	s1 =	rddreg [dreg:$0x0]  }
0x2: {  	s0 =	rddreg [dreg:$0x1]  }
0x3: {  	s2 =	rddreg [dreg:$0x2];
	s3 =	simm.s32 $0x0  }
0x4: {  	s5 =	srdreg.scid;
	s13 =	stileid.u32;
	s18 =	simm.s32 $0x80  }
0x5: {  	s19 =	simm.s32 $0x2800;
	s20 =	simm.s32 $0x3;
	s28 =	simm.s32 $0x1380  }
0x6: {  	s29 =	simm.s32 $0x2700;
	s30 =	simm.s32 $0x2780;
	s31 =	simm.s32 $0x0  }
0x7: {  	[smem:$0x7FF] =	sst s3;
	s6 =	sadd.s32 $0x4600, s0;
	s10 =	sadd.s32 $0xE600, s0  }
0x8: {  	s4 =	sadd.s32 $0x18600, s0;
	s7 =	sand.u32 $0x1, s5;
	s11 =	smul.u32 $0x4E000, s13  }
0x9: {  	s0 =	sadd.s32 $0x1AE00, s0;
	s16 =	sadd.s32 $0x138000, s2;
	s17 =	smul.u32 $0x13800, s13  }
0xa: {  	p0 =	sne.s32 s13, $0x0;
	_ =	strace $0x80000047;
	s8 =	sshll.u32 s7, $0x4  }
0xb: {  	s5 =	ssub.s32 $0x2, s7;
	s23 =	smul.u32 $0x138800, s7;
	s8 =	sor.u32 s13, s8  }
0xc: {  	s9 =	sshrl.u32 s5, $0x1;
	s11 =	sshrl.u32 s11, $0x2;
	s21 =	smul.u32 $0x500, s8  }
0xd: {  	s14 =	ssub.s32 s5, s9;
	s5 =	sshll.u32 s13, $0x6;
	s8 =	smul.u32 $0x2800, s8  }
0xe: {  	s15 =	sadd.s32 s11, s2;
	s25 =	sadd.s32 s17, s23;
	s11 =	sshrl.u32 s23, $0x3  }
0xf: {  	s17 =	simm.s32 $0x1400;
	s23 =	simm.s32 $0x100;
	s22 =	sor.u32 $0x1C03, s5  }
0x10: {  	s26 =	sadd.s32 s0, s11;
	s13 =	smax.u32 s14, $0x1;
	s14 =	sshrl.u32 s15, $0x3  }
0x11: {  	s15 =	sshrl.u32 @!p0 s16, $0x3;
	s16 =	simm.s32 $0x5;
	[dreg:$0x4] =	wrdreg s22  }
0x12: {  	s12 =	sshrl.u32 s8, $0x3;
	s24 =	sadd.s32 s6, s21;
	s8 =	sadd.s32 s10, s21  }
0x13: {  	s21 =	simm.s32 $0x6800;
	s22 =	simm.s32 $0x1;
	s12 =	sadd.s32 $0x280, s12  }
0x14: {  	[dreg:$0x5] =	wrdreg s24;
	s24 =	simm.s32 $0x2;
	s9 =	sadd.s32 s6, s12  }
0x15: {  	s10 =	sadd.s32 s10, s12;
	s6 =	sshrl.u32 s25, $0x3;
	s12 =	sadd.s32 $0x27000, s26  }
0x16: {  	s25 =	simm.s32 $0x1480;
	s26 =	simm.s32 $0x4;
	s11 =	sadd.s32 s0, s6  }
.LBB2_1:
0x17: {  	s0 =	rddreg [dreg:$0x4]  }
0x18: {  	[spmem:s14], [sflag:s0] =	dma.local [hbm:s4], $0x2700  }
0x19: {  	s0 =	simm.s32 @!p0 $0x1C04  }
0x1a: {  	[spmem:s15], [sflag:s0] =	dma.local @!p0 [hbm:s4], $0x180  }
0x1b: {  	s0 =	rddreg [dreg:$0x5]  }
0x1c: {  	[tilespmem:s3], [sflag:$0x5] =	stream.linear.gather [hbm4b:s0+s3], $0x1400, $0x38;
	[tilespmem:$0x1E0C0] =	vst v63  }
0x1d: {  	_ =	swait.ge [sflag:s16], $0x1400  }
0x1e: {  	[sflag:s16] =	ssyncset.done $0x0  }
0x1f: {  	[sflag:s16] =	ssyncadd.s32 $0xFFFFEC00  }
0x20: {  	[tilespmem:s17], [sflag:$0x5] =	stream.linear.gather [hbm4b:s8+s3], $0x1400, $0x38;
	[tilespmem:$0x1E0C0] =	vst v63  }
0x21: {  	_ =	swait.ge [sflag:s16], $0x1400  }
0x22: {  	[sflag:s16] =	ssyncset.done $0x0  }
0x23: {  	[sflag:s16] =	ssyncadd.s32 $0xFFFFEC00  }
0x24: {  	[tilespmem:s19], [sflag:$0x1] =	stream.indirect.gather [hbm4b:s1+s18], $0x80, s3, s18, $0xb8;
	[tilespmem:$0x1E0C0] =	vst v63  }
0x25: {  	_ =	swait.ge [sflag:s20], $0x2700  }
0x26: {  	[sflag:s20] =	ssyncset.done $0x0  }
0x27: {  	s0 =	simm.s32 @!p0 $0x4;
	[sflag:s20] =	ssyncadd.s32 $0xFFFFD900  }
0x28: {  	_ =	swait.ge @!p0 [sflag:s0], $0x180  }
0x29: {  	[sflag:s0] =	ssyncset.done @!p0 $0x0  }
0x2a: {  	[sflag:s0] =	ssyncadd.s32 @!p0 $0xFFFFFE80  }
0x2b: {  	[bflag:$0x0] =	sbarrier.arrive $0xFFFF  }
0x2c: {  	[tilespmem:s21], [sflag:$0x2] =	stream.indirect.gather [hbm4b:s1+s18], $0x80, s18, s18, $0xb8;
	[tilespmem:$0x1E0C0] =	vst v63  }
0x2d: {  	_ =	swait.ge [sflag:s22], $0x4000  }
0x2e: {  	[sflag:s22] =	ssyncset.done $0x0  }
0x2f: {  	[sflag:s22] =	ssyncadd.s32 $0xFFFFC000  }
0x30: {  	[spmem:s2] =	stream.indirect.scatter.add.f32 [tilespmem:s19], [sflag:$0x3], $0x80, s17, s18, $0xb8;
	[tilespmem:$0x1E0C0] =	vst v63  }
0x31: {  	_ =	swait.ge [sflag:s20], $0x4000  }
0x32: {  	[sflag:s20] =	ssyncset.done $0x0  }
0x33: {  	[sflag:s20] =	ssyncadd.s32 $0xFFFFC000  }
0x34: {  	[tilespmem:s19], [sflag:$0x1] =	stream.indirect.gather [hbm4b:s1+s18], $0x80, s23, s18, $0xb8;
	[tilespmem:$0x1E0C0] =	vst v63  }
0x35: {  	_ =	swait.ge [sflag:s24], $0x4000  }
0x36: {  	[sflag:s24] =	ssyncset.done $0x0  }
0x37: {  	[sflag:s24] =	ssyncadd.s32 $0xFFFFC000  }
0x38: {  	[spmem:s2] =	stream.indirect.scatter.add.f32 [tilespmem:s21], [sflag:$0x4], $0x80, s25, s18, $0xb8;
	[tilespmem:$0x1E0C0] =	vst v63  }
0x39: {  	_ =	swait.ge [sflag:s26], $0x4000  }
0x3a: {  	[sflag:s26] =	ssyncset.done $0x0  }
0x3b: {  	s7 =	simm.s32 $0x180;
	[sflag:s26] =	ssyncadd.s32 $0xFFFFC000  }
0x3c: {  	[tilespmem:s21], [sflag:$0x2] =	stream.indirect.gather [hbm4b:s1+s18], $0x80, s7, s18, $0xb8;
	[tilespmem:$0x1E0C0] =	vst v63  }
0x3d: {  	_ =	swait.ge [sflag:s22], $0x4000  }
0x3e: {  	[sflag:s22] =	ssyncset.done $0x0  }
0x3f: {  	s6 =	simm.s32 $0x1500;
	[sflag:s22] =	ssyncadd.s32 $0xFFFFC000  }
0x40: {  	[spmem:s2] =	stream.indirect.scatter.add.f32 [tilespmem:s19], [sflag:$0x3], $0x80, s6, s18, $0xb8;
	[tilespmem:$0x1E0C0] =	vst v63  }
0x41: {  	_ =	swait.ge [sflag:s20], $0x4000  }
0x42: {  	[sflag:s20] =	ssyncset.done $0x0  }
0x43: {  	s7 =	simm.s32 $0x200;
	[sflag:s20] =	ssyncadd.s32 $0xFFFFC000  }
0x44: {  	[tilespmem:s19], [sflag:$0x1] =	stream.indirect.gather [hbm4b:s1+s18], $0x80, s7, s18, $0xb8;
	[tilespmem:$0x1E0C0] =	vst v63  }
0x45: {  	_ =	swait.ge [sflag:s24], $0x4000  }
0x46: {  	[sflag:s24] =	ssyncset.done $0x0  }
0x47: {  	s0 =	simm.s32 $0xFFFFBC00;
	s6 =	simm.s32 $0x1580;
	[sflag:s24] =	ssyncadd.s32 $0xFFFFC000  }
.LBB2_2:
0x48: {  	[spmem:s2] =	stream.indirect.scatter.add.f32 [tilespmem:s21], [sflag:$0x4], $0x80, s6, s18, $0xb8;
	[tilespmem:$0x1E0C0] =	vst v63  }
0x49: {  	s6 =	smov.u32 s0  }
0x4a: {  	p1 =	sne.s32 s0, $0xFFFFFC00;
	s0 =	sadd.s32 $0x400, s0;
	_ =	swait.ge [sflag:s26], $0x4000  }
0x4b: {  	s6 =	sshra.s32 s6, $0x2;
	[sflag:s26] =	ssyncset.done $0x0  }
0x4c: {  	s7 =	sadd.s32 $0x1380, s6;
	[sflag:s26] =	ssyncadd.s32 $0xFFFFC000  }
0x4d: {  	[tilespmem:s21], [sflag:$0x2] =	stream.indirect.gather [hbm4b:s1+s18], $0x80, s7, s18, $0xb8;
	[tilespmem:$0x1E0C0] =	vst v63  }
0x4e: {  	_ =	swait.ge [sflag:s22], $0x4000  }
0x4f: {  	[sflag:s22] =	ssyncset.done $0x0  }
0x50: {  	s7 =	sadd.s32 $0x2700, s6;
	[sflag:s22] =	ssyncadd.s32 $0xFFFFC000  }
0x51: {  	[spmem:s2] =	stream.indirect.scatter.add.f32 [tilespmem:s19], [sflag:$0x3], $0x80, s7, s18, $0xb8;
	[tilespmem:$0x1E0C0] =	vst v63  }
0x52: {  	_ =	swait.ge [sflag:s20], $0x4000  }
0x53: {  	[sflag:s20] =	ssyncset.done $0x0  }
.Ltmp0:
0x54: {  	s7 =	sadd.s32 $0x1400, s6;
	[sflag:s20] =	ssyncadd.s32 $0xFFFFC000;
	(pc) =	sbr.rel @p1 .LBB2_2-.Ltmp0, $4  }
0x55: {  	[tilespmem:s19], [sflag:$0x1] =	stream.indirect.gather [hbm4b:s1+s18], $0x80, s7, s18, $0xb8;
	[tilespmem:$0x1E0C0] =	vst v63  }
0x56: {  	_ =	swait.ge [sflag:s24], $0x4000  }
0x57: {  	[sflag:s24] =	ssyncset.done $0x0  }
0x58: {  	s6 =	sadd.s32 $0x2780, s6;
	[sflag:s24] =	ssyncadd.s32 $0xFFFFC000  }
0x59: {  	[spmem:s2] =	stream.indirect.scatter.add.f32 [tilespmem:s21], [sflag:$0x4], $0x80, s6, s18, $0xb8;
	[tilespmem:$0x1E0C0] =	vst v63  }
0x5a: {  	_ =	swait.ge [sflag:s26], $0x4000  }
0x5b: {  	[sflag:s26] =	ssyncset.done $0x0  }
0x5c: {  	[sflag:s26] =	ssyncadd.s32 $0xFFFFC000  }
0x5d: {  	[tilespmem:s21], [sflag:$0x2] =	stream.indirect.gather [hbm4b:s1+s18], $0x80, s28, s18, $0xb8;
	[tilespmem:$0x1E0C0] =	vst v63  }
0x5e: {  	_ =	swait.ge [sflag:s22], $0x4000  }
0x5f: {  	[sflag:s22] =	ssyncset.done $0x0  }
0x60: {  	[sflag:s22] =	ssyncadd.s32 $0xFFFFC000  }
0x61: {  	[spmem:s2] =	stream.indirect.scatter.add.f32 [tilespmem:s19], [sflag:$0x3], $0x80, s29, s18, $0xb8;
	[tilespmem:$0x1E0C0] =	vst v63  }
0x62: {  	_ =	swait.ge [sflag:s20], $0x4000  }
0x63: {  	[sflag:s20] =	ssyncset.done $0x0  }
0x64: {  	[sflag:s20] =	ssyncadd.s32 $0xFFFFC000  }
0x65: {  	_ =	swait.ge [sflag:s24], $0x4000  }
0x66: {  	[sflag:s24] =	ssyncset.done $0x0  }
0x67: {  	[sflag:s24] =	ssyncadd.s32 $0xFFFFC000  }
0x68: {  	[spmem:s2] =	stream.indirect.scatter.add.f32 [tilespmem:s21], [sflag:$0x4], $0x80, s30, s18, $0xb8;
	[tilespmem:$0x1E0C0] =	vst v63  }
0x69: {  	_ =	swait.ge [sflag:s26], $0x4000  }
0x6a: {  	[sflag:s26] =	ssyncset.done $0x0  }
0x6b: {  	[sflag:s26] =	ssyncadd.s32 $0xFFFFC000  }
0x6c: {  	[tilespmem:s3], [sflag:$0x5] =	stream.linear.gather [hbm4b:s9+s3], $0x1400, $0x38;
	[tilespmem:$0x1E0C0] =	vst v63  }
0x6d: {  	_ =	swait.ge [sflag:s16], $0x1400  }
0x6e: {  	[sflag:s16] =	ssyncset.done $0x0  }
0x6f: {  	[sflag:s16] =	ssyncadd.s32 $0xFFFFEC00  }
0x70: {  	[tilespmem:s17], [sflag:$0x5] =	stream.linear.gather [hbm4b:s10+s3], $0x1400, $0x38;
	[tilespmem:$0x1E0C0] =	vst v63  }
0x71: {  	_ =	swait.ge [sflag:s16], $0x1400  }
0x72: {  	[sflag:s16] =	ssyncset.done $0x0  }
0x73: {  	[sflag:s16] =	ssyncadd.s32 $0xFFFFEC00  }
0x74: {  	[tilespmem:s19], [sflag:$0x1] =	stream.indirect.gather [hbm4b:s1+s18], $0x80, s3, s18, $0xb8;
	[tilespmem:$0x1E0C0] =	vst v63  }
0x75: {  	_ = 	snop  }
0x76: {  	[tilespmem:s21], [sflag:$0x2] =	stream.indirect.gather [hbm4b:s1+s18], $0x80, s18, s18, $0xb8;
	[tilespmem:$0x1E0C0] =	vst v63  }
0x77: {  	_ =	swait.ge [sflag:s22], $0x4000  }
0x78: {  	[sflag:s22] =	ssyncset.done $0x0  }
0x79: {  	[sflag:s22] =	ssyncadd.s32 $0xFFFFC000  }
0x7a: {  	[spmem:s2] =	stream.indirect.scatter.add.f32 [tilespmem:s19], [sflag:$0x3], $0x80, s17, s18, $0xb8;
	[tilespmem:$0x1E0C0] =	vst v63  }
0x7b: {  	_ =	swait.ge [sflag:s20], $0x4000  }
0x7c: {  	[sflag:s20] =	ssyncset.done $0x0  }
0x7d: {  	[sflag:s20] =	ssyncadd.s32 $0xFFFFC000  }
0x7e: {  	[tilespmem:s19], [sflag:$0x1] =	stream.indirect.gather [hbm4b:s1+s18], $0x80, s23, s18, $0xb8;
	[tilespmem:$0x1E0C0] =	vst v63  }
0x7f: {  	_ =	swait.ge [sflag:s24], $0x4000  }
0x80: {  	[sflag:s24] =	ssyncset.done $0x0  }
0x81: {  	[sflag:s24] =	ssyncadd.s32 $0xFFFFC000  }
0x82: {  	[spmem:s2] =	stream.indirect.scatter.add.f32 [tilespmem:s21], [sflag:$0x4], $0x80, s25, s18, $0xb8;
	[tilespmem:$0x1E0C0] =	vst v63  }
0x83: {  	_ =	swait.ge [sflag:s26], $0x4000  }
0x84: {  	[sflag:s26] =	ssyncset.done $0x0  }
0x85: {  	s0 =	simm.s32 $0x180;
	[sflag:s26] =	ssyncadd.s32 $0xFFFFC000  }
0x86: {  	[tilespmem:s21], [sflag:$0x2] =	stream.indirect.gather [hbm4b:s1+s18], $0x80, s0, s18, $0xb8;
	[tilespmem:$0x1E0C0] =	vst v63  }
0x87: {  	_ =	swait.ge [sflag:s22], $0x4000  }
0x88: {  	[sflag:s22] =	ssyncset.done $0x0  }
0x89: {  	s6 =	simm.s32 $0x1500;
	[sflag:s22] =	ssyncadd.s32 $0xFFFFC000  }
0x8a: {  	[spmem:s2] =	stream.indirect.scatter.add.f32 [tilespmem:s19], [sflag:$0x3], $0x80, s6, s18, $0xb8;
	[tilespmem:$0x1E0C0] =	vst v63  }
0x8b: {  	_ =	swait.ge [sflag:s20], $0x4000  }
0x8c: {  	[sflag:s20] =	ssyncset.done $0x0  }
0x8d: {  	s7 =	simm.s32 $0x200;
	[sflag:s20] =	ssyncadd.s32 $0xFFFFC000  }
0x8e: {  	[tilespmem:s19], [sflag:$0x1] =	stream.indirect.gather [hbm4b:s1+s18], $0x80, s7, s18, $0xb8;
	[tilespmem:$0x1E0C0] =	vst v63  }
0x8f: {  	_ =	swait.ge [sflag:s24], $0x4000  }
0x90: {  	[sflag:s24] =	ssyncset.done $0x0  }
0x91: {  	s0 =	simm.s32 $0xFFFFBC00;
	s6 =	simm.s32 $0x1580;
	[sflag:s24] =	ssyncadd.s32 $0xFFFFC000  }
.LBB2_4:
0x92: {  	[spmem:s2] =	stream.indirect.scatter.add.f32 [tilespmem:s21], [sflag:$0x4], $0x80, s6, s18, $0xb8;
	[tilespmem:$0x1E0C0] =	vst v63  }
0x93: {  	s6 =	smov.u32 s0  }
0x94: {  	p1 =	sne.s32 s0, $0xFFFFFC00;
	s0 =	sadd.s32 $0x400, s0;
	_ =	swait.ge [sflag:s26], $0x4000  }
0x95: {  	s6 =	sshra.s32 s6, $0x2;
	[sflag:s26] =	ssyncset.done $0x0  }
0x96: {  	s7 =	sadd.s32 $0x1380, s6;
	[sflag:s26] =	ssyncadd.s32 $0xFFFFC000  }
0x97: {  	[tilespmem:s21], [sflag:$0x2] =	stream.indirect.gather [hbm4b:s1+s18], $0x80, s7, s18, $0xb8;
	[tilespmem:$0x1E0C0] =	vst v63  }
0x98: {  	_ =	swait.ge [sflag:s22], $0x4000  }
0x99: {  	[sflag:s22] =	ssyncset.done $0x0  }
0x9a: {  	s7 =	sadd.s32 $0x2700, s6;
	[sflag:s22] =	ssyncadd.s32 $0xFFFFC000  }
0x9b: {  	[spmem:s2] =	stream.indirect.scatter.add.f32 [tilespmem:s19], [sflag:$0x3], $0x80, s7, s18, $0xb8;
	[tilespmem:$0x1E0C0] =	vst v63  }
0x9c: {  	_ =	swait.ge [sflag:s20], $0x4000  }
0x9d: {  	[sflag:s20] =	ssyncset.done $0x0  }
.Ltmp1:
0x9e: {  	s7 =	sadd.s32 $0x1400, s6;
	[sflag:s20] =	ssyncadd.s32 $0xFFFFC000;
	(pc) =	sbr.rel @p1 .LBB2_4-.Ltmp1, $4  }
0x9f: {  	[tilespmem:s19], [sflag:$0x1] =	stream.indirect.gather [hbm4b:s1+s18], $0x80, s7, s18, $0xb8;
	[tilespmem:$0x1E0C0] =	vst v63  }
0xa0: {  	_ =	swait.ge [sflag:s24], $0x4000  }
0xa1: {  	[sflag:s24] =	ssyncset.done $0x0  }
0xa2: {  	s6 =	sadd.s32 $0x2780, s6;
	[sflag:s24] =	ssyncadd.s32 $0xFFFFC000  }
0xa3: {  	[spmem:s2] =	stream.indirect.scatter.add.f32 [tilespmem:s21], [sflag:$0x4], $0x80, s6, s18, $0xb8;
	[tilespmem:$0x1E0C0] =	vst v63  }
0xa4: {  	_ =	swait.ge [sflag:s26], $0x4000  }
0xa5: {  	[sflag:s26] =	ssyncset.done $0x0  }
0xa6: {  	[sflag:s26] =	ssyncadd.s32 $0xFFFFC000  }
0xa7: {  	[tilespmem:s21], [sflag:$0x2] =	stream.indirect.gather [hbm4b:s1+s18], $0x80, s28, s18, $0xb8;
	[tilespmem:$0x1E0C0] =	vst v63  }
0xa8: {  	_ =	swait.ge [sflag:s22], $0x4000  }
0xa9: {  	[sflag:s22] =	ssyncset.done $0x0  }
0xaa: {  	[sflag:s22] =	ssyncadd.s32 $0xFFFFC000  }
0xab: {  	[spmem:s2] =	stream.indirect.scatter.add.f32 [tilespmem:s19], [sflag:$0x3], $0x80, s29, s18, $0xb8;
	[tilespmem:$0x1E0C0] =	vst v63  }
0xac: {  	_ =	swait.ge [sflag:s20], $0x4000  }
0xad: {  	[sflag:s20] =	ssyncset.done $0x0  }
0xae: {  	[sflag:s20] =	ssyncadd.s32 $0xFFFFC000  }
0xaf: {  	_ =	swait.ge [sflag:s24], $0x4000  }
0xb0: {  	[sflag:s24] =	ssyncset.done $0x0  }
0xb1: {  	[sflag:s24] =	ssyncadd.s32 $0xFFFFC000  }
0xb2: {  	[spmem:s2] =	stream.indirect.scatter.add.f32 [tilespmem:s21], [sflag:$0x4], $0x80, s30, s18, $0xb8;
	[tilespmem:$0x1E0C0] =	vst v63  }
0xb3: {  	_ =	swait.ge [sflag:s26], $0x4000  }
0xb4: {  	[sflag:s26] =	ssyncset.done $0x0  }
0xb5: {  	[sflag:s26] =	ssyncadd.s32 $0xFFFFC000  }
0xb6: {  	s0 =	sor.u32 $0x1C05, s5;
	[bflag:$0x0] =	sbarrier.arrive $0xFFFF  }
0xb7: {  	[hbm:s11], [sflag:s0] =	dma.local [spmem:s14], $0x2700  }
0xb8: {  	_ =	swait.ge [sflag:s16], $0x2700  }
0xb9: {  	s31 =	sadd.s32 $0x1, s31;
	[sflag:s16] =	ssyncset.done $0x0  }
0xba: {  	p1 =	sne.s32 s31, s13;
	[sflag:s16] =	ssyncadd.s32 $0xFFFFD900  }
0xbb: {  	[hbm:s12], [sflag:s0] =	dma.local @!p0 [spmem:s15], $0x100  }
.Ltmp2:
0xbc: {  	_ = 	snop;
	(pc) =	sbr.rel @p1 .LBB2_1-.Ltmp2, $4  }
0xbd: {  	s0 =	simm.s32 @!p0 $0x5  }
0xbe: {  	_ =	swait.ge @!p0 [sflag:s0], $0x100  }
0xbf: {  	[sflag:s0] =	ssyncset.done @!p0 $0x0  }
0xc0: {  	[sflag:s0] =	ssyncadd.s32 @!p0 $0xFFFFFF00  }
0xc1: {  	_ =	sfence.sel $0x180000  }
0xc2: {  	[bflag:$0x0] =	sbarrier.arrive $0xFFFF  }
0xc3: {  	_ =	strace $0x90000047  }
0xc4: {  	[bflag:$0x2] =	sbarrier.arrive $0xFFFF  }
0xc5: {  	s0 =	rddreg [dreg:$0x3]  }
0xc6: {  	s0 =	sadd.s32 @!p0 $0x100000, s0  }
0xc7: {  	[sflag:s0] =	ssyncadd.tile.s32 @!p0 $0x1;
	_ =	shalt  }
.Lfunc_end2:
_tile_overlayer_lowered:
.L_overlay_start_2:
0xc8: {  	(tag) =	ssettag $0x2  }
0xc9: {  	s0 =	rddreg [dreg:$0x0];
	s2 =	stileid.u32  }
0xca: {  	s1 =	rddreg [dreg:$0x1];
	p0 =	sne.s32 s2, $0x0  }
0xcb: {  	s3 =	rddreg [dreg:$0x2];
	[bflag:$0x3] =	sbarrier.arrive $0xFFFF;
	s2 =	simm.s32 @!p0 $0x1C05  }
0xcc: {  	[timem:s3], [sflag:s2] =	dma.local @!p0 [hbm:s0], s1  }
0xcd: {  	s0 =	simm.s32 @!p0 $0x5  }
0xce: {  	_ =	swait.ge @!p0 [sflag:s0], s1  }
0xcf: {  	s1 =	ssub.s32 @!p0 $0x0, s1;
	[sflag:s0] =	ssyncset.done @!p0 $0x0  }
0xd0: {  	[sflag:s0] =	ssyncadd.s32 @!p0 s1  }
0xd1: {  	[bflag:$0x3] =	sbarrier.arrive $0xFFFF  }
0xd2: {  	_ =	shalt  }

</sc_bundles>
